<compile_context>
chip_gen: v7x
topology: tpu7x:2x2x1
jax: 0.10.2.dev20260603
libtpu: 0.0.44.dev20260713+nightly
codegen_flags: <defaults>
</compile_context>

<pallas_src>
import functools

import jax
import jax.numpy as jnp
from jax import lax
from jax.experimental import pallas as pl
from jax.experimental.pallas import tpu as pltpu
from jax.experimental.pallas import tpu_sc as plsc

N_NODES = 10000
N_EDGES = 320000
D = 128
DH = D // 2

NC = 2
NS = 16
CB = 128
NBUF = 3
KA = 1
G = 16
K = G * (-(-N_EDGES // (NS * CB * G)))
NG = K // G
E_PAD = NS * K * CB
N_PAD = 10240
RPT = N_PAD // NS


def _sc_aggregate(x2cat, src4, dst4, zeros):
    mesh = plsc.VectorSubcoreMesh(core_axis_name="c", subcore_axis_name="s")

    @functools.partial(
        pl.kernel,
        out_type=(
            jax.ShapeDtypeStruct((NC, N_PAD, DH), jnp.float32),
            jax.ShapeDtypeStruct((NC, NS, N_PAD), jnp.float32),
        ),
        mesh=mesh,
        compiler_params=pltpu.CompilerParams(use_tc_tiling_on_sc=False,
                                             needs_layout_passes=False),
        scratch_types=[
            pltpu.VMEM((G, CB), jnp.int32),
            pltpu.VMEM((G, CB), jnp.int32),
            pltpu.VMEM((NBUF, CB, DH), jnp.float32),
            pltpu.VMEM((N_PAD,), jnp.float32),
            pltpu.VMEM_SHARED((N_PAD, DH), jnp.float32),
            pltpu.VMEM_SHARED((N_PAD, DH), jnp.float32),
            pltpu.SemaphoreType.DMA((NBUF,)),
            pltpu.SemaphoreType.DMA((NBUF,)),
        ],
    )
    def agg_kernel(x_hbm, src_hbm, dst_hbm, z_hbm, agg_out, deg_out,
                   src_v, dst_v, rows_v, dloc_v, xc_s, agg_s, gsem, ssem):
        c = lax.axis_index("c")
        s = lax.axis_index("s")
        row0 = s * RPT

        pltpu.sync_copy(x_hbm.at[pl.ds(c * N_PAD + row0, RPT)],
                        xc_s.at[pl.ds(row0, RPT)])
        pltpu.sync_copy(z_hbm, agg_s.at[pl.ds(row0, RPT)])

        def zinit(k, carry):
            dloc_v[pl.ds(k * 16, 16)] = jnp.zeros((16,), jnp.float32)
            return carry

        lax.fori_loop(0, N_PAD // 16, zinit, 0)

        ones16 = jnp.ones((16,), jnp.float32)

        plsc.subcore_barrier()

        def group(g, carry):
            base = g * G
            pltpu.sync_copy(src_hbm.at[s, pl.ds(base, G)], src_v)
            pltpu.sync_copy(dst_hbm.at[s, pl.ds(base, G)], dst_v)
            for b in range(NBUF - KA):
                pltpu.async_copy(xc_s.at[src_v.at[b]], rows_v.at[b],
                                 gsem.at[b])
            for i in range(G):
                b = i % NBUF
                pltpu.make_async_copy(
                    xc_s.at[src_v.at[i]], rows_v.at[b], gsem.at[b]).wait()
                pltpu.async_copy(rows_v.at[b], agg_s.at[dst_v.at[i]],
                                 ssem.at[b], add=True)
                ni = i + NBUF - KA
                if ni < G:
                    nb = ni % NBUF
                    if i >= KA:
                        pltpu.make_async_copy(
                            rows_v.at[nb], agg_s.at[dst_v.at[i - KA]],
                            ssem.at[nb]).wait()
                    pltpu.async_copy(xc_s.at[src_v.at[ni]], rows_v.at[nb],
                                     gsem.at[nb])
                for r in range(CB // 16):
                    dv = dst_v[i, pl.ds(r * 16, 16)]
                    plsc.addupdate_scatter(dloc_v, [dv], ones16)
            for i in range(G - NBUF, G):
                pltpu.make_async_copy(
                    rows_v.at[i % NBUF], agg_s.at[dst_v.at[i]],
                    ssem.at[i % NBUF]).wait()
            return carry

        lax.fori_loop(0, NG, group, 0)

        pltpu.sync_copy(dloc_v, deg_out.at[c, s])

        plsc.subcore_barrier()

        pltpu.sync_copy(agg_s.at[pl.ds(row0, RPT)],
                        agg_out.at[c, pl.ds(row0, RPT)])

    return agg_kernel(x2cat, src4, dst4, zeros)


def _tc_update(agg2, deg2, x_pad, W, B):
    BR = 512
    grid = (N_PAD // BR,)

    def body(agg_ref, deg_ref, x_ref, w_ref, b_ref, o_ref):
        agg = jnp.concatenate([agg_ref[0], agg_ref[1]], axis=1)
        dg = jnp.sum(deg_ref[...], axis=(0, 1)) * 0.5
        dg = jnp.where(dg == 0.0, 1.0, dg)
        aggn = agg / dg[:, None]
        mm1 = lax.dot_general(aggn, w_ref[...], (((1,), (1,)), ((), ())),
                              preferred_element_type=jnp.float32)
        mm2 = lax.dot_general(x_ref[...], b_ref[...], (((1,), (1,)), ((), ())),
                              preferred_element_type=jnp.float32)
        o_ref[...] = mm1 + mm2

    return pl.pallas_call(
        body,
        grid=grid,
        in_specs=[
            pl.BlockSpec((NC, BR, DH), lambda i: (0, i, 0)),
            pl.BlockSpec((NC, NS, BR), lambda i: (0, 0, i)),
            pl.BlockSpec((BR, D), lambda i: (i, 0)),
            pl.BlockSpec((D, D), lambda i: (0, 0)),
            pl.BlockSpec((D, D), lambda i: (0, 0)),
        ],
        out_specs=pl.BlockSpec((BR, D), lambda i: (i, 0)),
        out_shape=jax.ShapeDtypeStruct((N_PAD, D), jnp.float32),
    )(agg2, deg2, x_pad, W, B)


def kernel(x, edge_index, W, B):
    src = edge_index[0].astype(jnp.int32)
    dst = edge_index[1].astype(jnp.int32)
    pad = E_PAD - N_EDGES
    src = jnp.concatenate([src, jnp.zeros((pad,), jnp.int32)])
    dst = jnp.concatenate([dst, jnp.full((pad,), N_NODES, jnp.int32)])
    src4 = src.reshape(NS, K, CB)
    dst4 = dst.reshape(NS, K, CB)

    x_pad = jnp.zeros((N_PAD, D), jnp.float32).at[:N_NODES].set(x)
    x2cat = x_pad.reshape(N_PAD, 2, DH).swapaxes(0, 1).reshape(2 * N_PAD, DH)
    zeros = jnp.zeros((RPT, DH), jnp.float32)

    agg2, deg2 = _sc_aggregate(x2cat, src4, dst4, zeros)
    out = _tc_update(agg2, deg2, x_pad, W, B)
    return out[:N_NODES]

# --- scband reference (transcript-rebuilt; emitter-appended) ---
"""Pipeline reference for scband-message-graph-convolution-31671088841315 (READ-ONLY COPY).

The authoritative reference and input builder live on the scoring server;
editing this copy changes nothing except your own understanding.
"""

import jax, jax.numpy as jnp
import numpy as np

N_NODES = 10000
N_EDGES = 320000
D_IN = 128
D_OUT = 128


def setup_inputs(seed: int = 0) -> dict:
    key = jax.random.key(seed)
    k1, k2, k3, k4 = jax.random.split(key, 4)
    x = jax.random.normal(k1, (N_NODES, D_IN), dtype=jnp.float32)
    edge_index = jax.random.randint(k2, (2, N_EDGES), 0, N_NODES, dtype=jnp.int64)
    # Xavier-uniform-like init for W; B is zeros in the original module but we use
    # small random values so the parameter participates nontrivially.
    limit = float(np.sqrt(6.0 / (D_IN + D_OUT)))
    W = jax.random.uniform(k3, (D_OUT, D_IN), minval=-limit, maxval=limit, dtype=jnp.float32)
    B = jax.random.normal(k4, (D_OUT, D_IN), dtype=jnp.float32) * 0.02
    return {"x": x, "edge_index": edge_index, "W": W, "B": B}


def reference(x, edge_index, W, B):
    num_nodes = x.shape[0]
    sources = edge_index[0]
    destinations = edge_index[1]
    # message: gather source node features
    messages = x[sources]
    # aggregate: scatter-add into destination nodes
    aggregated = jnp.zeros_like(x).at[destinations].add(messages)
    # mean normalization by in-degree (0-degree -> 1)
    deg = jnp.bincount(destinations, length=num_nodes).astype(jnp.float32)
    deg = jnp.where(deg == 0.0, 1.0, deg)
    aggregated = aggregated / deg[:, None]
    # update: linear combine messages and self features
    out = aggregated @ W.T + x @ B.T
    return out

if __name__ == "__main__":
    import jax
    _d = setup_inputs()
    print(jax.jit(kernel)(*tuple(_d.values())))

</pallas_src>

<mosaic_0001>
#map = affine_map<(d0, d1) -> (0, 0)>
#map1 = affine_map<(d0, d1) -> (0, 0, 0)>
module attributes {stable_mosaic.version = 14 : i64} {
  func.func @agg_kernel(%arg0: i32, %arg1: i32, %arg2: memref<20480x64xf32, #tpu.memory_space<hbm>>, %arg3: memref<16x160x128xi32, #tpu.memory_space<hbm>>, %arg4: memref<16x160x128xi32, #tpu.memory_space<hbm>>, %arg5: memref<640x64xf32, #tpu.memory_space<hbm>>, %arg6: memref<2x10240x64xf32, #tpu.memory_space<hbm>>, %arg7: memref<2x16x10240xf32, #tpu.memory_space<hbm>>, %arg8: memref<16x128xi32, #tpu.memory_space<vmem>>, %arg9: memref<16x128xi32, #tpu.memory_space<vmem>>, %arg10: memref<3x128x64xf32, #tpu.memory_space<vmem>>, %arg11: memref<10240xf32, #tpu.memory_space<vmem>>, %arg12: memref<10240x64xf32, #tpu.memory_space<vmem_shared>>, %arg13: memref<10240x64xf32, #tpu.memory_space<vmem_shared>>, %arg14: memref<3x!tpu.dma_semaphore, #tpu.memory_space<semaphore_mem>>, %arg15: memref<3x!tpu.dma_semaphore, #tpu.memory_space<semaphore_mem>>) attributes {dimension_semantics = [#tpu.dimension_semantics<core_parallel>, #tpu.dimension_semantics<subcore_parallel>], iteration_bounds = array<i64: 2, 16>, scalar_prefetch = 0 : i64, scratch_operands = 8 : i64, tpu.core_type = #tpu.core_type<sc_vector_subcore>, window_params = [{transform_indices = #map}, {transform_indices = #map1}, {transform_indices = #map1}, {transform_indices = #map}, {transform_indices = #map1}, {transform_indices = #map1}]} {
    %mul3A = arith.constant 640 : i32
    %mul3A_0 = arith.muli %arg1, %mul3A : i32
    %mul3A_1 = arith.constant 10240 : i32
    %mul3A_2 = arith.muli %arg0, %mul3A_1 : i32
    %add3A = arith.addi %mul3A_2, %mul3A_0 : i32
    "tpu.region"() ({
      %run_scoped3A = tpu.sem_alloc : memref<!tpu.dma_semaphore, #tpu.memory_space<semaphore_mem>>
      %dma_start3A = arith.constant 0 : i32
      %dma_start3A_16 = tpu.memref_slice %arg12[%mul3A_0, %dma_start3A] : memref<10240x64xf32, #tpu.memory_space<vmem_shared>> -> memref<640x64xf32, #tpu.memory_space<vmem_shared>>
      %dma_start3A_17 = arith.constant 0 : i32
      %dma_start3A_18 = tpu.memref_slice %arg2[%add3A, %dma_start3A_17] : memref<20480x64xf32, #tpu.memory_space<hbm>> -> memref<640x64xf32, #tpu.memory_space<hbm>>
      tpu.enqueue_dma source(%dma_start3A_18 : memref<640x64xf32, #tpu.memory_space<hbm>>) target(%dma_start3A_16 : memref<640x64xf32, #tpu.memory_space<vmem_shared>>) target_semaphore(%run_scoped3A : memref<!tpu.dma_semaphore, #tpu.memory_space<semaphore_mem>>)
      %dma_wait3A = arith.constant 0 : i32
      %dma_wait3A_19 = tpu.memref_slice %arg12[%mul3A_0, %dma_wait3A] : memref<10240x64xf32, #tpu.memory_space<vmem_shared>> -> memref<640x64xf32, #tpu.memory_space<vmem_shared>>
      %dma_wait3A_20 = arith.constant 0 : i32
      %dma_wait3A_21 = tpu.memref_slice %arg2[%add3A, %dma_wait3A_20] : memref<20480x64xf32, #tpu.memory_space<hbm>> -> memref<640x64xf32, #tpu.memory_space<hbm>>
      tpu.wait_dma2 semaphore(%run_scoped3A : memref<!tpu.dma_semaphore, #tpu.memory_space<semaphore_mem>>) src(%dma_wait3A_21 : memref<640x64xf32, #tpu.memory_space<hbm>>) dst(%dma_wait3A_19 : memref<640x64xf32, #tpu.memory_space<vmem_shared>>)
      tpu.yield
    }) : () -> ()
    "tpu.region"() ({
      %run_scoped3A = tpu.sem_alloc : memref<!tpu.dma_semaphore, #tpu.memory_space<semaphore_mem>>
      %dma_start3A = arith.constant 0 : i32
      %dma_start3A_16 = tpu.memref_slice %arg13[%mul3A_0, %dma_start3A] : memref<10240x64xf32, #tpu.memory_space<vmem_shared>> -> memref<640x64xf32, #tpu.memory_space<vmem_shared>>
      tpu.enqueue_dma source(%arg5 : memref<640x64xf32, #tpu.memory_space<hbm>>) target(%dma_start3A_16 : memref<640x64xf32, #tpu.memory_space<vmem_shared>>) target_semaphore(%run_scoped3A : memref<!tpu.dma_semaphore, #tpu.memory_space<semaphore_mem>>)
      %dma_wait3A = arith.constant 0 : i32
      %dma_wait3A_17 = tpu.memref_slice %arg13[%mul3A_0, %dma_wait3A] : memref<10240x64xf32, #tpu.memory_space<vmem_shared>> -> memref<640x64xf32, #tpu.memory_space<vmem_shared>>
      tpu.wait_dma2 semaphore(%run_scoped3A : memref<!tpu.dma_semaphore, #tpu.memory_space<semaphore_mem>>) src(%arg5 : memref<640x64xf32, #tpu.memory_space<hbm>>) dst(%dma_wait3A_17 : memref<640x64xf32, #tpu.memory_space<vmem_shared>>)
      tpu.yield
    }) : () -> ()
    %scan3A = arith.constant 0 : i32
    %scan3A_3 = arith.constant 0 : i32
    %scan3A_4 = arith.constant 640 : i32
    %scan3A_5 = arith.addi %scan3A_3, %scan3A_4 : i32
    %scan3A_6 = arith.constant 1 : i32
    scf.for %scan3A_16 = %scan3A_3 to %scan3A_5 step %scan3A_6  : i32 {
      %broadcast_in_dim3A_17 = arith.constant 0.000000e+00 : f32
      %broadcast_in_dim3A_18 = vector.broadcast %broadcast_in_dim3A_17 : f32 to vector<16xf32>
      %mul3A_19 = arith.constant 16 : i32
      %mul3A_20 = arith.muli %scan3A_16, %mul3A_19 : i32
      %swap3A = arith.index_cast %mul3A_20 : i32 to index
      %swap3A_21 = tpu.vector_load %arg11[%swap3A] {strides = array<i32>} : memref<10240xf32, #tpu.memory_space<vmem>>, vector<16xf32>,
      tpu.vector_store %arg11[%swap3A], %broadcast_in_dim3A_18 {strides = array<i32>} : memref<10240xf32, #tpu.memory_space<vmem>>, vector<16xf32>,
    }
    %scan3A_7 = arith.constant 640 : i32
    %broadcast_in_dim3A = arith.constant 1.000000e+00 : f32
    %broadcast_in_dim3A_8 = vector.broadcast %broadcast_in_dim3A : f32 to vector<16xf32>
    %barrier3A = arith.constant 0 : index
    tpu.barrier barrier_id(%barrier3A)
    %scan3A_9 = arith.constant 0 : i32
    %scan3A_10 = arith.constant 0 : i32
    %scan3A_11 = arith.constant 10 : i32
    %scan3A_12 = arith.addi %scan3A_10, %scan3A_11 : i32
    %scan3A_13 = arith.constant 1 : i32
    scf.for %scan3A_16 = %scan3A_10 to %scan3A_12 step %scan3A_13  : i32 {
      %mul3A_17 = arith.constant 16 : i32
      %mul3A_18 = arith.muli %scan3A_16, %mul3A_17 : i32
      "tpu.region"() ({
        %run_scoped3A = tpu.sem_alloc : memref<!tpu.dma_semaphore, #tpu.memory_space<semaphore_mem>>
        %dma_start3A_1488 = arith.constant 0 : i32
        %dma_start3A_1489 = tpu.memref_slice %arg3[%arg1, %mul3A_18, %dma_start3A_1488] : memref<16x160x128xi32, #tpu.memory_space<hbm>> -> memref<1x16x128xi32, #tpu.memory_space<hbm>>
        %dma_start3A_1490 = tpu.memref_squeeze %dma_start3A_1489 : memref<1x16x128xi32, #tpu.memory_space<hbm>> -> memref<16x128xi32, #tpu.memory_space<hbm>>
        %dma_start3A_1491 = arith.constant 0 : i32
        %dma_start3A_1492 = tpu.memref_slice %arg3[%arg1, %mul3A_18, %dma_start3A_1491] : memref<16x160x128xi32, #tpu.memory_space<hbm>> -> memref<1x16x128xi32, #tpu.memory_space<hbm>>
        %dma_start3A_1493 = tpu.memref_squeeze %dma_start3A_1492 : memref<1x16x128xi32, #tpu.memory_space<hbm>> -> memref<16x128xi32, #tpu.memory_space<hbm>>
        tpu.enqueue_dma source(%dma_start3A_1493 : memref<16x128xi32, #tpu.memory_space<hbm>>) target(%arg8 : memref<16x128xi32, #tpu.memory_space<vmem>>) target_semaphore(%run_scoped3A : memref<!tpu.dma_semaphore, #tpu.memory_space<semaphore_mem>>)
        %dma_wait3A_1494 = arith.constant 0 : i32
        %dma_wait3A_1495 = tpu.memref_slice %arg3[%arg1, %mul3A_18, %dma_wait3A_1494] : memref<16x160x128xi32, #tpu.memory_space<hbm>> -> memref<1x16x128xi32, #tpu.memory_space<hbm>>
        %dma_wait3A_1496 = tpu.memref_squeeze %dma_wait3A_1495 : memref<1x16x128xi32, #tpu.memory_space<hbm>> -> memref<16x128xi32, #tpu.memory_space<hbm>>
        %dma_wait3A_1497 = arith.constant 0 : i32
        %dma_wait3A_1498 = tpu.memref_slice %arg3[%arg1, %mul3A_18, %dma_wait3A_1497] : memref<16x160x128xi32, #tpu.memory_space<hbm>> -> memref<1x16x128xi32, #tpu.memory_space<hbm>>
        %dma_wait3A_1499 = tpu.memref_squeeze %dma_wait3A_1498 : memref<1x16x128xi32, #tpu.memory_space<hbm>> -> memref<16x128xi32, #tpu.memory_space<hbm>>
        tpu.wait_dma2 semaphore(%run_scoped3A : memref<!tpu.dma_semaphore, #tpu.memory_space<semaphore_mem>>) src(%dma_wait3A_1499 : memref<16x128xi32, #tpu.memory_space<hbm>>) dst(%arg8 : memref<16x128xi32, #tpu.memory_space<vmem>>)
        tpu.yield
      }) : () -> ()
      "tpu.region"() ({
        %run_scoped3A = tpu.sem_alloc : memref<!tpu.dma_semaphore, #tpu.memory_space<semaphore_mem>>
        %dma_start3A_1488 = arith.constant 0 : i32
        %dma_start3A_1489 = tpu.memref_slice %arg4[%arg1, %mul3A_18, %dma_start3A_1488] : memref<16x160x128xi32, #tpu.memory_space<hbm>> -> memref<1x16x128xi32, #tpu.memory_space<hbm>>
        %dma_start3A_1490 = tpu.memref_squeeze %dma_start3A_1489 : memref<1x16x128xi32, #tpu.memory_space<hbm>> -> memref<16x128xi32, #tpu.memory_space<hbm>>
        %dma_start3A_1491 = arith.constant 0 : i32
        %dma_start3A_1492 = tpu.memref_slice %arg4[%arg1, %mul3A_18, %dma_start3A_1491] : memref<16x160x128xi32, #tpu.memory_space<hbm>> -> memref<1x16x128xi32, #tpu.memory_space<hbm>>
        %dma_start3A_1493 = tpu.memref_squeeze %dma_start3A_1492 : memref<1x16x128xi32, #tpu.memory_space<hbm>> -> memref<16x128xi32, #tpu.memory_space<hbm>>
        tpu.enqueue_dma source(%dma_start3A_1493 : memref<16x128xi32, #tpu.memory_space<hbm>>) target(%arg9 : memref<16x128xi32, #tpu.memory_space<vmem>>) target_semaphore(%run_scoped3A : memref<!tpu.dma_semaphore, #tpu.memory_space<semaphore_mem>>)
        %dma_wait3A_1494 = arith.constant 0 : i32
        %dma_wait3A_1495 = tpu.memref_slice %arg4[%arg1, %mul3A_18, %dma_wait3A_1494] : memref<16x160x128xi32, #tpu.memory_space<hbm>> -> memref<1x16x128xi32, #tpu.memory_space<hbm>>
        %dma_wait3A_1496 = tpu.memref_squeeze %dma_wait3A_1495 : memref<1x16x128xi32, #tpu.memory_space<hbm>> -> memref<16x128xi32, #tpu.memory_space<hbm>>
        %dma_wait3A_1497 = arith.constant 0 : i32
        %dma_wait3A_1498 = tpu.memref_slice %arg4[%arg1, %mul3A_18, %dma_wait3A_1497] : memref<16x160x128xi32, #tpu.memory_space<hbm>> -> memref<1x16x128xi32, #tpu.memory_space<hbm>>
        %dma_wait3A_1499 = tpu.memref_squeeze %dma_wait3A_1498 : memref<1x16x128xi32, #tpu.memory_space<hbm>> -> memref<16x128xi32, #tpu.memory_space<hbm>>
        tpu.wait_dma2 semaphore(%run_scoped3A : memref<!tpu.dma_semaphore, #tpu.memory_space<semaphore_mem>>) src(%dma_wait3A_1499 : memref<16x128xi32, #tpu.memory_space<hbm>>) dst(%arg9 : memref<16x128xi32, #tpu.memory_space<vmem>>)
        tpu.yield
      }) : () -> ()
      %dma_start3A = arith.constant 0 : i32
      %dma_start3A_19 = arith.constant 0 : i32
      %dma_start3A_20 = arith.constant 0 : i32
      %dma_start3A_21 = arith.constant 0 : i32
      %dma_start3A_22 = arith.constant 0 : i32
      %dma_start3A_23 = tpu.memref_slice %arg10[%dma_start3A_19, %dma_start3A_21, %dma_start3A_22] : memref<3x128x64xf32, #tpu.memory_space<vmem>> -> memref<1x128x64xf32, #tpu.memory_space<vmem>>
      %dma_start3A_24 = tpu.memref_squeeze %dma_start3A_23 : memref<1x128x64xf32, #tpu.memory_space<vmem>> -> memref<128x64xf32, #tpu.memory_space<vmem>>
      %dma_start3A_25 = arith.constant 0 : i32
      %dma_start3A_26 = tpu.memref_slice %arg8[%dma_start3A, %dma_start3A_25] : memref<16x128xi32, #tpu.memory_space<vmem>> -> memref<1x128xi32, #tpu.memory_space<vmem>>
      %dma_start3A_27 = tpu.memref_squeeze %dma_start3A_26 : memref<1x128xi32, #tpu.memory_space<vmem>> -> memref<128xi32, #tpu.memory_space<vmem>>
      %dma_start3A_28 = arith.constant 0 : i32
      %dma_start3A_29 = arith.constant 0 : i32
      %dma_start3A_30 = tpu.memref_slice %arg12[%dma_start3A_28, %dma_start3A_29] : memref<10240x64xf32, #tpu.memory_space<vmem_shared>> -> memref<10240x64xf32, #tpu.memory_space<vmem_shared>>
      %dma_start3A_31 = tpu.memref_slice %arg14[%dma_start3A_20] : memref<3x!tpu.dma_semaphore, #tpu.memory_space<semaphore_mem>> -> memref<1x!tpu.dma_semaphore, #tpu.memory_space<semaphore_mem>>
      %dma_start3A_32 = tpu.memref_squeeze %dma_start3A_31 : memref<1x!tpu.dma_semaphore, #tpu.memory_space<semaphore_mem>> -> memref<!tpu.dma_semaphore, #tpu.memory_space<semaphore_mem>>
      tpu.enqueue_indirect_dma source(%dma_start3A_30 : memref<10240x64xf32, #tpu.memory_space<vmem_shared>>) target(%dma_start3A_24 : memref<128x64xf32, #tpu.memory_space<vmem>>) offsets(%dma_start3A_27 : memref<128xi32, #tpu.memory_space<vmem>>) semaphore(%dma_start3A_32 : memref<!tpu.dma_semaphore, #tpu.memory_space<semaphore_mem>>)
      %dma_start3A_33 = arith.constant 1 : i32
      %dma_start3A_34 = arith.constant 1 : i32
      %dma_start3A_35 = arith.constant 1 : i32
      %dma_start3A_36 = arith.constant 0 : i32
      %dma_start3A_37 = arith.constant 0 : i32
      %dma_start3A_38 = tpu.memref_slice %arg10[%dma_start3A_34, %dma_start3A_36, %dma_start3A_37] : memref<3x128x64xf32, #tpu.memory_space<vmem>> -> memref<1x128x64xf32, #tpu.memory_space<vmem>>
      %dma_start3A_39 = tpu.memref_squeeze %dma_start3A_38 : memref<1x128x64xf32, #tpu.memory_space<vmem>> -> memref<128x64xf32, #tpu.memory_space<vmem>>
      %dma_start3A_40 = arith.constant 0 : i32
      %dma_start3A_41 = tpu.memref_slice %arg8[%dma_start3A_33, %dma_start3A_40] : memref<16x128xi32, #tpu.memory_space<vmem>> -> memref<1x128xi32, #tpu.memory_space<vmem>>
      %dma_start3A_42 = tpu.memref_squeeze %dma_start3A_41 : memref<1x128xi32, #tpu.memory_space<vmem>> -> memref<128xi32, #tpu.memory_space<vmem>>
      %dma_start3A_43 = arith.constant 0 : i32
      %dma_start3A_44 = arith.constant 0 : i32
      %dma_start3A_45 = tpu.memref_slice %arg12[%dma_start3A_43, %dma_start3A_44] : memref<10240x64xf32, #tpu.memory_space<vmem_shared>> -> memref<10240x64xf32, #tpu.memory_space<vmem_shared>>
      %dma_start3A_46 = tpu.memref_slice %arg14[%dma_start3A_35] : memref<3x!tpu.dma_semaphore, #tpu.memory_space<semaphore_mem>> -> memref<1x!tpu.dma_semaphore, #tpu.memory_space<semaphore_mem>>
      %dma_start3A_47 = tpu.memref_squeeze %dma_start3A_46 : memref<1x!tpu.dma_semaphore, #tpu.memory_space<semaphore_mem>> -> memref<!tpu.dma_semaphore, #tpu.memory_space<semaphore_mem>>
      tpu.enqueue_indirect_dma source(%dma_start3A_45 : memref<10240x64xf32, #tpu.memory_space<vmem_shared>>) target(%dma_start3A_39 : memref<128x64xf32, #tpu.memory_space<vmem>>) offsets(%dma_start3A_42 : memref<128xi32, #tpu.memory_space<vmem>>) semaphore(%dma_start3A_47 : memref<!tpu.dma_semaphore, #tpu.memory_space<semaphore_mem>>)
      %dma_wait3A = arith.constant 0 : i32
      %dma_wait3A_48 = arith.constant 0 : i32
      %dma_wait3A_49 = arith.constant 0 : i32
      %dma_wait3A_50 = arith.constant 0 : i32
      %dma_wait3A_51 = arith.constant 0 : i32
      %dma_wait3A_52 = tpu.memref_slice %arg10[%dma_wait3A_48, %dma_wait3A_50, %dma_wait3A_51] : memref<3x128x64xf32, #tpu.memory_space<vmem>> -> memref<1x128x64xf32, #tpu.memory_space<vmem>>
      %dma_wait3A_53 = tpu.memref_squeeze %dma_wait3A_52 : memref<1x128x64xf32, #tpu.memory_space<vmem>> -> memref<128x64xf32, #tpu.memory_space<vmem>>
      %dma_wait3A_54 = arith.constant 0 : i32
      %dma_wait3A_55 = tpu.memref_slice %arg8[%dma_wait3A, %dma_wait3A_54] : memref<16x128xi32, #tpu.memory_space<vmem>> -> memref<1x128xi32, #tpu.memory_space<vmem>>
      %dma_wait3A_56 = tpu.memref_squeeze %dma_wait3A_55 : memref<1x128xi32, #tpu.memory_space<vmem>> -> memref<128xi32, #tpu.memory_space<vmem>>
      %dma_wait3A_57 = arith.constant 0 : i32
      %dma_wait3A_58 = arith.constant 0 : i32
      %dma_wait3A_59 = tpu.memref_slice %arg12[%dma_wait3A_57, %dma_wait3A_58] : memref<10240x64xf32, #tpu.memory_space<vmem_shared>> -> memref<10240x64xf32, #tpu.memory_space<vmem_shared>>
      %dma_wait3A_60 = tpu.memref_slice %arg14[%dma_wait3A_49] : memref<3x!tpu.dma_semaphore, #tpu.memory_space<semaphore_mem>> -> memref<1x!tpu.dma_semaphore, #tpu.memory_space<semaphore_mem>>
      %dma_wait3A_61 = tpu.memref_squeeze %dma_wait3A_60 : memref<1x!tpu.dma_semaphore, #tpu.memory_space<semaphore_mem>> -> memref<!tpu.dma_semaphore, #tpu.memory_space<semaphore_mem>>
      tpu.wait_indirect_dma semaphore(%dma_wait3A_61 : memref<!tpu.dma_semaphore, #tpu.memory_space<semaphore_mem>>) src(%dma_wait3A_59 : memref<10240x64xf32, #tpu.memory_space<vmem_shared>>) dst(%dma_wait3A_53 : memref<128x64xf32, #tpu.memory_space<vmem>>)
      %dma_start3A_62 = arith.constant 0 : i32
      %dma_start3A_63 = arith.constant 0 : i32
      %dma_start3A_64 = arith.constant 0 : i32
      %dma_start3A_65 = arith.constant 0 : i32
      %dma_start3A_66 = arith.constant 0 : i32
      %dma_start3A_67 = tpu.memref_slice %arg10[%dma_start3A_62, %dma_start3A_65, %dma_start3A_66] : memref<3x128x64xf32, #tpu.memory_space<vmem>> -> memref<1x128x64xf32, #tpu.memory_space<vmem>>
      %dma_start3A_68 = tpu.memref_squeeze %dma_start3A_67 : memref<1x128x64xf32, #tpu.memory_space<vmem>> -> memref<128x64xf32, #tpu.memory_space<vmem>>
      %dma_start3A_69 = arith.constant 0 : i32
      %dma_start3A_70 = tpu.memref_slice %arg9[%dma_start3A_63, %dma_start3A_69] : memref<16x128xi32, #tpu.memory_space<vmem>> -> memref<1x128xi32, #tpu.memory_space<vmem>>
      %dma_start3A_71 = tpu.memref_squeeze %dma_start3A_70 : memref<1x128xi32, #tpu.memory_space<vmem>> -> memref<128xi32, #tpu.memory_space<vmem>>
      %dma_start3A_72 = arith.constant 0 : i32
      %dma_start3A_73 = arith.constant 0 : i32
      %dma_start3A_74 = tpu.memref_slice %arg13[%dma_start3A_72, %dma_start3A_73] : memref<10240x64xf32, #tpu.memory_space<vmem_shared>> -> memref<10240x64xf32, #tpu.memory_space<vmem_shared>>
      %dma_start3A_75 = tpu.memref_slice %arg15[%dma_start3A_64] : memref<3x!tpu.dma_semaphore, #tpu.memory_space<semaphore_mem>> -> memref<1x!tpu.dma_semaphore, #tpu.memory_space<semaphore_mem>>
      %dma_start3A_76 = tpu.memref_squeeze %dma_start3A_75 : memref<1x!tpu.dma_semaphore, #tpu.memory_space<semaphore_mem>> -> memref<!tpu.dma_semaphore, #tpu.memory_space<semaphore_mem>>
      tpu.enqueue_indirect_dma source(%dma_start3A_68 : memref<128x64xf32, #tpu.memory_space<vmem>>) target(%dma_start3A_74 : memref<10240x64xf32, #tpu.memory_space<vmem_shared>>) offsets(%dma_start3A_71 : memref<128xi32, #tpu.memory_space<vmem>>) semaphore(%dma_start3A_76 : memref<!tpu.dma_semaphore, #tpu.memory_space<semaphore_mem>>) {add = true}
      %dma_start3A_77 = arith.constant 2 : i32
      %dma_start3A_78 = arith.constant 2 : i32
      %dma_start3A_79 = arith.constant 2 : i32
      %dma_start3A_80 = arith.constant 0 : i32
      %dma_start3A_81 = arith.constant 0 : i32
      %dma_start3A_82 = tpu.memref_slice %arg10[%dma_start3A_78, %dma_start3A_80, %dma_start3A_81] : memref<3x128x64xf32, #tpu.memory_space<vmem>> -> memref<1x128x64xf32, #tpu.memory_space<vmem>>
      %dma_start3A_83 = tpu.memref_squeeze %dma_start3A_82 : memref<1x128x64xf32, #tpu.memory_space<vmem>> -> memref<128x64xf32, #tpu.memory_space<vmem>>
      %dma_start3A_84 = arith.constant 0 : i32
      %dma_start3A_85 = tpu.memref_slice %arg8[%dma_start3A_77, %dma_start3A_84] : memref<16x128xi32, #tpu.memory_space<vmem>> -> memref<1x128xi32, #tpu.memory_space<vmem>>
      %dma_start3A_86 = tpu.memref_squeeze %dma_start3A_85 : memref<1x128xi32, #tpu.memory_space<vmem>> -> memref<128xi32, #tpu.memory_space<vmem>>
      %dma_start3A_87 = arith.constant 0 : i32
      %dma_start3A_88 = arith.constant 0 : i32
      %dma_start3A_89 = tpu.memref_slice %arg12[%dma_start3A_87, %dma_start3A_88] : memref<10240x64xf32, #tpu.memory_space<vmem_shared>> -> memref<10240x64xf32, #tpu.memory_space<vmem_shared>>
      %dma_start3A_90 = tpu.memref_slice %arg14[%dma_start3A_79] : memref<3x!tpu.dma_semaphore, #tpu.memory_space<semaphore_mem>> -> memref<1x!tpu.dma_semaphore, #tpu.memory_space<semaphore_mem>>
      %dma_start3A_91 = tpu.memref_squeeze %dma_start3A_90 : memref<1x!tpu.dma_semaphore, #tpu.memory_space<semaphore_mem>> -> memref<!tpu.dma_semaphore, #tpu.memory_space<semaphore_mem>>
      tpu.enqueue_indirect_dma source(%dma_start3A_89 : memref<10240x64xf32, #tpu.memory_space<vmem_shared>>) target(%dma_start3A_83 : memref<128x64xf32, #tpu.memory_space<vmem>>) offsets(%dma_start3A_86 : memref<128xi32, #tpu.memory_space<vmem>>) semaphore(%dma_start3A_91 : memref<!tpu.dma_semaphore, #tpu.memory_space<semaphore_mem>>)
      %get3A = arith.constant 0 : i32
      %get3A_92 = arith.index_cast %get3A : i32 to index
      %get3A_93 = arith.constant 0 : index
      %get3A_94 = tpu.vector_load %arg9[%get3A_92, %get3A_93] {strides = array<i32>} : memref<16x128xi32, #tpu.memory_space<vmem>>, vector<16xi32>,
      tpu.vector_store_idx %arg11[%get3A_94], %broadcast_in_dim3A_8 {add = true} : memref<10240xf32, #tpu.memory_space<vmem>>[vector<16xi32>], vector<16xf32>,
      %get3A_95 = arith.constant 0 : i32
      %get3A_96 = arith.index_cast %get3A_95 : i32 to index
      %get3A_97 = arith.constant 16 : index
      %get3A_98 = tpu.vector_load %arg9[%get3A_96, %get3A_97] {strides = array<i32>} : memref<16x128xi32, #tpu.memory_space<vmem>>, vector<16xi32>,
      tpu.vector_store_idx %arg11[%get3A_98], %broadcast_in_dim3A_8 {add = true} : memref<10240xf32, #tpu.memory_space<vmem>>[vector<16xi32>], vector<16xf32>,
      %get3A_99 = arith.constant 0 : i32
      %get3A_100 = arith.index_cast %get3A_99 : i32 to index
      %get3A_101 = arith.constant 32 : index
      %get3A_102 = tpu.vector_load %arg9[%get3A_100, %get3A_101] {strides = array<i32>} : memref<16x128xi32, #tpu.memory_space<vmem>>, vector<16xi32>,
      tpu.vector_store_idx %arg11[%get3A_102], %broadcast_in_dim3A_8 {add = true} : memref<10240xf32, #tpu.memory_space<vmem>>[vector<16xi32>], vector<16xf32>,
      %get3A_103 = arith.constant 0 : i32
      %get3A_104 = arith.index_cast %get3A_103 : i32 to index
      %get3A_105 = arith.constant 48 : index
      %get3A_106 = tpu.vector_load %arg9[%get3A_104, %get3A_105] {strides = array<i32>} : memref<16x128xi32, #tpu.memory_space<vmem>>, vector<16xi32>,
      tpu.vector_store_idx %arg11[%get3A_106], %broadcast_in_dim3A_8 {add = true} : memref<10240xf32, #tpu.memory_space<vmem>>[vector<16xi32>], vector<16xf32>,
      %get3A_107 = arith.constant 0 : i32
      %get3A_108 = arith.index_cast %get3A_107 : i32 to index
      %get3A_109 = arith.constant 64 : index
      %get3A_110 = tpu.vector_load %arg9[%get3A_108, %get3A_109] {strides = array<i32>} : memref<16x128xi32, #tpu.memory_space<vmem>>, vector<16xi32>,
      tpu.vector_store_idx %arg11[%get3A_110], %broadcast_in_dim3A_8 {add = true} : memref<10240xf32, #tpu.memory_space<vmem>>[vector<16xi32>], vector<16xf32>,
      %get3A_111 = arith.constant 0 : i32
      %get3A_112 = arith.index_cast %get3A_111 : i32 to index
      %get3A_113 = arith.constant 80 : index
      %get3A_114 = tpu.vector_load %arg9[%get3A_112, %get3A_113] {strides = array<i32>} : memref<16x128xi32, #tpu.memory_space<vmem>>, vector<16xi32>,
      tpu.vector_store_idx %arg11[%get3A_114], %broadcast_in_dim3A_8 {add = true} : memref<10240xf32, #tpu.memory_space<vmem>>[vector<16xi32>], vector<16xf32>,
      %get3A_115 = arith.constant 0 : i32
      %get3A_116 = arith.index_cast %get3A_115 : i32 to index
      %get3A_117 = arith.constant 96 : index
      %get3A_118 = tpu.vector_load %arg9[%get3A_116, %get3A_117] {strides = array<i32>} : memref<16x128xi32, #tpu.memory_space<vmem>>, vector<16xi32>,
      tpu.vector_store_idx %arg11[%get3A_118], %broadcast_in_dim3A_8 {add = true} : memref<10240xf32, #tpu.memory_space<vmem>>[vector<16xi32>], vector<16xf32>,
      %get3A_119 = arith.constant 0 : i32
      %get3A_120 = arith.index_cast %get3A_119 : i32 to index
      %get3A_121 = arith.constant 112 : index
      %get3A_122 = tpu.vector_load %arg9[%get3A_120, %get3A_121] {strides = array<i32>} : memref<16x128xi32, #tpu.memory_space<vmem>>, vector<16xi32>,
      tpu.vector_store_idx %arg11[%get3A_122], %broadcast_in_dim3A_8 {add = true} : memref<10240xf32, #tpu.memory_space<vmem>>[vector<16xi32>], vector<16xf32>,
      %dma_wait3A_123 = arith.constant 1 : i32
      %dma_wait3A_124 = arith.constant 1 : i32
      %dma_wait3A_125 = arith.constant 1 : i32
      %dma_wait3A_126 = arith.constant 0 : i32
      %dma_wait3A_127 = arith.constant 0 : i32
      %dma_wait3A_128 = tpu.memref_slice %arg10[%dma_wait3A_124, %dma_wait3A_126, %dma_wait3A_127] : memref<3x128x64xf32, #tpu.memory_space<vmem>> -> memref<1x128x64xf32, #tpu.memory_space<vmem>>
      %dma_wait3A_129 = tpu.memref_squeeze %dma_wait3A_128 : memref<1x128x64xf32, #tpu.memory_space<vmem>> -> memref<128x64xf32, #tpu.memory_space<vmem>>
      %dma_wait3A_130 = arith.constant 0 : i32
      %dma_wait3A_131 = tpu.memref_slice %arg8[%dma_wait3A_123, %dma_wait3A_130] : memref<16x128xi32, #tpu.memory_space<vmem>> -> memref<1x128xi32, #tpu.memory_space<vmem>>
      %dma_wait3A_132 = tpu.memref_squeeze %dma_wait3A_131 : memref<1x128xi32, #tpu.memory_space<vmem>> -> memref<128xi32, #tpu.memory_space<vmem>>
      %dma_wait3A_133 = arith.constant 0 : i32
      %dma_wait3A_134 = arith.constant 0 : i32
      %dma_wait3A_135 = tpu.memref_slice %arg12[%dma_wait3A_133, %dma_wait3A_134] : memref<10240x64xf32, #tpu.memory_space<vmem_shared>> -> memref<10240x64xf32, #tpu.memory_space<vmem_shared>>
      %dma_wait3A_136 = tpu.memref_slice %arg14[%dma_wait3A_125] : memref<3x!tpu.dma_semaphore, #tpu.memory_space<semaphore_mem>> -> memref<1x!tpu.dma_semaphore, #tpu.memory_space<semaphore_mem>>
      %dma_wait3A_137 = tpu.memref_squeeze %dma_wait3A_136 : memref<1x!tpu.dma_semaphore, #tpu.memory_space<semaphore_mem>> -> memref<!tpu.dma_semaphore, #tpu.memory_space<semaphore_mem>>
      tpu.wait_indirect_dma semaphore(%dma_wait3A_137 : memref<!tpu.dma_semaphore, #tpu.memory_space<semaphore_mem>>) src(%dma_wait3A_135 : memref<10240x64xf32, #tpu.memory_space<vmem_shared>>) dst(%dma_wait3A_129 : memref<128x64xf32, #tpu.memory_space<vmem>>)
      %dma_start3A_138 = arith.constant 1 : i32
      %dma_start3A_139 = arith.constant 1 : i32
      %dma_start3A_140 = arith.constant 1 : i32
      %dma_start3A_141 = arith.constant 0 : i32
      %dma_start3A_142 = arith.constant 0 : i32
      %dma_start3A_143 = tpu.memref_slice %arg10[%dma_start3A_138, %dma_start3A_141, %dma_start3A_142] : memref<3x128x64xf32, #tpu.memory_space<vmem>> -> memref<1x128x64xf32, #tpu.memory_space<vmem>>
      %dma_start3A_144 = tpu.memref_squeeze %dma_start3A_143 : memref<1x128x64xf32, #tpu.memory_space<vmem>> -> memref<128x64xf32, #tpu.memory_space<vmem>>
      %dma_start3A_145 = arith.constant 0 : i32
      %dma_start3A_146 = tpu.memref_slice %arg9[%dma_start3A_139, %dma_start3A_145] : memref<16x128xi32, #tpu.memory_space<vmem>> -> memref<1x128xi32, #tpu.memory_space<vmem>>
      %dma_start3A_147 = tpu.memref_squeeze %dma_start3A_146 : memref<1x128xi32, #tpu.memory_space<vmem>> -> memref<128xi32, #tpu.memory_space<vmem>>
      %dma_start3A_148 = arith.constant 0 : i32
      %dma_start3A_149 = arith.constant 0 : i32
      %dma_start3A_150 = tpu.memref_slice %arg13[%dma_start3A_148, %dma_start3A_149] : memref<10240x64xf32, #tpu.memory_space<vmem_shared>> -> memref<10240x64xf32, #tpu.memory_space<vmem_shared>>
      %dma_start3A_151 = tpu.memref_slice %arg15[%dma_start3A_140] : memref<3x!tpu.dma_semaphore, #tpu.memory_space<semaphore_mem>> -> memref<1x!tpu.dma_semaphore, #tpu.memory_space<semaphore_mem>>
      %dma_start3A_152 = tpu.memref_squeeze %dma_start3A_151 : memref<1x!tpu.dma_semaphore, #tpu.memory_space<semaphore_mem>> -> memref<!tpu.dma_semaphore, #tpu.memory_space<semaphore_mem>>
      tpu.enqueue_indirect_dma source(%dma_start3A_144 : memref<128x64xf32, #tpu.memory_space<vmem>>) target(%dma_start3A_150 : memref<10240x64xf32, #tpu.memory_space<vmem_shared>>) offsets(%dma_start3A_147 : memref<128xi32, #tpu.memory_space<vmem>>) semaphore(%dma_start3A_152 : memref<!tpu.dma_semaphore, #tpu.memory_space<semaphore_mem>>) {add = true}
      %dma_wait3A_153 = arith.constant 0 : i32
      %dma_wait3A_154 = arith.constant 0 : i32
      %dma_wait3A_155 = arith.constant 0 : i32
      %dma_wait3A_156 = arith.constant 0 : i32
      %dma_wait3A_157 = arith.constant 0 : i32
      %dma_wait3A_158 = tpu.memref_slice %arg10[%dma_wait3A_153, %dma_wait3A_156, %dma_wait3A_157] : memref<3x128x64xf32, #tpu.memory_space<vmem>> -> memref<1x128x64xf32, #tpu.memory_space<vmem>>
      %dma_wait3A_159 = tpu.memref_squeeze %dma_wait3A_158 : memref<1x128x64xf32, #tpu.memory_space<vmem>> -> memref<128x64xf32, #tpu.memory_space<vmem>>
      %dma_wait3A_160 = arith.constant 0 : i32
      %dma_wait3A_161 = tpu.memref_slice %arg9[%dma_wait3A_154, %dma_wait3A_160] : memref<16x128xi32, #tpu.memory_space<vmem>> -> memref<1x128xi32, #tpu.memory_space<vmem>>
      %dma_wait3A_162 = tpu.memref_squeeze %dma_wait3A_161 : memref<1x128xi32, #tpu.memory_space<vmem>> -> memref<128xi32, #tpu.memory_space<vmem>>
      %dma_wait3A_163 = arith.constant 0 : i32
      %dma_wait3A_164 = arith.constant 0 : i32
      %dma_wait3A_165 = tpu.memref_slice %arg13[%dma_wait3A_163, %dma_wait3A_164] : memref<10240x64xf32, #tpu.memory_space<vmem_shared>> -> memref<10240x64xf32, #tpu.memory_space<vmem_shared>>
      %dma_wait3A_166 = tpu.memref_slice %arg15[%dma_wait3A_155] : memref<3x!tpu.dma_semaphore, #tpu.memory_space<semaphore_mem>> -> memref<1x!tpu.dma_semaphore, #tpu.memory_space<semaphore_mem>>
      %dma_wait3A_167 = tpu.memref_squeeze %dma_wait3A_166 : memref<1x!tpu.dma_semaphore, #tpu.memory_space<semaphore_mem>> -> memref<!tpu.dma_semaphore, #tpu.memory_space<semaphore_mem>>
      tpu.wait_indirect_dma semaphore(%dma_wait3A_167 : memref<!tpu.dma_semaphore, #tpu.memory_space<semaphore_mem>>) src(%dma_wait3A_159 : memref<128x64xf32, #tpu.memory_space<vmem>>) dst(%dma_wait3A_165 : memref<10240x64xf32, #tpu.memory_space<vmem_shared>>)
      %dma_start3A_168 = arith.constant 3 : i32
      %dma_start3A_169 = arith.constant 0 : i32
      %dma_start3A_170 = arith.constant 0 : i32
      %dma_start3A_171 = arith.constant 0 : i32
      %dma_start3A_172 = arith.constant 0 : i32
      %dma_start3A_173 = tpu.memref_slice %arg10[%dma_start3A_169, %dma_start3A_171, %dma_start3A_172] : memref<3x128x64xf32, #tpu.memory_space<vmem>> -> memref<1x128x64xf32, #tpu.memory_space<vmem>>
      %dma_start3A_174 = tpu.memref_squeeze %dma_start3A_173 : memref<1x128x64xf32, #tpu.memory_space<vmem>> -> memref<128x64xf32, #tpu.memory_space<vmem>>
      %dma_start3A_175 = arith.constant 0 : i32
      %dma_start3A_176 = tpu.memref_slice %arg8[%dma_start3A_168, %dma_start3A_175] : memref<16x128xi32, #tpu.memory_space<vmem>> -> memref<1x128xi32, #tpu.memory_space<vmem>>
      %dma_start3A_177 = tpu.memref_squeeze %dma_start3A_176 : memref<1x128xi32, #tpu.memory_space<vmem>> -> memref<128xi32, #tpu.memory_space<vmem>>
      %dma_start3A_178 = arith.constant 0 : i32
      %dma_start3A_179 = arith.constant 0 : i32
      %dma_start3A_180 = tpu.memref_slice %arg12[%dma_start3A_178, %dma_start3A_179] : memref<10240x64xf32, #tpu.memory_space<vmem_shared>> -> memref<10240x64xf32, #tpu.memory_space<vmem_shared>>
      %dma_start3A_181 = tpu.memref_slice %arg14[%dma_start3A_170] : memref<3x!tpu.dma_semaphore, #tpu.memory_space<semaphore_mem>> -> memref<1x!tpu.dma_semaphore, #tpu.memory_space<semaphore_mem>>
      %dma_start3A_182 = tpu.memref_squeeze %dma_start3A_181 : memref<1x!tpu.dma_semaphore, #tpu.memory_space<semaphore_mem>> -> memref<!tpu.dma_semaphore, #tpu.memory_space<semaphore_mem>>
      tpu.enqueue_indirect_dma source(%dma_start3A_180 : memref<10240x64xf32, #tpu.memory_space<vmem_shared>>) target(%dma_start3A_174 : memref<128x64xf32, #tpu.memory_space<vmem>>) offsets(%dma_start3A_177 : memref<128xi32, #tpu.memory_space<vmem>>) semaphore(%dma_start3A_182 : memref<!tpu.dma_semaphore, #tpu.memory_space<semaphore_mem>>)
      %get3A_183 = arith.constant 1 : i32
      %get3A_184 = arith.index_cast %get3A_183 : i32 to index
      %get3A_185 = arith.constant 0 : index
      %get3A_186 = tpu.vector_load %arg9[%get3A_184, %get3A_185] {strides = array<i32>} : memref<16x128xi32, #tpu.memory_space<vmem>>, vector<16xi32>,
      tpu.vector_store_idx %arg11[%get3A_186], %broadcast_in_dim3A_8 {add = true} : memref<10240xf32, #tpu.memory_space<vmem>>[vector<16xi32>], vector<16xf32>,
      %get3A_187 = arith.constant 1 : i32
      %get3A_188 = arith.index_cast %get3A_187 : i32 to index
      %get3A_189 = arith.constant 16 : index
      %get3A_190 = tpu.vector_load %arg9[%get3A_188, %get3A_189] {strides = array<i32>} : memref<16x128xi32, #tpu.memory_space<vmem>>, vector<16xi32>,
      tpu.vector_store_idx %arg11[%get3A_190], %broadcast_in_dim3A_8 {add = true} : memref<10240xf32, #tpu.memory_space<vmem>>[vector<16xi32>], vector<16xf32>,
      %get3A_191 = arith.constant 1 : i32
      %get3A_192 = arith.index_cast %get3A_191 : i32 to index
      %get3A_193 = arith.constant 32 : index
      %get3A_194 = tpu.vector_load %arg9[%get3A_192, %get3A_193] {strides = array<i32>} : memref<16x128xi32, #tpu.memory_space<vmem>>, vector<16xi32>,
      tpu.vector_store_idx %arg11[%get3A_194], %broadcast_in_dim3A_8 {add = true} : memref<10240xf32, #tpu.memory_space<vmem>>[vector<16xi32>], vector<16xf32>,
      %get3A_195 = arith.constant 1 : i32
      %get3A_196 = arith.index_cast %get3A_195 : i32 to index
      %get3A_197 = arith.constant 48 : index
      %get3A_198 = tpu.vector_load %arg9[%get3A_196, %get3A_197] {strides = array<i32>} : memref<16x128xi32, #tpu.memory_space<vmem>>, vector<16xi32>,
      tpu.vector_store_idx %arg11[%get3A_198], %broadcast_in_dim3A_8 {add = true} : memref<10240xf32, #tpu.memory_space<vmem>>[vector<16xi32>], vector<16xf32>,
      %get3A_199 = arith.constant 1 : i32
      %get3A_200 = arith.index_cast %get3A_199 : i32 to index
      %get3A_201 = arith.constant 64 : index
      %get3A_202 = tpu.vector_load %arg9[%get3A_200, %get3A_201] {strides = array<i32>} : memref<16x128xi32, #tpu.memory_space<vmem>>, vector<16xi32>,
      tpu.vector_store_idx %arg11[%get3A_202], %broadcast_in_dim3A_8 {add = true} : memref<10240xf32, #tpu.memory_space<vmem>>[vector<16xi32>], vector<16xf32>,
      %get3A_203 = arith.constant 1 : i32
      %get3A_204 = arith.index_cast %get3A_203 : i32 to index
      %get3A_205 = arith.constant 80 : index
      %get3A_206 = tpu.vector_load %arg9[%get3A_204, %get3A_205] {strides = array<i32>} : memref<16x128xi32, #tpu.memory_space<vmem>>, vector<16xi32>,
      tpu.vector_store_idx %arg11[%get3A_206], %broadcast_in_dim3A_8 {add = true} : memref<10240xf32, #tpu.memory_space<vmem>>[vector<16xi32>], vector<16xf32>,
      %get3A_207 = arith.constant 1 : i32
      %get3A_208 = arith.index_cast %get3A_207 : i32 to index
      %get3A_209 = arith.constant 96 : index
      %get3A_210 = tpu.vector_load %arg9[%get3A_208, %get3A_209] {strides = array<i32>} : memref<16x128xi32, #tpu.memory_space<vmem>>, vector<16xi32>,
      tpu.vector_store_idx %arg11[%get3A_210], %broadcast_in_dim3A_8 {add = true} : memref<10240xf32, #tpu.memory_space<vmem>>[vector<16xi32>], vector<16xf32>,
      %get3A_211 = arith.constant 1 : i32
      %get3A_212 = arith.index_cast %get3A_211 : i32 to index
      %get3A_213 = arith.constant 112 : index
      %get3A_214 = tpu.vector_load %arg9[%get3A_212, %get3A_213] {strides = array<i32>} : memref<16x128xi32, #tpu.memory_space<vmem>>, vector<16xi32>,
      tpu.vector_store_idx %arg11[%get3A_214], %broadcast_in_dim3A_8 {add = true} : memref<10240xf32, #tpu.memory_space<vmem>>[vector<16xi32>], vector<16xf32>,
      %dma_wait3A_215 = arith.constant 2 : i32
      %dma_wait3A_216 = arith.constant 2 : i32
      %dma_wait3A_217 = arith.constant 2 : i32
      %dma_wait3A_218 = arith.constant 0 : i32
      %dma_wait3A_219 = arith.constant 0 : i32
      %dma_wait3A_220 = tpu.memref_slice %arg10[%dma_wait3A_216, %dma_wait3A_218, %dma_wait3A_219] : memref<3x128x64xf32, #tpu.memory_space<vmem>> -> memref<1x128x64xf32, #tpu.memory_space<vmem>>
      %dma_wait3A_221 = tpu.memref_squeeze %dma_wait3A_220 : memref<1x128x64xf32, #tpu.memory_space<vmem>> -> memref<128x64xf32, #tpu.memory_space<vmem>>
      %dma_wait3A_222 = arith.constant 0 : i32
      %dma_wait3A_223 = tpu.memref_slice %arg8[%dma_wait3A_215, %dma_wait3A_222] : memref<16x128xi32, #tpu.memory_space<vmem>> -> memref<1x128xi32, #tpu.memory_space<vmem>>
      %dma_wait3A_224 = tpu.memref_squeeze %dma_wait3A_223 : memref<1x128xi32, #tpu.memory_space<vmem>> -> memref<128xi32, #tpu.memory_space<vmem>>
      %dma_wait3A_225 = arith.constant 0 : i32
      %dma_wait3A_226 = arith.constant 0 : i32
      %dma_wait3A_227 = tpu.memref_slice %arg12[%dma_wait3A_225, %dma_wait3A_226] : memref<10240x64xf32, #tpu.memory_space<vmem_shared>> -> memref<10240x64xf32, #tpu.memory_space<vmem_shared>>
      %dma_wait3A_228 = tpu.memref_slice %arg14[%dma_wait3A_217] : memref<3x!tpu.dma_semaphore, #tpu.memory_space<semaphore_mem>> -> memref<1x!tpu.dma_semaphore, #tpu.memory_space<semaphore_mem>>
      %dma_wait3A_229 = tpu.memref_squeeze %dma_wait3A_228 : memref<1x!tpu.dma_semaphore, #tpu.memory_space<semaphore_mem>> -> memref<!tpu.dma_semaphore, #tpu.memory_space<semaphore_mem>>
      tpu.wait_indirect_dma semaphore(%dma_wait3A_229 : memref<!tpu.dma_semaphore, #tpu.memory_space<semaphore_mem>>) src(%dma_wait3A_227 : memref<10240x64xf32, #tpu.memory_space<vmem_shared>>) dst(%dma_wait3A_221 : memref<128x64xf32, #tpu.memory_space<vmem>>)
      %dma_start3A_230 = arith.constant 2 : i32
      %dma_start3A_231 = arith.constant 2 : i32
      %dma_start3A_232 = arith.constant 2 : i32
      %dma_start3A_233 = arith.constant 0 : i32
      %dma_start3A_234 = arith.constant 0 : i32
      %dma_start3A_235 = tpu.memref_slice %arg10[%dma_start3A_230, %dma_start3A_233, %dma_start3A_234] : memref<3x128x64xf32, #tpu.memory_space<vmem>> -> memref<1x128x64xf32, #tpu.memory_space<vmem>>
      %dma_start3A_236 = tpu.memref_squeeze %dma_start3A_235 : memref<1x128x64xf32, #tpu.memory_space<vmem>> -> memref<128x64xf32, #tpu.memory_space<vmem>>
      %dma_start3A_237 = arith.constant 0 : i32
      %dma_start3A_238 = tpu.memref_slice %arg9[%dma_start3A_231, %dma_start3A_237] : memref<16x128xi32, #tpu.memory_space<vmem>> -> memref<1x128xi32, #tpu.memory_space<vmem>>
      %dma_start3A_239 = tpu.memref_squeeze %dma_start3A_238 : memref<1x128xi32, #tpu.memory_space<vmem>> -> memref<128xi32, #tpu.memory_space<vmem>>
      %dma_start3A_240 = arith.constant 0 : i32
      %dma_start3A_241 = arith.constant 0 : i32
      %dma_start3A_242 = tpu.memref_slice %arg13[%dma_start3A_240, %dma_start3A_241] : memref<10240x64xf32, #tpu.memory_space<vmem_shared>> -> memref<10240x64xf32, #tpu.memory_space<vmem_shared>>
      %dma_start3A_243 = tpu.memref_slice %arg15[%dma_start3A_232] : memref<3x!tpu.dma_semaphore, #tpu.memory_space<semaphore_mem>> -> memref<1x!tpu.dma_semaphore, #tpu.memory_space<semaphore_mem>>
      %dma_start3A_244 = tpu.memref_squeeze %dma_start3A_243 : memref<1x!tpu.dma_semaphore, #tpu.memory_space<semaphore_mem>> -> memref<!tpu.dma_semaphore, #tpu.memory_space<semaphore_mem>>
      tpu.enqueue_indirect_dma source(%dma_start3A_236 : memref<128x64xf32, #tpu.memory_space<vmem>>) target(%dma_start3A_242 : memref<10240x64xf32, #tpu.memory_space<vmem_shared>>) offsets(%dma_start3A_239 : memref<128xi32, #tpu.memory_space<vmem>>) semaphore(%dma_start3A_244 : memref<!tpu.dma_semaphore, #tpu.memory_space<semaphore_mem>>) {add = true}
      %dma_wait3A_245 = arith.constant 1 : i32
      %dma_wait3A_246 = arith.constant 1 : i32
      %dma_wait3A_247 = arith.constant 1 : i32
      %dma_wait3A_248 = arith.constant 0 : i32
      %dma_wait3A_249 = arith.constant 0 : i32
      %dma_wait3A_250 = tpu.memref_slice %arg10[%dma_wait3A_245, %dma_wait3A_248, %dma_wait3A_249] : memref<3x128x64xf32, #tpu.memory_space<vmem>> -> memref<1x128x64xf32, #tpu.memory_space<vmem>>
      %dma_wait3A_251 = tpu.memref_squeeze %dma_wait3A_250 : memref<1x128x64xf32, #tpu.memory_space<vmem>> -> memref<128x64xf32, #tpu.memory_space<vmem>>
      %dma_wait3A_252 = arith.constant 0 : i32
      %dma_wait3A_253 = tpu.memref_slice %arg9[%dma_wait3A_246, %dma_wait3A_252] : memref<16x128xi32, #tpu.memory_space<vmem>> -> memref<1x128xi32, #tpu.memory_space<vmem>>
      %dma_wait3A_254 = tpu.memref_squeeze %dma_wait3A_253 : memref<1x128xi32, #tpu.memory_space<vmem>> -> memref<128xi32, #tpu.memory_space<vmem>>
      %dma_wait3A_255 = arith.constant 0 : i32
      %dma_wait3A_256 = arith.constant 0 : i32
      %dma_wait3A_257 = tpu.memref_slice %arg13[%dma_wait3A_255, %dma_wait3A_256] : memref<10240x64xf32, #tpu.memory_space<vmem_shared>> -> memref<10240x64xf32, #tpu.memory_space<vmem_shared>>
      %dma_wait3A_258 = tpu.memref_slice %arg15[%dma_wait3A_247] : memref<3x!tpu.dma_semaphore, #tpu.memory_space<semaphore_mem>> -> memref<1x!tpu.dma_semaphore, #tpu.memory_space<semaphore_mem>>
      %dma_wait3A_259 = tpu.memref_squeeze %dma_wait3A_258 : memref<1x!tpu.dma_semaphore, #tpu.memory_space<semaphore_mem>> -> memref<!tpu.dma_semaphore, #tpu.memory_space<semaphore_mem>>
      tpu.wait_indirect_dma semaphore(%dma_wait3A_259 : memref<!tpu.dma_semaphore, #tpu.memory_space<semaphore_mem>>) src(%dma_wait3A_251 : memref<128x64xf32, #tpu.memory_space<vmem>>) dst(%dma_wait3A_257 : memref<10240x64xf32, #tpu.memory_space<vmem_shared>>)
      %dma_start3A_260 = arith.constant 4 : i32
      %dma_start3A_261 = arith.constant 1 : i32
      %dma_start3A_262 = arith.constant 1 : i32
      %dma_start3A_263 = arith.constant 0 : i32
      %dma_start3A_264 = arith.constant 0 : i32
      %dma_start3A_265 = tpu.memref_slice %arg10[%dma_start3A_261, %dma_start3A_263, %dma_start3A_264] : memref<3x128x64xf32, #tpu.memory_space<vmem>> -> memref<1x128x64xf32, #tpu.memory_space<vmem>>
      %dma_start3A_266 = tpu.memref_squeeze %dma_start3A_265 : memref<1x128x64xf32, #tpu.memory_space<vmem>> -> memref<128x64xf32, #tpu.memory_space<vmem>>
      %dma_start3A_267 = arith.constant 0 : i32
      %dma_start3A_268 = tpu.memref_slice %arg8[%dma_start3A_260, %dma_start3A_267] : memref<16x128xi32, #tpu.memory_space<vmem>> -> memref<1x128xi32, #tpu.memory_space<vmem>>
      %dma_start3A_269 = tpu.memref_squeeze %dma_start3A_268 : memref<1x128xi32, #tpu.memory_space<vmem>> -> memref<128xi32, #tpu.memory_space<vmem>>
      %dma_start3A_270 = arith.constant 0 : i32
      %dma_start3A_271 = arith.constant 0 : i32
      %dma_start3A_272 = tpu.memref_slice %arg12[%dma_start3A_270, %dma_start3A_271] : memref<10240x64xf32, #tpu.memory_space<vmem_shared>> -> memref<10240x64xf32, #tpu.memory_space<vmem_shared>>
      %dma_start3A_273 = tpu.memref_slice %arg14[%dma_start3A_262] : memref<3x!tpu.dma_semaphore, #tpu.memory_space<semaphore_mem>> -> memref<1x!tpu.dma_semaphore, #tpu.memory_space<semaphore_mem>>
      %dma_start3A_274 = tpu.memref_squeeze %dma_start3A_273 : memref<1x!tpu.dma_semaphore, #tpu.memory_space<semaphore_mem>> -> memref<!tpu.dma_semaphore, #tpu.memory_space<semaphore_mem>>
      tpu.enqueue_indirect_dma source(%dma_start3A_272 : memref<10240x64xf32, #tpu.memory_space<vmem_shared>>) target(%dma_start3A_266 : memref<128x64xf32, #tpu.memory_space<vmem>>) offsets(%dma_start3A_269 : memref<128xi32, #tpu.memory_space<vmem>>) semaphore(%dma_start3A_274 : memref<!tpu.dma_semaphore, #tpu.memory_space<semaphore_mem>>)
      %get3A_275 = arith.constant 2 : i32
      %get3A_276 = arith.index_cast %get3A_275 : i32 to index
      %get3A_277 = arith.constant 0 : index
      %get3A_278 = tpu.vector_load %arg9[%get3A_276, %get3A_277] {strides = array<i32>} : memref<16x128xi32, #tpu.memory_space<vmem>>, vector<16xi32>,
      tpu.vector_store_idx %arg11[%get3A_278], %broadcast_in_dim3A_8 {add = true} : memref<10240xf32, #tpu.memory_space<vmem>>[vector<16xi32>], vector<16xf32>,
      %get3A_279 = arith.constant 2 : i32
      %get3A_280 = arith.index_cast %get3A_279 : i32 to index
      %get3A_281 = arith.constant 16 : index
      %get3A_282 = tpu.vector_load %arg9[%get3A_280, %get3A_281] {strides = array<i32>} : memref<16x128xi32, #tpu.memory_space<vmem>>, vector<16xi32>,
      tpu.vector_store_idx %arg11[%get3A_282], %broadcast_in_dim3A_8 {add = true} : memref<10240xf32, #tpu.memory_space<vmem>>[vector<16xi32>], vector<16xf32>,
      %get3A_283 = arith.constant 2 : i32
      %get3A_284 = arith.index_cast %get3A_283 : i32 to index
      %get3A_285 = arith.constant 32 : index
      %get3A_286 = tpu.vector_load %arg9[%get3A_284, %get3A_285] {strides = array<i32>} : memref<16x128xi32, #tpu.memory_space<vmem>>, vector<16xi32>,
      tpu.vector_store_idx %arg11[%get3A_286], %broadcast_in_dim3A_8 {add = true} : memref<10240xf32, #tpu.memory_space<vmem>>[vector<16xi32>], vector<16xf32>,
      %get3A_287 = arith.constant 2 : i32
      %get3A_288 = arith.index_cast %get3A_287 : i32 to index
      %get3A_289 = arith.constant 48 : index
      %get3A_290 = tpu.vector_load %arg9[%get3A_288, %get3A_289] {strides = array<i32>} : memref<16x128xi32, #tpu.memory_space<vmem>>, vector<16xi32>,
      tpu.vector_store_idx %arg11[%get3A_290], %broadcast_in_dim3A_8 {add = true} : memref<10240xf32, #tpu.memory_space<vmem>>[vector<16xi32>], vector<16xf32>,
      %get3A_291 = arith.constant 2 : i32
      %get3A_292 = arith.index_cast %get3A_291 : i32 to index
      %get3A_293 = arith.constant 64 : index
      %get3A_294 = tpu.vector_load %arg9[%get3A_292, %get3A_293] {strides = array<i32>} : memref<16x128xi32, #tpu.memory_space<vmem>>, vector<16xi32>,
      tpu.vector_store_idx %arg11[%get3A_294], %broadcast_in_dim3A_8 {add = true} : memref<10240xf32, #tpu.memory_space<vmem>>[vector<16xi32>], vector<16xf32>,
      %get3A_295 = arith.constant 2 : i32
      %get3A_296 = arith.index_cast %get3A_295 : i32 to index
      %get3A_297 = arith.constant 80 : index
      %get3A_298 = tpu.vector_load %arg9[%get3A_296, %get3A_297] {strides = array<i32>} : memref<16x128xi32, #tpu.memory_space<vmem>>, vector<16xi32>,
      tpu.vector_store_idx %arg11[%get3A_298], %broadcast_in_dim3A_8 {add = true} : memref<10240xf32, #tpu.memory_space<vmem>>[vector<16xi32>], vector<16xf32>,
      %get3A_299 = arith.constant 2 : i32
      %get3A_300 = arith.index_cast %get3A_299 : i32 to index
      %get3A_301 = arith.constant 96 : index
      %get3A_302 = tpu.vector_load %arg9[%get3A_300, %get3A_301] {strides = array<i32>} : memref<16x128xi32, #tpu.memory_space<vmem>>, vector<16xi32>,
      tpu.vector_store_idx %arg11[%get3A_302], %broadcast_in_dim3A_8 {add = true} : memref<10240xf32, #tpu.memory_space<vmem>>[vector<16xi32>], vector<16xf32>,
      %get3A_303 = arith.constant 2 : i32
      %get3A_304 = arith.index_cast %get3A_303 : i32 to index
      %get3A_305 = arith.constant 112 : index
      %get3A_306 = tpu.vector_load %arg9[%get3A_304, %get3A_305] {strides = array<i32>} : memref<16x128xi32, #tpu.memory_space<vmem>>, vector<16xi32>,
      tpu.vector_store_idx %arg11[%get3A_306], %broadcast_in_dim3A_8 {add = true} : memref<10240xf32, #tpu.memory_space<vmem>>[vector<16xi32>], vector<16xf32>,
      %dma_wait3A_307 = arith.constant 3 : i32
      %dma_wait3A_308 = arith.constant 0 : i32
      %dma_wait3A_309 = arith.constant 0 : i32
      %dma_wait3A_310 = arith.constant 0 : i32
      %dma_wait3A_311 = arith.constant 0 : i32
      %dma_wait3A_312 = tpu.memref_slice %arg10[%dma_wait3A_308, %dma_wait3A_310, %dma_wait3A_311] : memref<3x128x64xf32, #tpu.memory_space<vmem>> -> memref<1x128x64xf32, #tpu.memory_space<vmem>>
      %dma_wait3A_313 = tpu.memref_squeeze %dma_wait3A_312 : memref<1x128x64xf32, #tpu.memory_space<vmem>> -> memref<128x64xf32, #tpu.memory_space<vmem>>
      %dma_wait3A_314 = arith.constant 0 : i32
      %dma_wait3A_315 = tpu.memref_slice %arg8[%dma_wait3A_307, %dma_wait3A_314] : memref<16x128xi32, #tpu.memory_space<vmem>> -> memref<1x128xi32, #tpu.memory_space<vmem>>
      %dma_wait3A_316 = tpu.memref_squeeze %dma_wait3A_315 : memref<1x128xi32, #tpu.memory_space<vmem>> -> memref<128xi32, #tpu.memory_space<vmem>>
      %dma_wait3A_317 = arith.constant 0 : i32
      %dma_wait3A_318 = arith.constant 0 : i32
      %dma_wait3A_319 = tpu.memref_slice %arg12[%dma_wait3A_317, %dma_wait3A_318] : memref<10240x64xf32, #tpu.memory_space<vmem_shared>> -> memref<10240x64xf32, #tpu.memory_space<vmem_shared>>
      %dma_wait3A_320 = tpu.memref_slice %arg14[%dma_wait3A_309] : memref<3x!tpu.dma_semaphore, #tpu.memory_space<semaphore_mem>> -> memref<1x!tpu.dma_semaphore, #tpu.memory_space<semaphore_mem>>
      %dma_wait3A_321 = tpu.memref_squeeze %dma_wait3A_320 : memref<1x!tpu.dma_semaphore, #tpu.memory_space<semaphore_mem>> -> memref<!tpu.dma_semaphore, #tpu.memory_space<semaphore_mem>>
      tpu.wait_indirect_dma semaphore(%dma_wait3A_321 : memref<!tpu.dma_semaphore, #tpu.memory_space<semaphore_mem>>) src(%dma_wait3A_319 : memref<10240x64xf32, #tpu.memory_space<vmem_shared>>) dst(%dma_wait3A_313 : memref<128x64xf32, #tpu.memory_space<vmem>>)
      %dma_start3A_322 = arith.constant 0 : i32
      %dma_start3A_323 = arith.constant 3 : i32
      %dma_start3A_324 = arith.constant 0 : i32
      %dma_start3A_325 = arith.constant 0 : i32
      %dma_start3A_326 = arith.constant 0 : i32
      %dma_start3A_327 = tpu.memref_slice %arg10[%dma_start3A_322, %dma_start3A_325, %dma_start3A_326] : memref<3x128x64xf32, #tpu.memory_space<vmem>> -> memref<1x128x64xf32, #tpu.memory_space<vmem>>
      %dma_start3A_328 = tpu.memref_squeeze %dma_start3A_327 : memref<1x128x64xf32, #tpu.memory_space<vmem>> -> memref<128x64xf32, #tpu.memory_space<vmem>>
      %dma_start3A_329 = arith.constant 0 : i32
      %dma_start3A_330 = tpu.memref_slice %arg9[%dma_start3A_323, %dma_start3A_329] : memref<16x128xi32, #tpu.memory_space<vmem>> -> memref<1x128xi32, #tpu.memory_space<vmem>>
      %dma_start3A_331 = tpu.memref_squeeze %dma_start3A_330 : memref<1x128xi32, #tpu.memory_space<vmem>> -> memref<128xi32, #tpu.memory_space<vmem>>
      %dma_start3A_332 = arith.constant 0 : i32
      %dma_start3A_333 = arith.constant 0 : i32
      %dma_start3A_334 = tpu.memref_slice %arg13[%dma_start3A_332, %dma_start3A_333] : memref<10240x64xf32, #tpu.memory_space<vmem_shared>> -> memref<10240x64xf32, #tpu.memory_space<vmem_shared>>
      %dma_start3A_335 = tpu.memref_slice %arg15[%dma_start3A_324] : memref<3x!tpu.dma_semaphore, #tpu.memory_space<semaphore_mem>> -> memref<1x!tpu.dma_semaphore, #tpu.memory_space<semaphore_mem>>
      %dma_start3A_336 = tpu.memref_squeeze %dma_start3A_335 : memref<1x!tpu.dma_semaphore, #tpu.memory_space<semaphore_mem>> -> memref<!tpu.dma_semaphore, #tpu.memory_space<semaphore_mem>>
      tpu.enqueue_indirect_dma source(%dma_start3A_328 : memref<128x64xf32, #tpu.memory_space<vmem>>) target(%dma_start3A_334 : memref<10240x64xf32, #tpu.memory_space<vmem_shared>>) offsets(%dma_start3A_331 : memref<128xi32, #tpu.memory_space<vmem>>) semaphore(%dma_start3A_336 : memref<!tpu.dma_semaphore, #tpu.memory_space<semaphore_mem>>) {add = true}
      %dma_wait3A_337 = arith.constant 2 : i32
      %dma_wait3A_338 = arith.constant 2 : i32
      %dma_wait3A_339 = arith.constant 2 : i32
      %dma_wait3A_340 = arith.constant 0 : i32
      %dma_wait3A_341 = arith.constant 0 : i32
      %dma_wait3A_342 = tpu.memref_slice %arg10[%dma_wait3A_337, %dma_wait3A_340, %dma_wait3A_341] : memref<3x128x64xf32, #tpu.memory_space<vmem>> -> memref<1x128x64xf32, #tpu.memory_space<vmem>>
      %dma_wait3A_343 = tpu.memref_squeeze %dma_wait3A_342 : memref<1x128x64xf32, #tpu.memory_space<vmem>> -> memref<128x64xf32, #tpu.memory_space<vmem>>
      %dma_wait3A_344 = arith.constant 0 : i32
      %dma_wait3A_345 = tpu.memref_slice %arg9[%dma_wait3A_338, %dma_wait3A_344] : memref<16x128xi32, #tpu.memory_space<vmem>> -> memref<1x128xi32, #tpu.memory_space<vmem>>
      %dma_wait3A_346 = tpu.memref_squeeze %dma_wait3A_345 : memref<1x128xi32, #tpu.memory_space<vmem>> -> memref<128xi32, #tpu.memory_space<vmem>>
      %dma_wait3A_347 = arith.constant 0 : i32
      %dma_wait3A_348 = arith.constant 0 : i32
      %dma_wait3A_349 = tpu.memref_slice %arg13[%dma_wait3A_347, %dma_wait3A_348] : memref<10240x64xf32, #tpu.memory_space<vmem_shared>> -> memref<10240x64xf32, #tpu.memory_space<vmem_shared>>
      %dma_wait3A_350 = tpu.memref_slice %arg15[%dma_wait3A_339] : memref<3x!tpu.dma_semaphore, #tpu.memory_space<semaphore_mem>> -> memref<1x!tpu.dma_semaphore, #tpu.memory_space<semaphore_mem>>
      %dma_wait3A_351 = tpu.memref_squeeze %dma_wait3A_350 : memref<1x!tpu.dma_semaphore, #tpu.memory_space<semaphore_mem>> -> memref<!tpu.dma_semaphore, #tpu.memory_space<semaphore_mem>>
      tpu.wait_indirect_dma semaphore(%dma_wait3A_351 : memref<!tpu.dma_semaphore, #tpu.memory_space<semaphore_mem>>) src(%dma_wait3A_343 : memref<128x64xf32, #tpu.memory_space<vmem>>) dst(%dma_wait3A_349 : memref<10240x64xf32, #tpu.memory_space<vmem_shared>>)
      %dma_start3A_352 = arith.constant 5 : i32
      %dma_start3A_353 = arith.constant 2 : i32
      %dma_start3A_354 = arith.constant 2 : i32
      %dma_start3A_355 = arith.constant 0 : i32
      %dma_start3A_356 = arith.constant 0 : i32
      %dma_start3A_357 = tpu.memref_slice %arg10[%dma_start3A_353, %dma_start3A_355, %dma_start3A_356] : memref<3x128x64xf32, #tpu.memory_space<vmem>> -> memref<1x128x64xf32, #tpu.memory_space<vmem>>
      %dma_start3A_358 = tpu.memref_squeeze %dma_start3A_357 : memref<1x128x64xf32, #tpu.memory_space<vmem>> -> memref<128x64xf32, #tpu.memory_space<vmem>>
      %dma_start3A_359 = arith.constant 0 : i32
      %dma_start3A_360 = tpu.memref_slice %arg8[%dma_start3A_352, %dma_start3A_359] : memref<16x128xi32, #tpu.memory_space<vmem>> -> memref<1x128xi32, #tpu.memory_space<vmem>>
      %dma_start3A_361 = tpu.memref_squeeze %dma_start3A_360 : memref<1x128xi32, #tpu.memory_space<vmem>> -> memref<128xi32, #tpu.memory_space<vmem>>
      %dma_start3A_362 = arith.constant 0 : i32
      %dma_start3A_363 = arith.constant 0 : i32
      %dma_start3A_364 = tpu.memref_slice %arg12[%dma_start3A_362, %dma_start3A_363] : memref<10240x64xf32, #tpu.memory_space<vmem_shared>> -> memref<10240x64xf32, #tpu.memory_space<vmem_shared>>
      %dma_start3A_365 = tpu.memref_slice %arg14[%dma_start3A_354] : memref<3x!tpu.dma_semaphore, #tpu.memory_space<semaphore_mem>> -> memref<1x!tpu.dma_semaphore, #tpu.memory_space<semaphore_mem>>
      %dma_start3A_366 = tpu.memref_squeeze %dma_start3A_365 : memref<1x!tpu.dma_semaphore, #tpu.memory_space<semaphore_mem>> -> memref<!tpu.dma_semaphore, #tpu.memory_space<semaphore_mem>>
      tpu.enqueue_indirect_dma source(%dma_start3A_364 : memref<10240x64xf32, #tpu.memory_space<vmem_shared>>) target(%dma_start3A_358 : memref<128x64xf32, #tpu.memory_space<vmem>>) offsets(%dma_start3A_361 : memref<128xi32, #tpu.memory_space<vmem>>) semaphore(%dma_start3A_366 : memref<!tpu.dma_semaphore, #tpu.memory_space<semaphore_mem>>)
      %get3A_367 = arith.constant 3 : i32
      %get3A_368 = arith.index_cast %get3A_367 : i32 to index
      %get3A_369 = arith.constant 0 : index
      %get3A_370 = tpu.vector_load %arg9[%get3A_368, %get3A_369] {strides = array<i32>} : memref<16x128xi32, #tpu.memory_space<vmem>>, vector<16xi32>,
      tpu.vector_store_idx %arg11[%get3A_370], %broadcast_in_dim3A_8 {add = true} : memref<10240xf32, #tpu.memory_space<vmem>>[vector<16xi32>], vector<16xf32>,
      %get3A_371 = arith.constant 3 : i32
      %get3A_372 = arith.index_cast %get3A_371 : i32 to index
      %get3A_373 = arith.constant 16 : index
      %get3A_374 = tpu.vector_load %arg9[%get3A_372, %get3A_373] {strides = array<i32>} : memref<16x128xi32, #tpu.memory_space<vmem>>, vector<16xi32>,
      tpu.vector_store_idx %arg11[%get3A_374], %broadcast_in_dim3A_8 {add = true} : memref<10240xf32, #tpu.memory_space<vmem>>[vector<16xi32>], vector<16xf32>,
      %get3A_375 = arith.constant 3 : i32
      %get3A_376 = arith.index_cast %get3A_375 : i32 to index
      %get3A_377 = arith.constant 32 : index
      %get3A_378 = tpu.vector_load %arg9[%get3A_376, %get3A_377] {strides = array<i32>} : memref<16x128xi32, #tpu.memory_space<vmem>>, vector<16xi32>,
      tpu.vector_store_idx %arg11[%get3A_378], %broadcast_in_dim3A_8 {add = true} : memref<10240xf32, #tpu.memory_space<vmem>>[vector<16xi32>], vector<16xf32>,
      %get3A_379 = arith.constant 3 : i32
      %get3A_380 = arith.index_cast %get3A_379 : i32 to index
      %get3A_381 = arith.constant 48 : index
      %get3A_382 = tpu.vector_load %arg9[%get3A_380, %get3A_381] {strides = array<i32>} : memref<16x128xi32, #tpu.memory_space<vmem>>, vector<16xi32>,
      tpu.vector_store_idx %arg11[%get3A_382], %broadcast_in_dim3A_8 {add = true} : memref<10240xf32, #tpu.memory_space<vmem>>[vector<16xi32>], vector<16xf32>,
      %get3A_383 = arith.constant 3 : i32
      %get3A_384 = arith.index_cast %get3A_383 : i32 to index
      %get3A_385 = arith.constant 64 : index
      %get3A_386 = tpu.vector_load %arg9[%get3A_384, %get3A_385] {strides = array<i32>} : memref<16x128xi32, #tpu.memory_space<vmem>>, vector<16xi32>,
      tpu.vector_store_idx %arg11[%get3A_386], %broadcast_in_dim3A_8 {add = true} : memref<10240xf32, #tpu.memory_space<vmem>>[vector<16xi32>], vector<16xf32>,
      %get3A_387 = arith.constant 3 : i32
      %get3A_388 = arith.index_cast %get3A_387 : i32 to index
      %get3A_389 = arith.constant 80 : index
      %get3A_390 = tpu.vector_load %arg9[%get3A_388, %get3A_389] {strides = array<i32>} : memref<16x128xi32, #tpu.memory_space<vmem>>, vector<16xi32>,
      tpu.vector_store_idx %arg11[%get3A_390], %broadcast_in_dim3A_8 {add = true} : memref<10240xf32, #tpu.memory_space<vmem>>[vector<16xi32>], vector<16xf32>,
      %get3A_391 = arith.constant 3 : i32
      %get3A_392 = arith.index_cast %get3A_391 : i32 to index
      %get3A_393 = arith.constant 96 : index
      %get3A_394 = tpu.vector_load %arg9[%get3A_392, %get3A_393] {strides = array<i32>} : memref<16x128xi32, #tpu.memory_space<vmem>>, vector<16xi32>,
      tpu.vector_store_idx %arg11[%get3A_394], %broadcast_in_dim3A_8 {add = true} : memref<10240xf32, #tpu.memory_space<vmem>>[vector<16xi32>], vector<16xf32>,
      %get3A_395 = arith.constant 3 : i32
      %get3A_396 = arith.index_cast %get3A_395 : i32 to index
      %get3A_397 = arith.constant 112 : index
      %get3A_398 = tpu.vector_load %arg9[%get3A_396, %get3A_397] {strides = array<i32>} : memref<16x128xi32, #tpu.memory_space<vmem>>, vector<16xi32>,
      tpu.vector_store_idx %arg11[%get3A_398], %broadcast_in_dim3A_8 {add = true} : memref<10240xf32, #tpu.memory_space<vmem>>[vector<16xi32>], vector<16xf32>,
      %dma_wait3A_399 = arith.constant 4 : i32
      %dma_wait3A_400 = arith.constant 1 : i32
      %dma_wait3A_401 = arith.constant 1 : i32
      %dma_wait3A_402 = arith.constant 0 : i32
      %dma_wait3A_403 = arith.constant 0 : i32
      %dma_wait3A_404 = tpu.memref_slice %arg10[%dma_wait3A_400, %dma_wait3A_402, %dma_wait3A_403] : memref<3x128x64xf32, #tpu.memory_space<vmem>> -> memref<1x128x64xf32, #tpu.memory_space<vmem>>
      %dma_wait3A_405 = tpu.memref_squeeze %dma_wait3A_404 : memref<1x128x64xf32, #tpu.memory_space<vmem>> -> memref<128x64xf32, #tpu.memory_space<vmem>>
      %dma_wait3A_406 = arith.constant 0 : i32
      %dma_wait3A_407 = tpu.memref_slice %arg8[%dma_wait3A_399, %dma_wait3A_406] : memref<16x128xi32, #tpu.memory_space<vmem>> -> memref<1x128xi32, #tpu.memory_space<vmem>>
      %dma_wait3A_408 = tpu.memref_squeeze %dma_wait3A_407 : memref<1x128xi32, #tpu.memory_space<vmem>> -> memref<128xi32, #tpu.memory_space<vmem>>
      %dma_wait3A_409 = arith.constant 0 : i32
      %dma_wait3A_410 = arith.constant 0 : i32
      %dma_wait3A_411 = tpu.memref_slice %arg12[%dma_wait3A_409, %dma_wait3A_410] : memref<10240x64xf32, #tpu.memory_space<vmem_shared>> -> memref<10240x64xf32, #tpu.memory_space<vmem_shared>>
      %dma_wait3A_412 = tpu.memref_slice %arg14[%dma_wait3A_401] : memref<3x!tpu.dma_semaphore, #tpu.memory_space<semaphore_mem>> -> memref<1x!tpu.dma_semaphore, #tpu.memory_space<semaphore_mem>>
      %dma_wait3A_413 = tpu.memref_squeeze %dma_wait3A_412 : memref<1x!tpu.dma_semaphore, #tpu.memory_space<semaphore_mem>> -> memref<!tpu.dma_semaphore, #tpu.memory_space<semaphore_mem>>
      tpu.wait_indirect_dma semaphore(%dma_wait3A_413 : memref<!tpu.dma_semaphore, #tpu.memory_space<semaphore_mem>>) src(%dma_wait3A_411 : memref<10240x64xf32, #tpu.memory_space<vmem_shared>>) dst(%dma_wait3A_405 : memref<128x64xf32, #tpu.memory_space<vmem>>)
      %dma_start3A_414 = arith.constant 1 : i32
      %dma_start3A_415 = arith.constant 4 : i32
      %dma_start3A_416 = arith.constant 1 : i32
      %dma_start3A_417 = arith.constant 0 : i32
      %dma_start3A_418 = arith.constant 0 : i32
      %dma_start3A_419 = tpu.memref_slice %arg10[%dma_start3A_414, %dma_start3A_417, %dma_start3A_418] : memref<3x128x64xf32, #tpu.memory_space<vmem>> -> memref<1x128x64xf32, #tpu.memory_space<vmem>>
      %dma_start3A_420 = tpu.memref_squeeze %dma_start3A_419 : memref<1x128x64xf32, #tpu.memory_space<vmem>> -> memref<128x64xf32, #tpu.memory_space<vmem>>
      %dma_start3A_421 = arith.constant 0 : i32
      %dma_start3A_422 = tpu.memref_slice %arg9[%dma_start3A_415, %dma_start3A_421] : memref<16x128xi32, #tpu.memory_space<vmem>> -> memref<1x128xi32, #tpu.memory_space<vmem>>
      %dma_start3A_423 = tpu.memref_squeeze %dma_start3A_422 : memref<1x128xi32, #tpu.memory_space<vmem>> -> memref<128xi32, #tpu.memory_space<vmem>>
      %dma_start3A_424 = arith.constant 0 : i32
      %dma_start3A_425 = arith.constant 0 : i32
      %dma_start3A_426 = tpu.memref_slice %arg13[%dma_start3A_424, %dma_start3A_425] : memref<10240x64xf32, #tpu.memory_space<vmem_shared>> -> memref<10240x64xf32, #tpu.memory_space<vmem_shared>>
      %dma_start3A_427 = tpu.memref_slice %arg15[%dma_start3A_416] : memref<3x!tpu.dma_semaphore, #tpu.memory_space<semaphore_mem>> -> memref<1x!tpu.dma_semaphore, #tpu.memory_space<semaphore_mem>>
      %dma_start3A_428 = tpu.memref_squeeze %dma_start3A_427 : memref<1x!tpu.dma_semaphore, #tpu.memory_space<semaphore_mem>> -> memref<!tpu.dma_semaphore, #tpu.memory_space<semaphore_mem>>
      tpu.enqueue_indirect_dma source(%dma_start3A_420 : memref<128x64xf32, #tpu.memory_space<vmem>>) target(%dma_start3A_426 : memref<10240x64xf32, #tpu.memory_space<vmem_shared>>) offsets(%dma_start3A_423 : memref<128xi32, #tpu.memory_space<vmem>>) semaphore(%dma_start3A_428 : memref<!tpu.dma_semaphore, #tpu.memory_space<semaphore_mem>>) {add = true}
      %dma_wait3A_429 = arith.constant 0 : i32
      %dma_wait3A_430 = arith.constant 3 : i32
      %dma_wait3A_431 = arith.constant 0 : i32
      %dma_wait3A_432 = arith.constant 0 : i32
      %dma_wait3A_433 = arith.constant 0 : i32
      %dma_wait3A_434 = tpu.memref_slice %arg10[%dma_wait3A_429, %dma_wait3A_432, %dma_wait3A_433] : memref<3x128x64xf32, #tpu.memory_space<vmem>> -> memref<1x128x64xf32, #tpu.memory_space<vmem>>
      %dma_wait3A_435 = tpu.memref_squeeze %dma_wait3A_434 : memref<1x128x64xf32, #tpu.memory_space<vmem>> -> memref<128x64xf32, #tpu.memory_space<vmem>>
      %dma_wait3A_436 = arith.constant 0 : i32
      %dma_wait3A_437 = tpu.memref_slice %arg9[%dma_wait3A_430, %dma_wait3A_436] : memref<16x128xi32, #tpu.memory_space<vmem>> -> memref<1x128xi32, #tpu.memory_space<vmem>>
      %dma_wait3A_438 = tpu.memref_squeeze %dma_wait3A_437 : memref<1x128xi32, #tpu.memory_space<vmem>> -> memref<128xi32, #tpu.memory_space<vmem>>
      %dma_wait3A_439 = arith.constant 0 : i32
      %dma_wait3A_440 = arith.constant 0 : i32
      %dma_wait3A_441 = tpu.memref_slice %arg13[%dma_wait3A_439, %dma_wait3A_440] : memref<10240x64xf32, #tpu.memory_space<vmem_shared>> -> memref<10240x64xf32, #tpu.memory_space<vmem_shared>>
      %dma_wait3A_442 = tpu.memref_slice %arg15[%dma_wait3A_431] : memref<3x!tpu.dma_semaphore, #tpu.memory_space<semaphore_mem>> -> memref<1x!tpu.dma_semaphore, #tpu.memory_space<semaphore_mem>>
      %dma_wait3A_443 = tpu.memref_squeeze %dma_wait3A_442 : memref<1x!tpu.dma_semaphore, #tpu.memory_space<semaphore_mem>> -> memref<!tpu.dma_semaphore, #tpu.memory_space<semaphore_mem>>
      tpu.wait_indirect_dma semaphore(%dma_wait3A_443 : memref<!tpu.dma_semaphore, #tpu.memory_space<semaphore_mem>>) src(%dma_wait3A_435 : memref<128x64xf32, #tpu.memory_space<vmem>>) dst(%dma_wait3A_441 : memref<10240x64xf32, #tpu.memory_space<vmem_shared>>)
      %dma_start3A_444 = arith.constant 6 : i32
      %dma_start3A_445 = arith.constant 0 : i32
      %dma_start3A_446 = arith.constant 0 : i32
      %dma_start3A_447 = arith.constant 0 : i32
      %dma_start3A_448 = arith.constant 0 : i32
      %dma_start3A_449 = tpu.memref_slice %arg10[%dma_start3A_445, %dma_start3A_447, %dma_start3A_448] : memref<3x128x64xf32, #tpu.memory_space<vmem>> -> memref<1x128x64xf32, #tpu.memory_space<vmem>>
      %dma_start3A_450 = tpu.memref_squeeze %dma_start3A_449 : memref<1x128x64xf32, #tpu.memory_space<vmem>> -> memref<128x64xf32, #tpu.memory_space<vmem>>
      %dma_start3A_451 = arith.constant 0 : i32
      %dma_start3A_452 = tpu.memref_slice %arg8[%dma_start3A_444, %dma_start3A_451] : memref<16x128xi32, #tpu.memory_space<vmem>> -> memref<1x128xi32, #tpu.memory_space<vmem>>
      %dma_start3A_453 = tpu.memref_squeeze %dma_start3A_452 : memref<1x128xi32, #tpu.memory_space<vmem>> -> memref<128xi32, #tpu.memory_space<vmem>>
      %dma_start3A_454 = arith.constant 0 : i32
      %dma_start3A_455 = arith.constant 0 : i32
      %dma_start3A_456 = tpu.memref_slice %arg12[%dma_start3A_454, %dma_start3A_455] : memref<10240x64xf32, #tpu.memory_space<vmem_shared>> -> memref<10240x64xf32, #tpu.memory_space<vmem_shared>>
      %dma_start3A_457 = tpu.memref_slice %arg14[%dma_start3A_446] : memref<3x!tpu.dma_semaphore, #tpu.memory_space<semaphore_mem>> -> memref<1x!tpu.dma_semaphore, #tpu.memory_space<semaphore_mem>>
      %dma_start3A_458 = tpu.memref_squeeze %dma_start3A_457 : memref<1x!tpu.dma_semaphore, #tpu.memory_space<semaphore_mem>> -> memref<!tpu.dma_semaphore, #tpu.memory_space<semaphore_mem>>
      tpu.enqueue_indirect_dma source(%dma_start3A_456 : memref<10240x64xf32, #tpu.memory_space<vmem_shared>>) target(%dma_start3A_450 : memref<128x64xf32, #tpu.memory_space<vmem>>) offsets(%dma_start3A_453 : memref<128xi32, #tpu.memory_space<vmem>>) semaphore(%dma_start3A_458 : memref<!tpu.dma_semaphore, #tpu.memory_space<semaphore_mem>>)
      %get3A_459 = arith.constant 4 : i32
      %get3A_460 = arith.index_cast %get3A_459 : i32 to index
      %get3A_461 = arith.constant 0 : index
      %get3A_462 = tpu.vector_load %arg9[%get3A_460, %get3A_461] {strides = array<i32>} : memref<16x128xi32, #tpu.memory_space<vmem>>, vector<16xi32>,
      tpu.vector_store_idx %arg11[%get3A_462], %broadcast_in_dim3A_8 {add = true} : memref<10240xf32, #tpu.memory_space<vmem>>[vector<16xi32>], vector<16xf32>,
      %get3A_463 = arith.constant 4 : i32
      %get3A_464 = arith.index_cast %get3A_463 : i32 to index
      %get3A_465 = arith.constant 16 : index
      %get3A_466 = tpu.vector_load %arg9[%get3A_464, %get3A_465] {strides = array<i32>} : memref<16x128xi32, #tpu.memory_space<vmem>>, vector<16xi32>,
      tpu.vector_store_idx %arg11[%get3A_466], %broadcast_in_dim3A_8 {add = true} : memref<10240xf32, #tpu.memory_space<vmem>>[vector<16xi32>], vector<16xf32>,
      %get3A_467 = arith.constant 4 : i32
      %get3A_468 = arith.index_cast %get3A_467 : i32 to index
      %get3A_469 = arith.constant 32 : index
      %get3A_470 = tpu.vector_load %arg9[%get3A_468, %get3A_469] {strides = array<i32>} : memref<16x128xi32, #tpu.memory_space<vmem>>, vector<16xi32>,
      tpu.vector_store_idx %arg11[%get3A_470], %broadcast_in_dim3A_8 {add = true} : memref<10240xf32, #tpu.memory_space<vmem>>[vector<16xi32>], vector<16xf32>,
      %get3A_471 = arith.constant 4 : i32
      %get3A_472 = arith.index_cast %get3A_471 : i32 to index
      %get3A_473 = arith.constant 48 : index
      %get3A_474 = tpu.vector_load %arg9[%get3A_472, %get3A_473] {strides = array<i32>} : memref<16x128xi32, #tpu.memory_space<vmem>>, vector<16xi32>,
      tpu.vector_store_idx %arg11[%get3A_474], %broadcast_in_dim3A_8 {add = true} : memref<10240xf32, #tpu.memory_space<vmem>>[vector<16xi32>], vector<16xf32>,
      %get3A_475 = arith.constant 4 : i32
      %get3A_476 = arith.index_cast %get3A_475 : i32 to index
      %get3A_477 = arith.constant 64 : index
      %get3A_478 = tpu.vector_load %arg9[%get3A_476, %get3A_477] {strides = array<i32>} : memref<16x128xi32, #tpu.memory_space<vmem>>, vector<16xi32>,
      tpu.vector_store_idx %arg11[%get3A_478], %broadcast_in_dim3A_8 {add = true} : memref<10240xf32, #tpu.memory_space<vmem>>[vector<16xi32>], vector<16xf32>,
      %get3A_479 = arith.constant 4 : i32
      %get3A_480 = arith.index_cast %get3A_479 : i32 to index
      %get3A_481 = arith.constant 80 : index
      %get3A_482 = tpu.vector_load %arg9[%get3A_480, %get3A_481] {strides = array<i32>} : memref<16x128xi32, #tpu.memory_space<vmem>>, vector<16xi32>,
      tpu.vector_store_idx %arg11[%get3A_482], %broadcast_in_dim3A_8 {add = true} : memref<10240xf32, #tpu.memory_space<vmem>>[vector<16xi32>], vector<16xf32>,
      %get3A_483 = arith.constant 4 : i32
      %get3A_484 = arith.index_cast %get3A_483 : i32 to index
      %get3A_485 = arith.constant 96 : index
      %get3A_486 = tpu.vector_load %arg9[%get3A_484, %get3A_485] {strides = array<i32>} : memref<16x128xi32, #tpu.memory_space<vmem>>, vector<16xi32>,
      tpu.vector_store_idx %arg11[%get3A_486], %broadcast_in_dim3A_8 {add = true} : memref<10240xf32, #tpu.memory_space<vmem>>[vector<16xi32>], vector<16xf32>,
      %get3A_487 = arith.constant 4 : i32
      %get3A_488 = arith.index_cast %get3A_487 : i32 to index
      %get3A_489 = arith.constant 112 : index
      %get3A_490 = tpu.vector_load %arg9[%get3A_488, %get3A_489] {strides = array<i32>} : memref<16x128xi32, #tpu.memory_space<vmem>>, vector<16xi32>,
      tpu.vector_store_idx %arg11[%get3A_490], %broadcast_in_dim3A_8 {add = true} : memref<10240xf32, #tpu.memory_space<vmem>>[vector<16xi32>], vector<16xf32>,
      %dma_wait3A_491 = arith.constant 5 : i32
      %dma_wait3A_492 = arith.constant 2 : i32
      %dma_wait3A_493 = arith.constant 2 : i32
      %dma_wait3A_494 = arith.constant 0 : i32
      %dma_wait3A_495 = arith.constant 0 : i32
      %dma_wait3A_496 = tpu.memref_slice %arg10[%dma_wait3A_492, %dma_wait3A_494, %dma_wait3A_495] : memref<3x128x64xf32, #tpu.memory_space<vmem>> -> memref<1x128x64xf32, #tpu.memory_space<vmem>>
      %dma_wait3A_497 = tpu.memref_squeeze %dma_wait3A_496 : memref<1x128x64xf32, #tpu.memory_space<vmem>> -> memref<128x64xf32, #tpu.memory_space<vmem>>
      %dma_wait3A_498 = arith.constant 0 : i32
      %dma_wait3A_499 = tpu.memref_slice %arg8[%dma_wait3A_491, %dma_wait3A_498] : memref<16x128xi32, #tpu.memory_space<vmem>> -> memref<1x128xi32, #tpu.memory_space<vmem>>
      %dma_wait3A_500 = tpu.memref_squeeze %dma_wait3A_499 : memref<1x128xi32, #tpu.memory_space<vmem>> -> memref<128xi32, #tpu.memory_space<vmem>>
      %dma_wait3A_501 = arith.constant 0 : i32
      %dma_wait3A_502 = arith.constant 0 : i32
      %dma_wait3A_503 = tpu.memref_slice %arg12[%dma_wait3A_501, %dma_wait3A_502] : memref<10240x64xf32, #tpu.memory_space<vmem_shared>> -> memref<10240x64xf32, #tpu.memory_space<vmem_shared>>
      %dma_wait3A_504 = tpu.memref_slice %arg14[%dma_wait3A_493] : memref<3x!tpu.dma_semaphore, #tpu.memory_space<semaphore_mem>> -> memref<1x!tpu.dma_semaphore, #tpu.memory_space<semaphore_mem>>
      %dma_wait3A_505 = tpu.memref_squeeze %dma_wait3A_504 : memref<1x!tpu.dma_semaphore, #tpu.memory_space<semaphore_mem>> -> memref<!tpu.dma_semaphore, #tpu.memory_space<semaphore_mem>>
      tpu.wait_indirect_dma semaphore(%dma_wait3A_505 : memref<!tpu.dma_semaphore, #tpu.memory_space<semaphore_mem>>) src(%dma_wait3A_503 : memref<10240x64xf32, #tpu.memory_space<vmem_shared>>) dst(%dma_wait3A_497 : memref<128x64xf32, #tpu.memory_space<vmem>>)
      %dma_start3A_506 = arith.constant 2 : i32
      %dma_start3A_507 = arith.constant 5 : i32
      %dma_start3A_508 = arith.constant 2 : i32
      %dma_start3A_509 = arith.constant 0 : i32
      %dma_start3A_510 = arith.constant 0 : i32
      %dma_start3A_511 = tpu.memref_slice %arg10[%dma_start3A_506, %dma_start3A_509, %dma_start3A_510] : memref<3x128x64xf32, #tpu.memory_space<vmem>> -> memref<1x128x64xf32, #tpu.memory_space<vmem>>
      %dma_start3A_512 = tpu.memref_squeeze %dma_start3A_511 : memref<1x128x64xf32, #tpu.memory_space<vmem>> -> memref<128x64xf32, #tpu.memory_space<vmem>>
      %dma_start3A_513 = arith.constant 0 : i32
      %dma_start3A_514 = tpu.memref_slice %arg9[%dma_start3A_507, %dma_start3A_513] : memref<16x128xi32, #tpu.memory_space<vmem>> -> memref<1x128xi32, #tpu.memory_space<vmem>>
      %dma_start3A_515 = tpu.memref_squeeze %dma_start3A_514 : memref<1x128xi32, #tpu.memory_space<vmem>> -> memref<128xi32, #tpu.memory_space<vmem>>
      %dma_start3A_516 = arith.constant 0 : i32
      %dma_start3A_517 = arith.constant 0 : i32
      %dma_start3A_518 = tpu.memref_slice %arg13[%dma_start3A_516, %dma_start3A_517] : memref<10240x64xf32, #tpu.memory_space<vmem_shared>> -> memref<10240x64xf32, #tpu.memory_space<vmem_shared>>
      %dma_start3A_519 = tpu.memref_slice %arg15[%dma_start3A_508] : memref<3x!tpu.dma_semaphore, #tpu.memory_space<semaphore_mem>> -> memref<1x!tpu.dma_semaphore, #tpu.memory_space<semaphore_mem>>
      %dma_start3A_520 = tpu.memref_squeeze %dma_start3A_519 : memref<1x!tpu.dma_semaphore, #tpu.memory_space<semaphore_mem>> -> memref<!tpu.dma_semaphore, #tpu.memory_space<semaphore_mem>>
      tpu.enqueue_indirect_dma source(%dma_start3A_512 : memref<128x64xf32, #tpu.memory_space<vmem>>) target(%dma_start3A_518 : memref<10240x64xf32, #tpu.memory_space<vmem_shared>>) offsets(%dma_start3A_515 : memref<128xi32, #tpu.memory_space<vmem>>) semaphore(%dma_start3A_520 : memref<!tpu.dma_semaphore, #tpu.memory_space<semaphore_mem>>) {add = true}
      %dma_wait3A_521 = arith.constant 1 : i32
      %dma_wait3A_522 = arith.constant 4 : i32
      %dma_wait3A_523 = arith.constant 1 : i32
      %dma_wait3A_524 = arith.constant 0 : i32
      %dma_wait3A_525 = arith.constant 0 : i32
      %dma_wait3A_526 = tpu.memref_slice %arg10[%dma_wait3A_521, %dma_wait3A_524, %dma_wait3A_525] : memref<3x128x64xf32, #tpu.memory_space<vmem>> -> memref<1x128x64xf32, #tpu.memory_space<vmem>>
      %dma_wait3A_527 = tpu.memref_squeeze %dma_wait3A_526 : memref<1x128x64xf32, #tpu.memory_space<vmem>> -> memref<128x64xf32, #tpu.memory_space<vmem>>
      %dma_wait3A_528 = arith.constant 0 : i32
      %dma_wait3A_529 = tpu.memref_slice %arg9[%dma_wait3A_522, %dma_wait3A_528] : memref<16x128xi32, #tpu.memory_space<vmem>> -> memref<1x128xi32, #tpu.memory_space<vmem>>
      %dma_wait3A_530 = tpu.memref_squeeze %dma_wait3A_529 : memref<1x128xi32, #tpu.memory_space<vmem>> -> memref<128xi32, #tpu.memory_space<vmem>>
      %dma_wait3A_531 = arith.constant 0 : i32
      %dma_wait3A_532 = arith.constant 0 : i32
      %dma_wait3A_533 = tpu.memref_slice %arg13[%dma_wait3A_531, %dma_wait3A_532] : memref<10240x64xf32, #tpu.memory_space<vmem_shared>> -> memref<10240x64xf32, #tpu.memory_space<vmem_shared>>
      %dma_wait3A_534 = tpu.memref_slice %arg15[%dma_wait3A_523] : memref<3x!tpu.dma_semaphore, #tpu.memory_space<semaphore_mem>> -> memref<1x!tpu.dma_semaphore, #tpu.memory_space<semaphore_mem>>
      %dma_wait3A_535 = tpu.memref_squeeze %dma_wait3A_534 : memref<1x!tpu.dma_semaphore, #tpu.memory_space<semaphore_mem>> -> memref<!tpu.dma_semaphore, #tpu.memory_space<semaphore_mem>>
      tpu.wait_indirect_dma semaphore(%dma_wait3A_535 : memref<!tpu.dma_semaphore, #tpu.memory_space<semaphore_mem>>) src(%dma_wait3A_527 : memref<128x64xf32, #tpu.memory_space<vmem>>) dst(%dma_wait3A_533 : memref<10240x64xf32, #tpu.memory_space<vmem_shared>>)
      %dma_start3A_536 = arith.constant 7 : i32
      %dma_start3A_537 = arith.constant 1 : i32
      %dma_start3A_538 = arith.constant 1 : i32
      %dma_start3A_539 = arith.constant 0 : i32
      %dma_start3A_540 = arith.constant 0 : i32
      %dma_start3A_541 = tpu.memref_slice %arg10[%dma_start3A_537, %dma_start3A_539, %dma_start3A_540] : memref<3x128x64xf32, #tpu.memory_space<vmem>> -> memref<1x128x64xf32, #tpu.memory_space<vmem>>
      %dma_start3A_542 = tpu.memref_squeeze %dma_start3A_541 : memref<1x128x64xf32, #tpu.memory_space<vmem>> -> memref<128x64xf32, #tpu.memory_space<vmem>>
      %dma_start3A_543 = arith.constant 0 : i32
      %dma_start3A_544 = tpu.memref_slice %arg8[%dma_start3A_536, %dma_start3A_543] : memref<16x128xi32, #tpu.memory_space<vmem>> -> memref<1x128xi32, #tpu.memory_space<vmem>>
      %dma_start3A_545 = tpu.memref_squeeze %dma_start3A_544 : memref<1x128xi32, #tpu.memory_space<vmem>> -> memref<128xi32, #tpu.memory_space<vmem>>
      %dma_start3A_546 = arith.constant 0 : i32
      %dma_start3A_547 = arith.constant 0 : i32
      %dma_start3A_548 = tpu.memref_slice %arg12[%dma_start3A_546, %dma_start3A_547] : memref<10240x64xf32, #tpu.memory_space<vmem_shared>> -> memref<10240x64xf32, #tpu.memory_space<vmem_shared>>
      %dma_start3A_549 = tpu.memref_slice %arg14[%dma_start3A_538] : memref<3x!tpu.dma_semaphore, #tpu.memory_space<semaphore_mem>> -> memref<1x!tpu.dma_semaphore, #tpu.memory_space<semaphore_mem>>
      %dma_start3A_550 = tpu.memref_squeeze %dma_start3A_549 : memref<1x!tpu.dma_semaphore, #tpu.memory_space<semaphore_mem>> -> memref<!tpu.dma_semaphore, #tpu.memory_space<semaphore_mem>>
      tpu.enqueue_indirect_dma source(%dma_start3A_548 : memref<10240x64xf32, #tpu.memory_space<vmem_shared>>) target(%dma_start3A_542 : memref<128x64xf32, #tpu.memory_space<vmem>>) offsets(%dma_start3A_545 : memref<128xi32, #tpu.memory_space<vmem>>) semaphore(%dma_start3A_550 : memref<!tpu.dma_semaphore, #tpu.memory_space<semaphore_mem>>)
      %get3A_551 = arith.constant 5 : i32
      %get3A_552 = arith.index_cast %get3A_551 : i32 to index
      %get3A_553 = arith.constant 0 : index
      %get3A_554 = tpu.vector_load %arg9[%get3A_552, %get3A_553] {strides = array<i32>} : memref<16x128xi32, #tpu.memory_space<vmem>>, vector<16xi32>,
      tpu.vector_store_idx %arg11[%get3A_554], %broadcast_in_dim3A_8 {add = true} : memref<10240xf32, #tpu.memory_space<vmem>>[vector<16xi32>], vector<16xf32>,
      %get3A_555 = arith.constant 5 : i32
      %get3A_556 = arith.index_cast %get3A_555 : i32 to index
      %get3A_557 = arith.constant 16 : index
      %get3A_558 = tpu.vector_load %arg9[%get3A_556, %get3A_557] {strides = array<i32>} : memref<16x128xi32, #tpu.memory_space<vmem>>, vector<16xi32>,
      tpu.vector_store_idx %arg11[%get3A_558], %broadcast_in_dim3A_8 {add = true} : memref<10240xf32, #tpu.memory_space<vmem>>[vector<16xi32>], vector<16xf32>,
      %get3A_559 = arith.constant 5 : i32
      %get3A_560 = arith.index_cast %get3A_559 : i32 to index
      %get3A_561 = arith.constant 32 : index
      %get3A_562 = tpu.vector_load %arg9[%get3A_560, %get3A_561] {strides = array<i32>} : memref<16x128xi32, #tpu.memory_space<vmem>>, vector<16xi32>,
      tpu.vector_store_idx %arg11[%get3A_562], %broadcast_in_dim3A_8 {add = true} : memref<10240xf32, #tpu.memory_space<vmem>>[vector<16xi32>], vector<16xf32>,
      %get3A_563 = arith.constant 5 : i32
      %get3A_564 = arith.index_cast %get3A_563 : i32 to index
      %get3A_565 = arith.constant 48 : index
      %get3A_566 = tpu.vector_load %arg9[%get3A_564, %get3A_565] {strides = array<i32>} : memref<16x128xi32, #tpu.memory_space<vmem>>, vector<16xi32>,
      tpu.vector_store_idx %arg11[%get3A_566], %broadcast_in_dim3A_8 {add = true} : memref<10240xf32, #tpu.memory_space<vmem>>[vector<16xi32>], vector<16xf32>,
      %get3A_567 = arith.constant 5 : i32
      %get3A_568 = arith.index_cast %get3A_567 : i32 to index
      %get3A_569 = arith.constant 64 : index
      %get3A_570 = tpu.vector_load %arg9[%get3A_568, %get3A_569] {strides = array<i32>} : memref<16x128xi32, #tpu.memory_space<vmem>>, vector<16xi32>,
      tpu.vector_store_idx %arg11[%get3A_570], %broadcast_in_dim3A_8 {add = true} : memref<10240xf32, #tpu.memory_space<vmem>>[vector<16xi32>], vector<16xf32>,
      %get3A_571 = arith.constant 5 : i32
      %get3A_572 = arith.index_cast %get3A_571 : i32 to index
      %get3A_573 = arith.constant 80 : index
      %get3A_574 = tpu.vector_load %arg9[%get3A_572, %get3A_573] {strides = array<i32>} : memref<16x128xi32, #tpu.memory_space<vmem>>, vector<16xi32>,
      tpu.vector_store_idx %arg11[%get3A_574], %broadcast_in_dim3A_8 {add = true} : memref<10240xf32, #tpu.memory_space<vmem>>[vector<16xi32>], vector<16xf32>,
      %get3A_575 = arith.constant 5 : i32
      %get3A_576 = arith.index_cast %get3A_575 : i32 to index
      %get3A_577 = arith.constant 96 : index
      %get3A_578 = tpu.vector_load %arg9[%get3A_576, %get3A_577] {strides = array<i32>} : memref<16x128xi32, #tpu.memory_space<vmem>>, vector<16xi32>,
      tpu.vector_store_idx %arg11[%get3A_578], %broadcast_in_dim3A_8 {add = true} : memref<10240xf32, #tpu.memory_space<vmem>>[vector<16xi32>], vector<16xf32>,
      %get3A_579 = arith.constant 5 : i32
      %get3A_580 = arith.index_cast %get3A_579 : i32 to index
      %get3A_581 = arith.constant 112 : index
      %get3A_582 = tpu.vector_load %arg9[%get3A_580, %get3A_581] {strides = array<i32>} : memref<16x128xi32, #tpu.memory_space<vmem>>, vector<16xi32>,
      tpu.vector_store_idx %arg11[%get3A_582], %broadcast_in_dim3A_8 {add = true} : memref<10240xf32, #tpu.memory_space<vmem>>[vector<16xi32>], vector<16xf32>,
      %dma_wait3A_583 = arith.constant 6 : i32
      %dma_wait3A_584 = arith.constant 0 : i32
      %dma_wait3A_585 = arith.constant 0 : i32
      %dma_wait3A_586 = arith.constant 0 : i32
      %dma_wait3A_587 = arith.constant 0 : i32
      %dma_wait3A_588 = tpu.memref_slice %arg10[%dma_wait3A_584, %dma_wait3A_586, %dma_wait3A_587] : memref<3x128x64xf32, #tpu.memory_space<vmem>> -> memref<1x128x64xf32, #tpu.memory_space<vmem>>
      %dma_wait3A_589 = tpu.memref_squeeze %dma_wait3A_588 : memref<1x128x64xf32, #tpu.memory_space<vmem>> -> memref<128x64xf32, #tpu.memory_space<vmem>>
      %dma_wait3A_590 = arith.constant 0 : i32
      %dma_wait3A_591 = tpu.memref_slice %arg8[%dma_wait3A_583, %dma_wait3A_590] : memref<16x128xi32, #tpu.memory_space<vmem>> -> memref<1x128xi32, #tpu.memory_space<vmem>>
      %dma_wait3A_592 = tpu.memref_squeeze %dma_wait3A_591 : memref<1x128xi32, #tpu.memory_space<vmem>> -> memref<128xi32, #tpu.memory_space<vmem>>
      %dma_wait3A_593 = arith.constant 0 : i32
      %dma_wait3A_594 = arith.constant 0 : i32
      %dma_wait3A_595 = tpu.memref_slice %arg12[%dma_wait3A_593, %dma_wait3A_594] : memref<10240x64xf32, #tpu.memory_space<vmem_shared>> -> memref<10240x64xf32, #tpu.memory_space<vmem_shared>>
      %dma_wait3A_596 = tpu.memref_slice %arg14[%dma_wait3A_585] : memref<3x!tpu.dma_semaphore, #tpu.memory_space<semaphore_mem>> -> memref<1x!tpu.dma_semaphore, #tpu.memory_space<semaphore_mem>>
      %dma_wait3A_597 = tpu.memref_squeeze %dma_wait3A_596 : memref<1x!tpu.dma_semaphore, #tpu.memory_space<semaphore_mem>> -> memref<!tpu.dma_semaphore, #tpu.memory_space<semaphore_mem>>
      tpu.wait_indirect_dma semaphore(%dma_wait3A_597 : memref<!tpu.dma_semaphore, #tpu.memory_space<semaphore_mem>>) src(%dma_wait3A_595 : memref<10240x64xf32, #tpu.memory_space<vmem_shared>>) dst(%dma_wait3A_589 : memref<128x64xf32, #tpu.memory_space<vmem>>)
      %dma_start3A_598 = arith.constant 0 : i32
      %dma_start3A_599 = arith.constant 6 : i32
      %dma_start3A_600 = arith.constant 0 : i32
      %dma_start3A_601 = arith.constant 0 : i32
      %dma_start3A_602 = arith.constant 0 : i32
      %dma_start3A_603 = tpu.memref_slice %arg10[%dma_start3A_598, %dma_start3A_601, %dma_start3A_602] : memref<3x128x64xf32, #tpu.memory_space<vmem>> -> memref<1x128x64xf32, #tpu.memory_space<vmem>>
      %dma_start3A_604 = tpu.memref_squeeze %dma_start3A_603 : memref<1x128x64xf32, #tpu.memory_space<vmem>> -> memref<128x64xf32, #tpu.memory_space<vmem>>
      %dma_start3A_605 = arith.constant 0 : i32
      %dma_start3A_606 = tpu.memref_slice %arg9[%dma_start3A_599, %dma_start3A_605] : memref<16x128xi32, #tpu.memory_space<vmem>> -> memref<1x128xi32, #tpu.memory_space<vmem>>
      %dma_start3A_607 = tpu.memref_squeeze %dma_start3A_606 : memref<1x128xi32, #tpu.memory_space<vmem>> -> memref<128xi32, #tpu.memory_space<vmem>>
      %dma_start3A_608 = arith.constant 0 : i32
      %dma_start3A_609 = arith.constant 0 : i32
      %dma_start3A_610 = tpu.memref_slice %arg13[%dma_start3A_608, %dma_start3A_609] : memref<10240x64xf32, #tpu.memory_space<vmem_shared>> -> memref<10240x64xf32, #tpu.memory_space<vmem_shared>>
      %dma_start3A_611 = tpu.memref_slice %arg15[%dma_start3A_600] : memref<3x!tpu.dma_semaphore, #tpu.memory_space<semaphore_mem>> -> memref<1x!tpu.dma_semaphore, #tpu.memory_space<semaphore_mem>>
      %dma_start3A_612 = tpu.memref_squeeze %dma_start3A_611 : memref<1x!tpu.dma_semaphore, #tpu.memory_space<semaphore_mem>> -> memref<!tpu.dma_semaphore, #tpu.memory_space<semaphore_mem>>
      tpu.enqueue_indirect_dma source(%dma_start3A_604 : memref<128x64xf32, #tpu.memory_space<vmem>>) target(%dma_start3A_610 : memref<10240x64xf32, #tpu.memory_space<vmem_shared>>) offsets(%dma_start3A_607 : memref<128xi32, #tpu.memory_space<vmem>>) semaphore(%dma_start3A_612 : memref<!tpu.dma_semaphore, #tpu.memory_space<semaphore_mem>>) {add = true}
      %dma_wait3A_613 = arith.constant 2 : i32
      %dma_wait3A_614 = arith.constant 5 : i32
      %dma_wait3A_615 = arith.constant 2 : i32
      %dma_wait3A_616 = arith.constant 0 : i32
      %dma_wait3A_617 = arith.constant 0 : i32
      %dma_wait3A_618 = tpu.memref_slice %arg10[%dma_wait3A_613, %dma_wait3A_616, %dma_wait3A_617] : memref<3x128x64xf32, #tpu.memory_space<vmem>> -> memref<1x128x64xf32, #tpu.memory_space<vmem>>
      %dma_wait3A_619 = tpu.memref_squeeze %dma_wait3A_618 : memref<1x128x64xf32, #tpu.memory_space<vmem>> -> memref<128x64xf32, #tpu.memory_space<vmem>>
      %dma_wait3A_620 = arith.constant 0 : i32
      %dma_wait3A_621 = tpu.memref_slice %arg9[%dma_wait3A_614, %dma_wait3A_620] : memref<16x128xi32, #tpu.memory_space<vmem>> -> memref<1x128xi32, #tpu.memory_space<vmem>>
      %dma_wait3A_622 = tpu.memref_squeeze %dma_wait3A_621 : memref<1x128xi32, #tpu.memory_space<vmem>> -> memref<128xi32, #tpu.memory_space<vmem>>
      %dma_wait3A_623 = arith.constant 0 : i32
      %dma_wait3A_624 = arith.constant 0 : i32
      %dma_wait3A_625 = tpu.memref_slice %arg13[%dma_wait3A_623, %dma_wait3A_624] : memref<10240x64xf32, #tpu.memory_space<vmem_shared>> -> memref<10240x64xf32, #tpu.memory_space<vmem_shared>>
      %dma_wait3A_626 = tpu.memref_slice %arg15[%dma_wait3A_615] : memref<3x!tpu.dma_semaphore, #tpu.memory_space<semaphore_mem>> -> memref<1x!tpu.dma_semaphore, #tpu.memory_space<semaphore_mem>>
      %dma_wait3A_627 = tpu.memref_squeeze %dma_wait3A_626 : memref<1x!tpu.dma_semaphore, #tpu.memory_space<semaphore_mem>> -> memref<!tpu.dma_semaphore, #tpu.memory_space<semaphore_mem>>
      tpu.wait_indirect_dma semaphore(%dma_wait3A_627 : memref<!tpu.dma_semaphore, #tpu.memory_space<semaphore_mem>>) src(%dma_wait3A_619 : memref<128x64xf32, #tpu.memory_space<vmem>>) dst(%dma_wait3A_625 : memref<10240x64xf32, #tpu.memory_space<vmem_shared>>)
      %dma_start3A_628 = arith.constant 8 : i32
      %dma_start3A_629 = arith.constant 2 : i32
      %dma_start3A_630 = arith.constant 2 : i32
      %dma_start3A_631 = arith.constant 0 : i32
      %dma_start3A_632 = arith.constant 0 : i32
      %dma_start3A_633 = tpu.memref_slice %arg10[%dma_start3A_629, %dma_start3A_631, %dma_start3A_632] : memref<3x128x64xf32, #tpu.memory_space<vmem>> -> memref<1x128x64xf32, #tpu.memory_space<vmem>>
      %dma_start3A_634 = tpu.memref_squeeze %dma_start3A_633 : memref<1x128x64xf32, #tpu.memory_space<vmem>> -> memref<128x64xf32, #tpu.memory_space<vmem>>
      %dma_start3A_635 = arith.constant 0 : i32
      %dma_start3A_636 = tpu.memref_slice %arg8[%dma_start3A_628, %dma_start3A_635] : memref<16x128xi32, #tpu.memory_space<vmem>> -> memref<1x128xi32, #tpu.memory_space<vmem>>
      %dma_start3A_637 = tpu.memref_squeeze %dma_start3A_636 : memref<1x128xi32, #tpu.memory_space<vmem>> -> memref<128xi32, #tpu.memory_space<vmem>>
      %dma_start3A_638 = arith.constant 0 : i32
      %dma_start3A_639 = arith.constant 0 : i32
      %dma_start3A_640 = tpu.memref_slice %arg12[%dma_start3A_638, %dma_start3A_639] : memref<10240x64xf32, #tpu.memory_space<vmem_shared>> -> memref<10240x64xf32, #tpu.memory_space<vmem_shared>>
      %dma_start3A_641 = tpu.memref_slice %arg14[%dma_start3A_630] : memref<3x!tpu.dma_semaphore, #tpu.memory_space<semaphore_mem>> -> memref<1x!tpu.dma_semaphore, #tpu.memory_space<semaphore_mem>>
      %dma_start3A_642 = tpu.memref_squeeze %dma_start3A_641 : memref<1x!tpu.dma_semaphore, #tpu.memory_space<semaphore_mem>> -> memref<!tpu.dma_semaphore, #tpu.memory_space<semaphore_mem>>
      tpu.enqueue_indirect_dma source(%dma_start3A_640 : memref<10240x64xf32, #tpu.memory_space<vmem_shared>>) target(%dma_start3A_634 : memref<128x64xf32, #tpu.memory_space<vmem>>) offsets(%dma_start3A_637 : memref<128xi32, #tpu.memory_space<vmem>>) semaphore(%dma_start3A_642 : memref<!tpu.dma_semaphore, #tpu.memory_space<semaphore_mem>>)
      %get3A_643 = arith.constant 6 : i32
      %get3A_644 = arith.index_cast %get3A_643 : i32 to index
      %get3A_645 = arith.constant 0 : index
      %get3A_646 = tpu.vector_load %arg9[%get3A_644, %get3A_645] {strides = array<i32>} : memref<16x128xi32, #tpu.memory_space<vmem>>, vector<16xi32>,
      tpu.vector_store_idx %arg11[%get3A_646], %broadcast_in_dim3A_8 {add = true} : memref<10240xf32, #tpu.memory_space<vmem>>[vector<16xi32>], vector<16xf32>,
      %get3A_647 = arith.constant 6 : i32
      %get3A_648 = arith.index_cast %get3A_647 : i32 to index
      %get3A_649 = arith.constant 16 : index
      %get3A_650 = tpu.vector_load %arg9[%get3A_648, %get3A_649] {strides = array<i32>} : memref<16x128xi32, #tpu.memory_space<vmem>>, vector<16xi32>,
      tpu.vector_store_idx %arg11[%get3A_650], %broadcast_in_dim3A_8 {add = true} : memref<10240xf32, #tpu.memory_space<vmem>>[vector<16xi32>], vector<16xf32>,
      %get3A_651 = arith.constant 6 : i32
      %get3A_652 = arith.index_cast %get3A_651 : i32 to index
      %get3A_653 = arith.constant 32 : index
      %get3A_654 = tpu.vector_load %arg9[%get3A_652, %get3A_653] {strides = array<i32>} : memref<16x128xi32, #tpu.memory_space<vmem>>, vector<16xi32>,
      tpu.vector_store_idx %arg11[%get3A_654], %broadcast_in_dim3A_8 {add = true} : memref<10240xf32, #tpu.memory_space<vmem>>[vector<16xi32>], vector<16xf32>,
      %get3A_655 = arith.constant 6 : i32
      %get3A_656 = arith.index_cast %get3A_655 : i32 to index
      %get3A_657 = arith.constant 48 : index
      %get3A_658 = tpu.vector_load %arg9[%get3A_656, %get3A_657] {strides = array<i32>} : memref<16x128xi32, #tpu.memory_space<vmem>>, vector<16xi32>,
      tpu.vector_store_idx %arg11[%get3A_658], %broadcast_in_dim3A_8 {add = true} : memref<10240xf32, #tpu.memory_space<vmem>>[vector<16xi32>], vector<16xf32>,
      %get3A_659 = arith.constant 6 : i32
      %get3A_660 = arith.index_cast %get3A_659 : i32 to index
      %get3A_661 = arith.constant 64 : index
      %get3A_662 = tpu.vector_load %arg9[%get3A_660, %get3A_661] {strides = array<i32>} : memref<16x128xi32, #tpu.memory_space<vmem>>, vector<16xi32>,
      tpu.vector_store_idx %arg11[%get3A_662], %broadcast_in_dim3A_8 {add = true} : memref<10240xf32, #tpu.memory_space<vmem>>[vector<16xi32>], vector<16xf32>,
      %get3A_663 = arith.constant 6 : i32
      %get3A_664 = arith.index_cast %get3A_663 : i32 to index
      %get3A_665 = arith.constant 80 : index
      %get3A_666 = tpu.vector_load %arg9[%get3A_664, %get3A_665] {strides = array<i32>} : memref<16x128xi32, #tpu.memory_space<vmem>>, vector<16xi32>,
      tpu.vector_store_idx %arg11[%get3A_666], %broadcast_in_dim3A_8 {add = true} : memref<10240xf32, #tpu.memory_space<vmem>>[vector<16xi32>], vector<16xf32>,
      %get3A_667 = arith.constant 6 : i32
      %get3A_668 = arith.index_cast %get3A_667 : i32 to index
      %get3A_669 = arith.constant 96 : index
      %get3A_670 = tpu.vector_load %arg9[%get3A_668, %get3A_669] {strides = array<i32>} : memref<16x128xi32, #tpu.memory_space<vmem>>, vector<16xi32>,
      tpu.vector_store_idx %arg11[%get3A_670], %broadcast_in_dim3A_8 {add = true} : memref<10240xf32, #tpu.memory_space<vmem>>[vector<16xi32>], vector<16xf32>,
      %get3A_671 = arith.constant 6 : i32
      %get3A_672 = arith.index_cast %get3A_671 : i32 to index
      %get3A_673 = arith.constant 112 : index
      %get3A_674 = tpu.vector_load %arg9[%get3A_672, %get3A_673] {strides = array<i32>} : memref<16x128xi32, #tpu.memory_space<vmem>>, vector<16xi32>,
      tpu.vector_store_idx %arg11[%get3A_674], %broadcast_in_dim3A_8 {add = true} : memref<10240xf32, #tpu.memory_space<vmem>>[vector<16xi32>], vector<16xf32>,
      %dma_wait3A_675 = arith.constant 7 : i32
      %dma_wait3A_676 = arith.constant 1 : i32
      %dma_wait3A_677 = arith.constant 1 : i32
      %dma_wait3A_678 = arith.constant 0 : i32
      %dma_wait3A_679 = arith.constant 0 : i32
      %dma_wait3A_680 = tpu.memref_slice %arg10[%dma_wait3A_676, %dma_wait3A_678, %dma_wait3A_679] : memref<3x128x64xf32, #tpu.memory_space<vmem>> -> memref<1x128x64xf32, #tpu.memory_space<vmem>>
      %dma_wait3A_681 = tpu.memref_squeeze %dma_wait3A_680 : memref<1x128x64xf32, #tpu.memory_space<vmem>> -> memref<128x64xf32, #tpu.memory_space<vmem>>
      %dma_wait3A_682 = arith.constant 0 : i32
      %dma_wait3A_683 = tpu.memref_slice %arg8[%dma_wait3A_675, %dma_wait3A_682] : memref<16x128xi32, #tpu.memory_space<vmem>> -> memref<1x128xi32, #tpu.memory_space<vmem>>
      %dma_wait3A_684 = tpu.memref_squeeze %dma_wait3A_683 : memref<1x128xi32, #tpu.memory_space<vmem>> -> memref<128xi32, #tpu.memory_space<vmem>>
      %dma_wait3A_685 = arith.constant 0 : i32
      %dma_wait3A_686 = arith.constant 0 : i32
      %dma_wait3A_687 = tpu.memref_slice %arg12[%dma_wait3A_685, %dma_wait3A_686] : memref<10240x64xf32, #tpu.memory_space<vmem_shared>> -> memref<10240x64xf32, #tpu.memory_space<vmem_shared>>
      %dma_wait3A_688 = tpu.memref_slice %arg14[%dma_wait3A_677] : memref<3x!tpu.dma_semaphore, #tpu.memory_space<semaphore_mem>> -> memref<1x!tpu.dma_semaphore, #tpu.memory_space<semaphore_mem>>
      %dma_wait3A_689 = tpu.memref_squeeze %dma_wait3A_688 : memref<1x!tpu.dma_semaphore, #tpu.memory_space<semaphore_mem>> -> memref<!tpu.dma_semaphore, #tpu.memory_space<semaphore_mem>>
      tpu.wait_indirect_dma semaphore(%dma_wait3A_689 : memref<!tpu.dma_semaphore, #tpu.memory_space<semaphore_mem>>) src(%dma_wait3A_687 : memref<10240x64xf32, #tpu.memory_space<vmem_shared>>) dst(%dma_wait3A_681 : memref<128x64xf32, #tpu.memory_space<vmem>>)
      %dma_start3A_690 = arith.constant 1 : i32
      %dma_start3A_691 = arith.constant 7 : i32
      %dma_start3A_692 = arith.constant 1 : i32
      %dma_start3A_693 = arith.constant 0 : i32
      %dma_start3A_694 = arith.constant 0 : i32
      %dma_start3A_695 = tpu.memref_slice %arg10[%dma_start3A_690, %dma_start3A_693, %dma_start3A_694] : memref<3x128x64xf32, #tpu.memory_space<vmem>> -> memref<1x128x64xf32, #tpu.memory_space<vmem>>
      %dma_start3A_696 = tpu.memref_squeeze %dma_start3A_695 : memref<1x128x64xf32, #tpu.memory_space<vmem>> -> memref<128x64xf32, #tpu.memory_space<vmem>>
      %dma_start3A_697 = arith.constant 0 : i32
      %dma_start3A_698 = tpu.memref_slice %arg9[%dma_start3A_691, %dma_start3A_697] : memref<16x128xi32, #tpu.memory_space<vmem>> -> memref<1x128xi32, #tpu.memory_space<vmem>>
      %dma_start3A_699 = tpu.memref_squeeze %dma_start3A_698 : memref<1x128xi32, #tpu.memory_space<vmem>> -> memref<128xi32, #tpu.memory_space<vmem>>
      %dma_start3A_700 = arith.constant 0 : i32
      %dma_start3A_701 = arith.constant 0 : i32
      %dma_start3A_702 = tpu.memref_slice %arg13[%dma_start3A_700, %dma_start3A_701] : memref<10240x64xf32, #tpu.memory_space<vmem_shared>> -> memref<10240x64xf32, #tpu.memory_space<vmem_shared>>
      %dma_start3A_703 = tpu.memref_slice %arg15[%dma_start3A_692] : memref<3x!tpu.dma_semaphore, #tpu.memory_space<semaphore_mem>> -> memref<1x!tpu.dma_semaphore, #tpu.memory_space<semaphore_mem>>
      %dma_start3A_704 = tpu.memref_squeeze %dma_start3A_703 : memref<1x!tpu.dma_semaphore, #tpu.memory_space<semaphore_mem>> -> memref<!tpu.dma_semaphore, #tpu.memory_space<semaphore_mem>>
      tpu.enqueue_indirect_dma source(%dma_start3A_696 : memref<128x64xf32, #tpu.memory_space<vmem>>) target(%dma_start3A_702 : memref<10240x64xf32, #tpu.memory_space<vmem_shared>>) offsets(%dma_start3A_699 : memref<128xi32, #tpu.memory_space<vmem>>) semaphore(%dma_start3A_704 : memref<!tpu.dma_semaphore, #tpu.memory_space<semaphore_mem>>) {add = true}
      %dma_wait3A_705 = arith.constant 0 : i32
      %dma_wait3A_706 = arith.constant 6 : i32
      %dma_wait3A_707 = arith.constant 0 : i32
      %dma_wait3A_708 = arith.constant 0 : i32
      %dma_wait3A_709 = arith.constant 0 : i32
      %dma_wait3A_710 = tpu.memref_slice %arg10[%dma_wait3A_705, %dma_wait3A_708, %dma_wait3A_709] : memref<3x128x64xf32, #tpu.memory_space<vmem>> -> memref<1x128x64xf32, #tpu.memory_space<vmem>>
      %dma_wait3A_711 = tpu.memref_squeeze %dma_wait3A_710 : memref<1x128x64xf32, #tpu.memory_space<vmem>> -> memref<128x64xf32, #tpu.memory_space<vmem>>
      %dma_wait3A_712 = arith.constant 0 : i32
      %dma_wait3A_713 = tpu.memref_slice %arg9[%dma_wait3A_706, %dma_wait3A_712] : memref<16x128xi32, #tpu.memory_space<vmem>> -> memref<1x128xi32, #tpu.memory_space<vmem>>
      %dma_wait3A_714 = tpu.memref_squeeze %dma_wait3A_713 : memref<1x128xi32, #tpu.memory_space<vmem>> -> memref<128xi32, #tpu.memory_space<vmem>>
      %dma_wait3A_715 = arith.constant 0 : i32
      %dma_wait3A_716 = arith.constant 0 : i32
      %dma_wait3A_717 = tpu.memref_slice %arg13[%dma_wait3A_715, %dma_wait3A_716] : memref<10240x64xf32, #tpu.memory_space<vmem_shared>> -> memref<10240x64xf32, #tpu.memory_space<vmem_shared>>
      %dma_wait3A_718 = tpu.memref_slice %arg15[%dma_wait3A_707] : memref<3x!tpu.dma_semaphore, #tpu.memory_space<semaphore_mem>> -> memref<1x!tpu.dma_semaphore, #tpu.memory_space<semaphore_mem>>
      %dma_wait3A_719 = tpu.memref_squeeze %dma_wait3A_718 : memref<1x!tpu.dma_semaphore, #tpu.memory_space<semaphore_mem>> -> memref<!tpu.dma_semaphore, #tpu.memory_space<semaphore_mem>>
      tpu.wait_indirect_dma semaphore(%dma_wait3A_719 : memref<!tpu.dma_semaphore, #tpu.memory_space<semaphore_mem>>) src(%dma_wait3A_711 : memref<128x64xf32, #tpu.memory_space<vmem>>) dst(%dma_wait3A_717 : memref<10240x64xf32, #tpu.memory_space<vmem_shared>>)
      %dma_start3A_720 = arith.constant 9 : i32
      %dma_start3A_721 = arith.constant 0 : i32
      %dma_start3A_722 = arith.constant 0 : i32
      %dma_start3A_723 = arith.constant 0 : i32
      %dma_start3A_724 = arith.constant 0 : i32
      %dma_start3A_725 = tpu.memref_slice %arg10[%dma_start3A_721, %dma_start3A_723, %dma_start3A_724] : memref<3x128x64xf32, #tpu.memory_space<vmem>> -> memref<1x128x64xf32, #tpu.memory_space<vmem>>
      %dma_start3A_726 = tpu.memref_squeeze %dma_start3A_725 : memref<1x128x64xf32, #tpu.memory_space<vmem>> -> memref<128x64xf32, #tpu.memory_space<vmem>>
      %dma_start3A_727 = arith.constant 0 : i32
      %dma_start3A_728 = tpu.memref_slice %arg8[%dma_start3A_720, %dma_start3A_727] : memref<16x128xi32, #tpu.memory_space<vmem>> -> memref<1x128xi32, #tpu.memory_space<vmem>>
      %dma_start3A_729 = tpu.memref_squeeze %dma_start3A_728 : memref<1x128xi32, #tpu.memory_space<vmem>> -> memref<128xi32, #tpu.memory_space<vmem>>
      %dma_start3A_730 = arith.constant 0 : i32
      %dma_start3A_731 = arith.constant 0 : i32
      %dma_start3A_732 = tpu.memref_slice %arg12[%dma_start3A_730, %dma_start3A_731] : memref<10240x64xf32, #tpu.memory_space<vmem_shared>> -> memref<10240x64xf32, #tpu.memory_space<vmem_shared>>
      %dma_start3A_733 = tpu.memref_slice %arg14[%dma_start3A_722] : memref<3x!tpu.dma_semaphore, #tpu.memory_space<semaphore_mem>> -> memref<1x!tpu.dma_semaphore, #tpu.memory_space<semaphore_mem>>
      %dma_start3A_734 = tpu.memref_squeeze %dma_start3A_733 : memref<1x!tpu.dma_semaphore, #tpu.memory_space<semaphore_mem>> -> memref<!tpu.dma_semaphore, #tpu.memory_space<semaphore_mem>>
      tpu.enqueue_indirect_dma source(%dma_start3A_732 : memref<10240x64xf32, #tpu.memory_space<vmem_shared>>) target(%dma_start3A_726 : memref<128x64xf32, #tpu.memory_space<vmem>>) offsets(%dma_start3A_729 : memref<128xi32, #tpu.memory_space<vmem>>) semaphore(%dma_start3A_734 : memref<!tpu.dma_semaphore, #tpu.memory_space<semaphore_mem>>)
      %get3A_735 = arith.constant 7 : i32
      %get3A_736 = arith.index_cast %get3A_735 : i32 to index
      %get3A_737 = arith.constant 0 : index
      %get3A_738 = tpu.vector_load %arg9[%get3A_736, %get3A_737] {strides = array<i32>} : memref<16x128xi32, #tpu.memory_space<vmem>>, vector<16xi32>,
      tpu.vector_store_idx %arg11[%get3A_738], %broadcast_in_dim3A_8 {add = true} : memref<10240xf32, #tpu.memory_space<vmem>>[vector<16xi32>], vector<16xf32>,
      %get3A_739 = arith.constant 7 : i32
      %get3A_740 = arith.index_cast %get3A_739 : i32 to index
      %get3A_741 = arith.constant 16 : index
      %get3A_742 = tpu.vector_load %arg9[%get3A_740, %get3A_741] {strides = array<i32>} : memref<16x128xi32, #tpu.memory_space<vmem>>, vector<16xi32>,
      tpu.vector_store_idx %arg11[%get3A_742], %broadcast_in_dim3A_8 {add = true} : memref<10240xf32, #tpu.memory_space<vmem>>[vector<16xi32>], vector<16xf32>,
      %get3A_743 = arith.constant 7 : i32
      %get3A_744 = arith.index_cast %get3A_743 : i32 to index
      %get3A_745 = arith.constant 32 : index
      %get3A_746 = tpu.vector_load %arg9[%get3A_744, %get3A_745] {strides = array<i32>} : memref<16x128xi32, #tpu.memory_space<vmem>>, vector<16xi32>,
      tpu.vector_store_idx %arg11[%get3A_746], %broadcast_in_dim3A_8 {add = true} : memref<10240xf32, #tpu.memory_space<vmem>>[vector<16xi32>], vector<16xf32>,
      %get3A_747 = arith.constant 7 : i32
      %get3A_748 = arith.index_cast %get3A_747 : i32 to index
      %get3A_749 = arith.constant 48 : index
      %get3A_750 = tpu.vector_load %arg9[%get3A_748, %get3A_749] {strides = array<i32>} : memref<16x128xi32, #tpu.memory_space<vmem>>, vector<16xi32>,
      tpu.vector_store_idx %arg11[%get3A_750], %broadcast_in_dim3A_8 {add = true} : memref<10240xf32, #tpu.memory_space<vmem>>[vector<16xi32>], vector<16xf32>,
      %get3A_751 = arith.constant 7 : i32
      %get3A_752 = arith.index_cast %get3A_751 : i32 to index
      %get3A_753 = arith.constant 64 : index
      %get3A_754 = tpu.vector_load %arg9[%get3A_752, %get3A_753] {strides = array<i32>} : memref<16x128xi32, #tpu.memory_space<vmem>>, vector<16xi32>,
      tpu.vector_store_idx %arg11[%get3A_754], %broadcast_in_dim3A_8 {add = true} : memref<10240xf32, #tpu.memory_space<vmem>>[vector<16xi32>], vector<16xf32>,
      %get3A_755 = arith.constant 7 : i32
      %get3A_756 = arith.index_cast %get3A_755 : i32 to index
      %get3A_757 = arith.constant 80 : index
      %get3A_758 = tpu.vector_load %arg9[%get3A_756, %get3A_757] {strides = array<i32>} : memref<16x128xi32, #tpu.memory_space<vmem>>, vector<16xi32>,
      tpu.vector_store_idx %arg11[%get3A_758], %broadcast_in_dim3A_8 {add = true} : memref<10240xf32, #tpu.memory_space<vmem>>[vector<16xi32>], vector<16xf32>,
      %get3A_759 = arith.constant 7 : i32
      %get3A_760 = arith.index_cast %get3A_759 : i32 to index
      %get3A_761 = arith.constant 96 : index
      %get3A_762 = tpu.vector_load %arg9[%get3A_760, %get3A_761] {strides = array<i32>} : memref<16x128xi32, #tpu.memory_space<vmem>>, vector<16xi32>,
      tpu.vector_store_idx %arg11[%get3A_762], %broadcast_in_dim3A_8 {add = true} : memref<10240xf32, #tpu.memory_space<vmem>>[vector<16xi32>], vector<16xf32>,
      %get3A_763 = arith.constant 7 : i32
      %get3A_764 = arith.index_cast %get3A_763 : i32 to index
      %get3A_765 = arith.constant 112 : index
      %get3A_766 = tpu.vector_load %arg9[%get3A_764, %get3A_765] {strides = array<i32>} : memref<16x128xi32, #tpu.memory_space<vmem>>, vector<16xi32>,
      tpu.vector_store_idx %arg11[%get3A_766], %broadcast_in_dim3A_8 {add = true} : memref<10240xf32, #tpu.memory_space<vmem>>[vector<16xi32>], vector<16xf32>,
      %dma_wait3A_767 = arith.constant 8 : i32
      %dma_wait3A_768 = arith.constant 2 : i32
      %dma_wait3A_769 = arith.constant 2 : i32
      %dma_wait3A_770 = arith.constant 0 : i32
      %dma_wait3A_771 = arith.constant 0 : i32
      %dma_wait3A_772 = tpu.memref_slice %arg10[%dma_wait3A_768, %dma_wait3A_770, %dma_wait3A_771] : memref<3x128x64xf32, #tpu.memory_space<vmem>> -> memref<1x128x64xf32, #tpu.memory_space<vmem>>
      %dma_wait3A_773 = tpu.memref_squeeze %dma_wait3A_772 : memref<1x128x64xf32, #tpu.memory_space<vmem>> -> memref<128x64xf32, #tpu.memory_space<vmem>>
      %dma_wait3A_774 = arith.constant 0 : i32
      %dma_wait3A_775 = tpu.memref_slice %arg8[%dma_wait3A_767, %dma_wait3A_774] : memref<16x128xi32, #tpu.memory_space<vmem>> -> memref<1x128xi32, #tpu.memory_space<vmem>>
      %dma_wait3A_776 = tpu.memref_squeeze %dma_wait3A_775 : memref<1x128xi32, #tpu.memory_space<vmem>> -> memref<128xi32, #tpu.memory_space<vmem>>
      %dma_wait3A_777 = arith.constant 0 : i32
      %dma_wait3A_778 = arith.constant 0 : i32
      %dma_wait3A_779 = tpu.memref_slice %arg12[%dma_wait3A_777, %dma_wait3A_778] : memref<10240x64xf32, #tpu.memory_space<vmem_shared>> -> memref<10240x64xf32, #tpu.memory_space<vmem_shared>>
      %dma_wait3A_780 = tpu.memref_slice %arg14[%dma_wait3A_769] : memref<3x!tpu.dma_semaphore, #tpu.memory_space<semaphore_mem>> -> memref<1x!tpu.dma_semaphore, #tpu.memory_space<semaphore_mem>>
      %dma_wait3A_781 = tpu.memref_squeeze %dma_wait3A_780 : memref<1x!tpu.dma_semaphore, #tpu.memory_space<semaphore_mem>> -> memref<!tpu.dma_semaphore, #tpu.memory_space<semaphore_mem>>
      tpu.wait_indirect_dma semaphore(%dma_wait3A_781 : memref<!tpu.dma_semaphore, #tpu.memory_space<semaphore_mem>>) src(%dma_wait3A_779 : memref<10240x64xf32, #tpu.memory_space<vmem_shared>>) dst(%dma_wait3A_773 : memref<128x64xf32, #tpu.memory_space<vmem>>)
      %dma_start3A_782 = arith.constant 2 : i32
      %dma_start3A_783 = arith.constant 8 : i32
      %dma_start3A_784 = arith.constant 2 : i32
      %dma_start3A_785 = arith.constant 0 : i32
      %dma_start3A_786 = arith.constant 0 : i32
      %dma_start3A_787 = tpu.memref_slice %arg10[%dma_start3A_782, %dma_start3A_785, %dma_start3A_786] : memref<3x128x64xf32, #tpu.memory_space<vmem>> -> memref<1x128x64xf32, #tpu.memory_space<vmem>>
      %dma_start3A_788 = tpu.memref_squeeze %dma_start3A_787 : memref<1x128x64xf32, #tpu.memory_space<vmem>> -> memref<128x64xf32, #tpu.memory_space<vmem>>
      %dma_start3A_789 = arith.constant 0 : i32
      %dma_start3A_790 = tpu.memref_slice %arg9[%dma_start3A_783, %dma_start3A_789] : memref<16x128xi32, #tpu.memory_space<vmem>> -> memref<1x128xi32, #tpu.memory_space<vmem>>
      %dma_start3A_791 = tpu.memref_squeeze %dma_start3A_790 : memref<1x128xi32, #tpu.memory_space<vmem>> -> memref<128xi32, #tpu.memory_space<vmem>>
      %dma_start3A_792 = arith.constant 0 : i32
      %dma_start3A_793 = arith.constant 0 : i32
      %dma_start3A_794 = tpu.memref_slice %arg13[%dma_start3A_792, %dma_start3A_793] : memref<10240x64xf32, #tpu.memory_space<vmem_shared>> -> memref<10240x64xf32, #tpu.memory_space<vmem_shared>>
      %dma_start3A_795 = tpu.memref_slice %arg15[%dma_start3A_784] : memref<3x!tpu.dma_semaphore, #tpu.memory_space<semaphore_mem>> -> memref<1x!tpu.dma_semaphore, #tpu.memory_space<semaphore_mem>>
      %dma_start3A_796 = tpu.memref_squeeze %dma_start3A_795 : memref<1x!tpu.dma_semaphore, #tpu.memory_space<semaphore_mem>> -> memref<!tpu.dma_semaphore, #tpu.memory_space<semaphore_mem>>
      tpu.enqueue_indirect_dma source(%dma_start3A_788 : memref<128x64xf32, #tpu.memory_space<vmem>>) target(%dma_start3A_794 : memref<10240x64xf32, #tpu.memory_space<vmem_shared>>) offsets(%dma_start3A_791 : memref<128xi32, #tpu.memory_space<vmem>>) semaphore(%dma_start3A_796 : memref<!tpu.dma_semaphore, #tpu.memory_space<semaphore_mem>>) {add = true}
      %dma_wait3A_797 = arith.constant 1 : i32
      %dma_wait3A_798 = arith.constant 7 : i32
      %dma_wait3A_799 = arith.constant 1 : i32
      %dma_wait3A_800 = arith.constant 0 : i32
      %dma_wait3A_801 = arith.constant 0 : i32
      %dma_wait3A_802 = tpu.memref_slice %arg10[%dma_wait3A_797, %dma_wait3A_800, %dma_wait3A_801] : memref<3x128x64xf32, #tpu.memory_space<vmem>> -> memref<1x128x64xf32, #tpu.memory_space<vmem>>
      %dma_wait3A_803 = tpu.memref_squeeze %dma_wait3A_802 : memref<1x128x64xf32, #tpu.memory_space<vmem>> -> memref<128x64xf32, #tpu.memory_space<vmem>>
      %dma_wait3A_804 = arith.constant 0 : i32
      %dma_wait3A_805 = tpu.memref_slice %arg9[%dma_wait3A_798, %dma_wait3A_804] : memref<16x128xi32, #tpu.memory_space<vmem>> -> memref<1x128xi32, #tpu.memory_space<vmem>>
      %dma_wait3A_806 = tpu.memref_squeeze %dma_wait3A_805 : memref<1x128xi32, #tpu.memory_space<vmem>> -> memref<128xi32, #tpu.memory_space<vmem>>
      %dma_wait3A_807 = arith.constant 0 : i32
      %dma_wait3A_808 = arith.constant 0 : i32
      %dma_wait3A_809 = tpu.memref_slice %arg13[%dma_wait3A_807, %dma_wait3A_808] : memref<10240x64xf32, #tpu.memory_space<vmem_shared>> -> memref<10240x64xf32, #tpu.memory_space<vmem_shared>>
      %dma_wait3A_810 = tpu.memref_slice %arg15[%dma_wait3A_799] : memref<3x!tpu.dma_semaphore, #tpu.memory_space<semaphore_mem>> -> memref<1x!tpu.dma_semaphore, #tpu.memory_space<semaphore_mem>>
      %dma_wait3A_811 = tpu.memref_squeeze %dma_wait3A_810 : memref<1x!tpu.dma_semaphore, #tpu.memory_space<semaphore_mem>> -> memref<!tpu.dma_semaphore, #tpu.memory_space<semaphore_mem>>
      tpu.wait_indirect_dma semaphore(%dma_wait3A_811 : memref<!tpu.dma_semaphore, #tpu.memory_space<semaphore_mem>>) src(%dma_wait3A_803 : memref<128x64xf32, #tpu.memory_space<vmem>>) dst(%dma_wait3A_809 : memref<10240x64xf32, #tpu.memory_space<vmem_shared>>)
      %dma_start3A_812 = arith.constant 10 : i32
      %dma_start3A_813 = arith.constant 1 : i32
      %dma_start3A_814 = arith.constant 1 : i32
      %dma_start3A_815 = arith.constant 0 : i32
      %dma_start3A_816 = arith.constant 0 : i32
      %dma_start3A_817 = tpu.memref_slice %arg10[%dma_start3A_813, %dma_start3A_815, %dma_start3A_816] : memref<3x128x64xf32, #tpu.memory_space<vmem>> -> memref<1x128x64xf32, #tpu.memory_space<vmem>>
      %dma_start3A_818 = tpu.memref_squeeze %dma_start3A_817 : memref<1x128x64xf32, #tpu.memory_space<vmem>> -> memref<128x64xf32, #tpu.memory_space<vmem>>
      %dma_start3A_819 = arith.constant 0 : i32
      %dma_start3A_820 = tpu.memref_slice %arg8[%dma_start3A_812, %dma_start3A_819] : memref<16x128xi32, #tpu.memory_space<vmem>> -> memref<1x128xi32, #tpu.memory_space<vmem>>
      %dma_start3A_821 = tpu.memref_squeeze %dma_start3A_820 : memref<1x128xi32, #tpu.memory_space<vmem>> -> memref<128xi32, #tpu.memory_space<vmem>>
      %dma_start3A_822 = arith.constant 0 : i32
      %dma_start3A_823 = arith.constant 0 : i32
      %dma_start3A_824 = tpu.memref_slice %arg12[%dma_start3A_822, %dma_start3A_823] : memref<10240x64xf32, #tpu.memory_space<vmem_shared>> -> memref<10240x64xf32, #tpu.memory_space<vmem_shared>>
      %dma_start3A_825 = tpu.memref_slice %arg14[%dma_start3A_814] : memref<3x!tpu.dma_semaphore, #tpu.memory_space<semaphore_mem>> -> memref<1x!tpu.dma_semaphore, #tpu.memory_space<semaphore_mem>>
      %dma_start3A_826 = tpu.memref_squeeze %dma_start3A_825 : memref<1x!tpu.dma_semaphore, #tpu.memory_space<semaphore_mem>> -> memref<!tpu.dma_semaphore, #tpu.memory_space<semaphore_mem>>
      tpu.enqueue_indirect_dma source(%dma_start3A_824 : memref<10240x64xf32, #tpu.memory_space<vmem_shared>>) target(%dma_start3A_818 : memref<128x64xf32, #tpu.memory_space<vmem>>) offsets(%dma_start3A_821 : memref<128xi32, #tpu.memory_space<vmem>>) semaphore(%dma_start3A_826 : memref<!tpu.dma_semaphore, #tpu.memory_space<semaphore_mem>>)
      %get3A_827 = arith.constant 8 : i32
      %get3A_828 = arith.index_cast %get3A_827 : i32 to index
      %get3A_829 = arith.constant 0 : index
      %get3A_830 = tpu.vector_load %arg9[%get3A_828, %get3A_829] {strides = array<i32>} : memref<16x128xi32, #tpu.memory_space<vmem>>, vector<16xi32>,
      tpu.vector_store_idx %arg11[%get3A_830], %broadcast_in_dim3A_8 {add = true} : memref<10240xf32, #tpu.memory_space<vmem>>[vector<16xi32>], vector<16xf32>,
      %get3A_831 = arith.constant 8 : i32
      %get3A_832 = arith.index_cast %get3A_831 : i32 to index
      %get3A_833 = arith.constant 16 : index
      %get3A_834 = tpu.vector_load %arg9[%get3A_832, %get3A_833] {strides = array<i32>} : memref<16x128xi32, #tpu.memory_space<vmem>>, vector<16xi32>,
      tpu.vector_store_idx %arg11[%get3A_834], %broadcast_in_dim3A_8 {add = true} : memref<10240xf32, #tpu.memory_space<vmem>>[vector<16xi32>], vector<16xf32>,
      %get3A_835 = arith.constant 8 : i32
      %get3A_836 = arith.index_cast %get3A_835 : i32 to index
      %get3A_837 = arith.constant 32 : index
      %get3A_838 = tpu.vector_load %arg9[%get3A_836, %get3A_837] {strides = array<i32>} : memref<16x128xi32, #tpu.memory_space<vmem>>, vector<16xi32>,
      tpu.vector_store_idx %arg11[%get3A_838], %broadcast_in_dim3A_8 {add = true} : memref<10240xf32, #tpu.memory_space<vmem>>[vector<16xi32>], vector<16xf32>,
      %get3A_839 = arith.constant 8 : i32
      %get3A_840 = arith.index_cast %get3A_839 : i32 to index
      %get3A_841 = arith.constant 48 : index
      %get3A_842 = tpu.vector_load %arg9[%get3A_840, %get3A_841] {strides = array<i32>} : memref<16x128xi32, #tpu.memory_space<vmem>>, vector<16xi32>,
      tpu.vector_store_idx %arg11[%get3A_842], %broadcast_in_dim3A_8 {add = true} : memref<10240xf32, #tpu.memory_space<vmem>>[vector<16xi32>], vector<16xf32>,
      %get3A_843 = arith.constant 8 : i32
      %get3A_844 = arith.index_cast %get3A_843 : i32 to index
      %get3A_845 = arith.constant 64 : index
      %get3A_846 = tpu.vector_load %arg9[%get3A_844, %get3A_845] {strides = array<i32>} : memref<16x128xi32, #tpu.memory_space<vmem>>, vector<16xi32>,
      tpu.vector_store_idx %arg11[%get3A_846], %broadcast_in_dim3A_8 {add = true} : memref<10240xf32, #tpu.memory_space<vmem>>[vector<16xi32>], vector<16xf32>,
      %get3A_847 = arith.constant 8 : i32
      %get3A_848 = arith.index_cast %get3A_847 : i32 to index
      %get3A_849 = arith.constant 80 : index
      %get3A_850 = tpu.vector_load %arg9[%get3A_848, %get3A_849] {strides = array<i32>} : memref<16x128xi32, #tpu.memory_space<vmem>>, vector<16xi32>,
      tpu.vector_store_idx %arg11[%get3A_850], %broadcast_in_dim3A_8 {add = true} : memref<10240xf32, #tpu.memory_space<vmem>>[vector<16xi32>], vector<16xf32>,
      %get3A_851 = arith.constant 8 : i32
      %get3A_852 = arith.index_cast %get3A_851 : i32 to index
      %get3A_853 = arith.constant 96 : index
      %get3A_854 = tpu.vector_load %arg9[%get3A_852, %get3A_853] {strides = array<i32>} : memref<16x128xi32, #tpu.memory_space<vmem>>, vector<16xi32>,
      tpu.vector_store_idx %arg11[%get3A_854], %broadcast_in_dim3A_8 {add = true} : memref<10240xf32, #tpu.memory_space<vmem>>[vector<16xi32>], vector<16xf32>,
      %get3A_855 = arith.constant 8 : i32
      %get3A_856 = arith.index_cast %get3A_855 : i32 to index
      %get3A_857 = arith.constant 112 : index
      %get3A_858 = tpu.vector_load %arg9[%get3A_856, %get3A_857] {strides = array<i32>} : memref<16x128xi32, #tpu.memory_space<vmem>>, vector<16xi32>,
      tpu.vector_store_idx %arg11[%get3A_858], %broadcast_in_dim3A_8 {add = true} : memref<10240xf32, #tpu.memory_space<vmem>>[vector<16xi32>], vector<16xf32>,
      %dma_wait3A_859 = arith.constant 9 : i32
      %dma_wait3A_860 = arith.constant 0 : i32
      %dma_wait3A_861 = arith.constant 0 : i32
      %dma_wait3A_862 = arith.constant 0 : i32
      %dma_wait3A_863 = arith.constant 0 : i32
      %dma_wait3A_864 = tpu.memref_slice %arg10[%dma_wait3A_860, %dma_wait3A_862, %dma_wait3A_863] : memref<3x128x64xf32, #tpu.memory_space<vmem>> -> memref<1x128x64xf32, #tpu.memory_space<vmem>>
      %dma_wait3A_865 = tpu.memref_squeeze %dma_wait3A_864 : memref<1x128x64xf32, #tpu.memory_space<vmem>> -> memref<128x64xf32, #tpu.memory_space<vmem>>
      %dma_wait3A_866 = arith.constant 0 : i32
      %dma_wait3A_867 = tpu.memref_slice %arg8[%dma_wait3A_859, %dma_wait3A_866] : memref<16x128xi32, #tpu.memory_space<vmem>> -> memref<1x128xi32, #tpu.memory_space<vmem>>
      %dma_wait3A_868 = tpu.memref_squeeze %dma_wait3A_867 : memref<1x128xi32, #tpu.memory_space<vmem>> -> memref<128xi32, #tpu.memory_space<vmem>>
      %dma_wait3A_869 = arith.constant 0 : i32
      %dma_wait3A_870 = arith.constant 0 : i32
      %dma_wait3A_871 = tpu.memref_slice %arg12[%dma_wait3A_869, %dma_wait3A_870] : memref<10240x64xf32, #tpu.memory_space<vmem_shared>> -> memref<10240x64xf32, #tpu.memory_space<vmem_shared>>
      %dma_wait3A_872 = tpu.memref_slice %arg14[%dma_wait3A_861] : memref<3x!tpu.dma_semaphore, #tpu.memory_space<semaphore_mem>> -> memref<1x!tpu.dma_semaphore, #tpu.memory_space<semaphore_mem>>
      %dma_wait3A_873 = tpu.memref_squeeze %dma_wait3A_872 : memref<1x!tpu.dma_semaphore, #tpu.memory_space<semaphore_mem>> -> memref<!tpu.dma_semaphore, #tpu.memory_space<semaphore_mem>>
      tpu.wait_indirect_dma semaphore(%dma_wait3A_873 : memref<!tpu.dma_semaphore, #tpu.memory_space<semaphore_mem>>) src(%dma_wait3A_871 : memref<10240x64xf32, #tpu.memory_space<vmem_shared>>) dst(%dma_wait3A_865 : memref<128x64xf32, #tpu.memory_space<vmem>>)
      %dma_start3A_874 = arith.constant 0 : i32
      %dma_start3A_875 = arith.constant 9 : i32
      %dma_start3A_876 = arith.constant 0 : i32
      %dma_start3A_877 = arith.constant 0 : i32
      %dma_start3A_878 = arith.constant 0 : i32
      %dma_start3A_879 = tpu.memref_slice %arg10[%dma_start3A_874, %dma_start3A_877, %dma_start3A_878] : memref<3x128x64xf32, #tpu.memory_space<vmem>> -> memref<1x128x64xf32, #tpu.memory_space<vmem>>
      %dma_start3A_880 = tpu.memref_squeeze %dma_start3A_879 : memref<1x128x64xf32, #tpu.memory_space<vmem>> -> memref<128x64xf32, #tpu.memory_space<vmem>>
      %dma_start3A_881 = arith.constant 0 : i32
      %dma_start3A_882 = tpu.memref_slice %arg9[%dma_start3A_875, %dma_start3A_881] : memref<16x128xi32, #tpu.memory_space<vmem>> -> memref<1x128xi32, #tpu.memory_space<vmem>>
      %dma_start3A_883 = tpu.memref_squeeze %dma_start3A_882 : memref<1x128xi32, #tpu.memory_space<vmem>> -> memref<128xi32, #tpu.memory_space<vmem>>
      %dma_start3A_884 = arith.constant 0 : i32
      %dma_start3A_885 = arith.constant 0 : i32
      %dma_start3A_886 = tpu.memref_slice %arg13[%dma_start3A_884, %dma_start3A_885] : memref<10240x64xf32, #tpu.memory_space<vmem_shared>> -> memref<10240x64xf32, #tpu.memory_space<vmem_shared>>
      %dma_start3A_887 = tpu.memref_slice %arg15[%dma_start3A_876] : memref<3x!tpu.dma_semaphore, #tpu.memory_space<semaphore_mem>> -> memref<1x!tpu.dma_semaphore, #tpu.memory_space<semaphore_mem>>
      %dma_start3A_888 = tpu.memref_squeeze %dma_start3A_887 : memref<1x!tpu.dma_semaphore, #tpu.memory_space<semaphore_mem>> -> memref<!tpu.dma_semaphore, #tpu.memory_space<semaphore_mem>>
      tpu.enqueue_indirect_dma source(%dma_start3A_880 : memref<128x64xf32, #tpu.memory_space<vmem>>) target(%dma_start3A_886 : memref<10240x64xf32, #tpu.memory_space<vmem_shared>>) offsets(%dma_start3A_883 : memref<128xi32, #tpu.memory_space<vmem>>) semaphore(%dma_start3A_888 : memref<!tpu.dma_semaphore, #tpu.memory_space<semaphore_mem>>) {add = true}
      %dma_wait3A_889 = arith.constant 2 : i32
      %dma_wait3A_890 = arith.constant 8 : i32
      %dma_wait3A_891 = arith.constant 2 : i32
      %dma_wait3A_892 = arith.constant 0 : i32
      %dma_wait3A_893 = arith.constant 0 : i32
      %dma_wait3A_894 = tpu.memref_slice %arg10[%dma_wait3A_889, %dma_wait3A_892, %dma_wait3A_893] : memref<3x128x64xf32, #tpu.memory_space<vmem>> -> memref<1x128x64xf32, #tpu.memory_space<vmem>>
      %dma_wait3A_895 = tpu.memref_squeeze %dma_wait3A_894 : memref<1x128x64xf32, #tpu.memory_space<vmem>> -> memref<128x64xf32, #tpu.memory_space<vmem>>
      %dma_wait3A_896 = arith.constant 0 : i32
      %dma_wait3A_897 = tpu.memref_slice %arg9[%dma_wait3A_890, %dma_wait3A_896] : memref<16x128xi32, #tpu.memory_space<vmem>> -> memref<1x128xi32, #tpu.memory_space<vmem>>
      %dma_wait3A_898 = tpu.memref_squeeze %dma_wait3A_897 : memref<1x128xi32, #tpu.memory_space<vmem>> -> memref<128xi32, #tpu.memory_space<vmem>>
      %dma_wait3A_899 = arith.constant 0 : i32
      %dma_wait3A_900 = arith.constant 0 : i32
      %dma_wait3A_901 = tpu.memref_slice %arg13[%dma_wait3A_899, %dma_wait3A_900] : memref<10240x64xf32, #tpu.memory_space<vmem_shared>> -> memref<10240x64xf32, #tpu.memory_space<vmem_shared>>
      %dma_wait3A_902 = tpu.memref_slice %arg15[%dma_wait3A_891] : memref<3x!tpu.dma_semaphore, #tpu.memory_space<semaphore_mem>> -> memref<1x!tpu.dma_semaphore, #tpu.memory_space<semaphore_mem>>
      %dma_wait3A_903 = tpu.memref_squeeze %dma_wait3A_902 : memref<1x!tpu.dma_semaphore, #tpu.memory_space<semaphore_mem>> -> memref<!tpu.dma_semaphore, #tpu.memory_space<semaphore_mem>>
      tpu.wait_indirect_dma semaphore(%dma_wait3A_903 : memref<!tpu.dma_semaphore, #tpu.memory_space<semaphore_mem>>) src(%dma_wait3A_895 : memref<128x64xf32, #tpu.memory_space<vmem>>) dst(%dma_wait3A_901 : memref<10240x64xf32, #tpu.memory_space<vmem_shared>>)
      %dma_start3A_904 = arith.constant 11 : i32
      %dma_start3A_905 = arith.constant 2 : i32
      %dma_start3A_906 = arith.constant 2 : i32
      %dma_start3A_907 = arith.constant 0 : i32
      %dma_start3A_908 = arith.constant 0 : i32
      %dma_start3A_909 = tpu.memref_slice %arg10[%dma_start3A_905, %dma_start3A_907, %dma_start3A_908] : memref<3x128x64xf32, #tpu.memory_space<vmem>> -> memref<1x128x64xf32, #tpu.memory_space<vmem>>
      %dma_start3A_910 = tpu.memref_squeeze %dma_start3A_909 : memref<1x128x64xf32, #tpu.memory_space<vmem>> -> memref<128x64xf32, #tpu.memory_space<vmem>>
      %dma_start3A_911 = arith.constant 0 : i32
      %dma_start3A_912 = tpu.memref_slice %arg8[%dma_start3A_904, %dma_start3A_911] : memref<16x128xi32, #tpu.memory_space<vmem>> -> memref<1x128xi32, #tpu.memory_space<vmem>>
      %dma_start3A_913 = tpu.memref_squeeze %dma_start3A_912 : memref<1x128xi32, #tpu.memory_space<vmem>> -> memref<128xi32, #tpu.memory_space<vmem>>
      %dma_start3A_914 = arith.constant 0 : i32
      %dma_start3A_915 = arith.constant 0 : i32
      %dma_start3A_916 = tpu.memref_slice %arg12[%dma_start3A_914, %dma_start3A_915] : memref<10240x64xf32, #tpu.memory_space<vmem_shared>> -> memref<10240x64xf32, #tpu.memory_space<vmem_shared>>
      %dma_start3A_917 = tpu.memref_slice %arg14[%dma_start3A_906] : memref<3x!tpu.dma_semaphore, #tpu.memory_space<semaphore_mem>> -> memref<1x!tpu.dma_semaphore, #tpu.memory_space<semaphore_mem>>
      %dma_start3A_918 = tpu.memref_squeeze %dma_start3A_917 : memref<1x!tpu.dma_semaphore, #tpu.memory_space<semaphore_mem>> -> memref<!tpu.dma_semaphore, #tpu.memory_space<semaphore_mem>>
      tpu.enqueue_indirect_dma source(%dma_start3A_916 : memref<10240x64xf32, #tpu.memory_space<vmem_shared>>) target(%dma_start3A_910 : memref<128x64xf32, #tpu.memory_space<vmem>>) offsets(%dma_start3A_913 : memref<128xi32, #tpu.memory_space<vmem>>) semaphore(%dma_start3A_918 : memref<!tpu.dma_semaphore, #tpu.memory_space<semaphore_mem>>)
      %get3A_919 = arith.constant 9 : i32
      %get3A_920 = arith.index_cast %get3A_919 : i32 to index
      %get3A_921 = arith.constant 0 : index
      %get3A_922 = tpu.vector_load %arg9[%get3A_920, %get3A_921] {strides = array<i32>} : memref<16x128xi32, #tpu.memory_space<vmem>>, vector<16xi32>,
      tpu.vector_store_idx %arg11[%get3A_922], %broadcast_in_dim3A_8 {add = true} : memref<10240xf32, #tpu.memory_space<vmem>>[vector<16xi32>], vector<16xf32>,
      %get3A_923 = arith.constant 9 : i32
      %get3A_924 = arith.index_cast %get3A_923 : i32 to index
      %get3A_925 = arith.constant 16 : index
      %get3A_926 = tpu.vector_load %arg9[%get3A_924, %get3A_925] {strides = array<i32>} : memref<16x128xi32, #tpu.memory_space<vmem>>, vector<16xi32>,
      tpu.vector_store_idx %arg11[%get3A_926], %broadcast_in_dim3A_8 {add = true} : memref<10240xf32, #tpu.memory_space<vmem>>[vector<16xi32>], vector<16xf32>,
      %get3A_927 = arith.constant 9 : i32
      %get3A_928 = arith.index_cast %get3A_927 : i32 to index
      %get3A_929 = arith.constant 32 : index
      %get3A_930 = tpu.vector_load %arg9[%get3A_928, %get3A_929] {strides = array<i32>} : memref<16x128xi32, #tpu.memory_space<vmem>>, vector<16xi32>,
      tpu.vector_store_idx %arg11[%get3A_930], %broadcast_in_dim3A_8 {add = true} : memref<10240xf32, #tpu.memory_space<vmem>>[vector<16xi32>], vector<16xf32>,
      %get3A_931 = arith.constant 9 : i32
      %get3A_932 = arith.index_cast %get3A_931 : i32 to index
      %get3A_933 = arith.constant 48 : index
      %get3A_934 = tpu.vector_load %arg9[%get3A_932, %get3A_933] {strides = array<i32>} : memref<16x128xi32, #tpu.memory_space<vmem>>, vector<16xi32>,
      tpu.vector_store_idx %arg11[%get3A_934], %broadcast_in_dim3A_8 {add = true} : memref<10240xf32, #tpu.memory_space<vmem>>[vector<16xi32>], vector<16xf32>,
      %get3A_935 = arith.constant 9 : i32
      %get3A_936 = arith.index_cast %get3A_935 : i32 to index
      %get3A_937 = arith.constant 64 : index
      %get3A_938 = tpu.vector_load %arg9[%get3A_936, %get3A_937] {strides = array<i32>} : memref<16x128xi32, #tpu.memory_space<vmem>>, vector<16xi32>,
      tpu.vector_store_idx %arg11[%get3A_938], %broadcast_in_dim3A_8 {add = true} : memref<10240xf32, #tpu.memory_space<vmem>>[vector<16xi32>], vector<16xf32>,
      %get3A_939 = arith.constant 9 : i32
      %get3A_940 = arith.index_cast %get3A_939 : i32 to index
      %get3A_941 = arith.constant 80 : index
      %get3A_942 = tpu.vector_load %arg9[%get3A_940, %get3A_941] {strides = array<i32>} : memref<16x128xi32, #tpu.memory_space<vmem>>, vector<16xi32>,
      tpu.vector_store_idx %arg11[%get3A_942], %broadcast_in_dim3A_8 {add = true} : memref<10240xf32, #tpu.memory_space<vmem>>[vector<16xi32>], vector<16xf32>,
      %get3A_943 = arith.constant 9 : i32
      %get3A_944 = arith.index_cast %get3A_943 : i32 to index
      %get3A_945 = arith.constant 96 : index
      %get3A_946 = tpu.vector_load %arg9[%get3A_944, %get3A_945] {strides = array<i32>} : memref<16x128xi32, #tpu.memory_space<vmem>>, vector<16xi32>,
      tpu.vector_store_idx %arg11[%get3A_946], %broadcast_in_dim3A_8 {add = true} : memref<10240xf32, #tpu.memory_space<vmem>>[vector<16xi32>], vector<16xf32>,
      %get3A_947 = arith.constant 9 : i32
      %get3A_948 = arith.index_cast %get3A_947 : i32 to index
      %get3A_949 = arith.constant 112 : index
      %get3A_950 = tpu.vector_load %arg9[%get3A_948, %get3A_949] {strides = array<i32>} : memref<16x128xi32, #tpu.memory_space<vmem>>, vector<16xi32>,
      tpu.vector_store_idx %arg11[%get3A_950], %broadcast_in_dim3A_8 {add = true} : memref<10240xf32, #tpu.memory_space<vmem>>[vector<16xi32>], vector<16xf32>,
      %dma_wait3A_951 = arith.constant 10 : i32
      %dma_wait3A_952 = arith.constant 1 : i32
      %dma_wait3A_953 = arith.constant 1 : i32
      %dma_wait3A_954 = arith.constant 0 : i32
      %dma_wait3A_955 = arith.constant 0 : i32
      %dma_wait3A_956 = tpu.memref_slice %arg10[%dma_wait3A_952, %dma_wait3A_954, %dma_wait3A_955] : memref<3x128x64xf32, #tpu.memory_space<vmem>> -> memref<1x128x64xf32, #tpu.memory_space<vmem>>
      %dma_wait3A_957 = tpu.memref_squeeze %dma_wait3A_956 : memref<1x128x64xf32, #tpu.memory_space<vmem>> -> memref<128x64xf32, #tpu.memory_space<vmem>>
      %dma_wait3A_958 = arith.constant 0 : i32
      %dma_wait3A_959 = tpu.memref_slice %arg8[%dma_wait3A_951, %dma_wait3A_958] : memref<16x128xi32, #tpu.memory_space<vmem>> -> memref<1x128xi32, #tpu.memory_space<vmem>>
      %dma_wait3A_960 = tpu.memref_squeeze %dma_wait3A_959 : memref<1x128xi32, #tpu.memory_space<vmem>> -> memref<128xi32, #tpu.memory_space<vmem>>
      %dma_wait3A_961 = arith.constant 0 : i32
      %dma_wait3A_962 = arith.constant 0 : i32
      %dma_wait3A_963 = tpu.memref_slice %arg12[%dma_wait3A_961, %dma_wait3A_962] : memref<10240x64xf32, #tpu.memory_space<vmem_shared>> -> memref<10240x64xf32, #tpu.memory_space<vmem_shared>>
      %dma_wait3A_964 = tpu.memref_slice %arg14[%dma_wait3A_953] : memref<3x!tpu.dma_semaphore, #tpu.memory_space<semaphore_mem>> -> memref<1x!tpu.dma_semaphore, #tpu.memory_space<semaphore_mem>>
      %dma_wait3A_965 = tpu.memref_squeeze %dma_wait3A_964 : memref<1x!tpu.dma_semaphore, #tpu.memory_space<semaphore_mem>> -> memref<!tpu.dma_semaphore, #tpu.memory_space<semaphore_mem>>
      tpu.wait_indirect_dma semaphore(%dma_wait3A_965 : memref<!tpu.dma_semaphore, #tpu.memory_space<semaphore_mem>>) src(%dma_wait3A_963 : memref<10240x64xf32, #tpu.memory_space<vmem_shared>>) dst(%dma_wait3A_957 : memref<128x64xf32, #tpu.memory_space<vmem>>)
      %dma_start3A_966 = arith.constant 1 : i32
      %dma_start3A_967 = arith.constant 10 : i32
      %dma_start3A_968 = arith.constant 1 : i32
      %dma_start3A_969 = arith.constant 0 : i32
      %dma_start3A_970 = arith.constant 0 : i32
      %dma_start3A_971 = tpu.memref_slice %arg10[%dma_start3A_966, %dma_start3A_969, %dma_start3A_970] : memref<3x128x64xf32, #tpu.memory_space<vmem>> -> memref<1x128x64xf32, #tpu.memory_space<vmem>>
      %dma_start3A_972 = tpu.memref_squeeze %dma_start3A_971 : memref<1x128x64xf32, #tpu.memory_space<vmem>> -> memref<128x64xf32, #tpu.memory_space<vmem>>
      %dma_start3A_973 = arith.constant 0 : i32
      %dma_start3A_974 = tpu.memref_slice %arg9[%dma_start3A_967, %dma_start3A_973] : memref<16x128xi32, #tpu.memory_space<vmem>> -> memref<1x128xi32, #tpu.memory_space<vmem>>
      %dma_start3A_975 = tpu.memref_squeeze %dma_start3A_974 : memref<1x128xi32, #tpu.memory_space<vmem>> -> memref<128xi32, #tpu.memory_space<vmem>>
      %dma_start3A_976 = arith.constant 0 : i32
      %dma_start3A_977 = arith.constant 0 : i32
      %dma_start3A_978 = tpu.memref_slice %arg13[%dma_start3A_976, %dma_start3A_977] : memref<10240x64xf32, #tpu.memory_space<vmem_shared>> -> memref<10240x64xf32, #tpu.memory_space<vmem_shared>>
      %dma_start3A_979 = tpu.memref_slice %arg15[%dma_start3A_968] : memref<3x!tpu.dma_semaphore, #tpu.memory_space<semaphore_mem>> -> memref<1x!tpu.dma_semaphore, #tpu.memory_space<semaphore_mem>>
      %dma_start3A_980 = tpu.memref_squeeze %dma_start3A_979 : memref<1x!tpu.dma_semaphore, #tpu.memory_space<semaphore_mem>> -> memref<!tpu.dma_semaphore, #tpu.memory_space<semaphore_mem>>
      tpu.enqueue_indirect_dma source(%dma_start3A_972 : memref<128x64xf32, #tpu.memory_space<vmem>>) target(%dma_start3A_978 : memref<10240x64xf32, #tpu.memory_space<vmem_shared>>) offsets(%dma_start3A_975 : memref<128xi32, #tpu.memory_space<vmem>>) semaphore(%dma_start3A_980 : memref<!tpu.dma_semaphore, #tpu.memory_space<semaphore_mem>>) {add = true}
      %dma_wait3A_981 = arith.constant 0 : i32
      %dma_wait3A_982 = arith.constant 9 : i32
      %dma_wait3A_983 = arith.constant 0 : i32
      %dma_wait3A_984 = arith.constant 0 : i32
      %dma_wait3A_985 = arith.constant 0 : i32
      %dma_wait3A_986 = tpu.memref_slice %arg10[%dma_wait3A_981, %dma_wait3A_984, %dma_wait3A_985] : memref<3x128x64xf32, #tpu.memory_space<vmem>> -> memref<1x128x64xf32, #tpu.memory_space<vmem>>
      %dma_wait3A_987 = tpu.memref_squeeze %dma_wait3A_986 : memref<1x128x64xf32, #tpu.memory_space<vmem>> -> memref<128x64xf32, #tpu.memory_space<vmem>>
      %dma_wait3A_988 = arith.constant 0 : i32
      %dma_wait3A_989 = tpu.memref_slice %arg9[%dma_wait3A_982, %dma_wait3A_988] : memref<16x128xi32, #tpu.memory_space<vmem>> -> memref<1x128xi32, #tpu.memory_space<vmem>>
      %dma_wait3A_990 = tpu.memref_squeeze %dma_wait3A_989 : memref<1x128xi32, #tpu.memory_space<vmem>> -> memref<128xi32, #tpu.memory_space<vmem>>
      %dma_wait3A_991 = arith.constant 0 : i32
      %dma_wait3A_992 = arith.constant 0 : i32
      %dma_wait3A_993 = tpu.memref_slice %arg13[%dma_wait3A_991, %dma_wait3A_992] : memref<10240x64xf32, #tpu.memory_space<vmem_shared>> -> memref<10240x64xf32, #tpu.memory_space<vmem_shared>>
      %dma_wait3A_994 = tpu.memref_slice %arg15[%dma_wait3A_983] : memref<3x!tpu.dma_semaphore, #tpu.memory_space<semaphore_mem>> -> memref<1x!tpu.dma_semaphore, #tpu.memory_space<semaphore_mem>>
      %dma_wait3A_995 = tpu.memref_squeeze %dma_wait3A_994 : memref<1x!tpu.dma_semaphore, #tpu.memory_space<semaphore_mem>> -> memref<!tpu.dma_semaphore, #tpu.memory_space<semaphore_mem>>
      tpu.wait_indirect_dma semaphore(%dma_wait3A_995 : memref<!tpu.dma_semaphore, #tpu.memory_space<semaphore_mem>>) src(%dma_wait3A_987 : memref<128x64xf32, #tpu.memory_space<vmem>>) dst(%dma_wait3A_993 : memref<10240x64xf32, #tpu.memory_space<vmem_shared>>)
      %dma_start3A_996 = arith.constant 12 : i32
      %dma_start3A_997 = arith.constant 0 : i32
      %dma_start3A_998 = arith.constant 0 : i32
      %dma_start3A_999 = arith.constant 0 : i32
      %dma_start3A_1000 = arith.constant 0 : i32
      %dma_start3A_1001 = tpu.memref_slice %arg10[%dma_start3A_997, %dma_start3A_999, %dma_start3A_1000] : memref<3x128x64xf32, #tpu.memory_space<vmem>> -> memref<1x128x64xf32, #tpu.memory_space<vmem>>
      %dma_start3A_1002 = tpu.memref_squeeze %dma_start3A_1001 : memref<1x128x64xf32, #tpu.memory_space<vmem>> -> memref<128x64xf32, #tpu.memory_space<vmem>>
      %dma_start3A_1003 = arith.constant 0 : i32
      %dma_start3A_1004 = tpu.memref_slice %arg8[%dma_start3A_996, %dma_start3A_1003] : memref<16x128xi32, #tpu.memory_space<vmem>> -> memref<1x128xi32, #tpu.memory_space<vmem>>
      %dma_start3A_1005 = tpu.memref_squeeze %dma_start3A_1004 : memref<1x128xi32, #tpu.memory_space<vmem>> -> memref<128xi32, #tpu.memory_space<vmem>>
      %dma_start3A_1006 = arith.constant 0 : i32
      %dma_start3A_1007 = arith.constant 0 : i32
      %dma_start3A_1008 = tpu.memref_slice %arg12[%dma_start3A_1006, %dma_start3A_1007] : memref<10240x64xf32, #tpu.memory_space<vmem_shared>> -> memref<10240x64xf32, #tpu.memory_space<vmem_shared>>
      %dma_start3A_1009 = tpu.memref_slice %arg14[%dma_start3A_998] : memref<3x!tpu.dma_semaphore, #tpu.memory_space<semaphore_mem>> -> memref<1x!tpu.dma_semaphore, #tpu.memory_space<semaphore_mem>>
      %dma_start3A_1010 = tpu.memref_squeeze %dma_start3A_1009 : memref<1x!tpu.dma_semaphore, #tpu.memory_space<semaphore_mem>> -> memref<!tpu.dma_semaphore, #tpu.memory_space<semaphore_mem>>
      tpu.enqueue_indirect_dma source(%dma_start3A_1008 : memref<10240x64xf32, #tpu.memory_space<vmem_shared>>) target(%dma_start3A_1002 : memref<128x64xf32, #tpu.memory_space<vmem>>) offsets(%dma_start3A_1005 : memref<128xi32, #tpu.memory_space<vmem>>) semaphore(%dma_start3A_1010 : memref<!tpu.dma_semaphore, #tpu.memory_space<semaphore_mem>>)
      %get3A_1011 = arith.constant 10 : i32
      %get3A_1012 = arith.index_cast %get3A_1011 : i32 to index
      %get3A_1013 = arith.constant 0 : index
      %get3A_1014 = tpu.vector_load %arg9[%get3A_1012, %get3A_1013] {strides = array<i32>} : memref<16x128xi32, #tpu.memory_space<vmem>>, vector<16xi32>,
      tpu.vector_store_idx %arg11[%get3A_1014], %broadcast_in_dim3A_8 {add = true} : memref<10240xf32, #tpu.memory_space<vmem>>[vector<16xi32>], vector<16xf32>,
      %get3A_1015 = arith.constant 10 : i32
      %get3A_1016 = arith.index_cast %get3A_1015 : i32 to index
      %get3A_1017 = arith.constant 16 : index
      %get3A_1018 = tpu.vector_load %arg9[%get3A_1016, %get3A_1017] {strides = array<i32>} : memref<16x128xi32, #tpu.memory_space<vmem>>, vector<16xi32>,
      tpu.vector_store_idx %arg11[%get3A_1018], %broadcast_in_dim3A_8 {add = true} : memref<10240xf32, #tpu.memory_space<vmem>>[vector<16xi32>], vector<16xf32>,
      %get3A_1019 = arith.constant 10 : i32
      %get3A_1020 = arith.index_cast %get3A_1019 : i32 to index
      %get3A_1021 = arith.constant 32 : index
      %get3A_1022 = tpu.vector_load %arg9[%get3A_1020, %get3A_1021] {strides = array<i32>} : memref<16x128xi32, #tpu.memory_space<vmem>>, vector<16xi32>,
      tpu.vector_store_idx %arg11[%get3A_1022], %broadcast_in_dim3A_8 {add = true} : memref<10240xf32, #tpu.memory_space<vmem>>[vector<16xi32>], vector<16xf32>,
      %get3A_1023 = arith.constant 10 : i32
      %get3A_1024 = arith.index_cast %get3A_1023 : i32 to index
      %get3A_1025 = arith.constant 48 : index
      %get3A_1026 = tpu.vector_load %arg9[%get3A_1024, %get3A_1025] {strides = array<i32>} : memref<16x128xi32, #tpu.memory_space<vmem>>, vector<16xi32>,
      tpu.vector_store_idx %arg11[%get3A_1026], %broadcast_in_dim3A_8 {add = true} : memref<10240xf32, #tpu.memory_space<vmem>>[vector<16xi32>], vector<16xf32>,
      %get3A_1027 = arith.constant 10 : i32
      %get3A_1028 = arith.index_cast %get3A_1027 : i32 to index
      %get3A_1029 = arith.constant 64 : index
      %get3A_1030 = tpu.vector_load %arg9[%get3A_1028, %get3A_1029] {strides = array<i32>} : memref<16x128xi32, #tpu.memory_space<vmem>>, vector<16xi32>,
      tpu.vector_store_idx %arg11[%get3A_1030], %broadcast_in_dim3A_8 {add = true} : memref<10240xf32, #tpu.memory_space<vmem>>[vector<16xi32>], vector<16xf32>,
      %get3A_1031 = arith.constant 10 : i32
      %get3A_1032 = arith.index_cast %get3A_1031 : i32 to index
      %get3A_1033 = arith.constant 80 : index
      %get3A_1034 = tpu.vector_load %arg9[%get3A_1032, %get3A_1033] {strides = array<i32>} : memref<16x128xi32, #tpu.memory_space<vmem>>, vector<16xi32>,
      tpu.vector_store_idx %arg11[%get3A_1034], %broadcast_in_dim3A_8 {add = true} : memref<10240xf32, #tpu.memory_space<vmem>>[vector<16xi32>], vector<16xf32>,
      %get3A_1035 = arith.constant 10 : i32
      %get3A_1036 = arith.index_cast %get3A_1035 : i32 to index
      %get3A_1037 = arith.constant 96 : index
      %get3A_1038 = tpu.vector_load %arg9[%get3A_1036, %get3A_1037] {strides = array<i32>} : memref<16x128xi32, #tpu.memory_space<vmem>>, vector<16xi32>,
      tpu.vector_store_idx %arg11[%get3A_1038], %broadcast_in_dim3A_8 {add = true} : memref<10240xf32, #tpu.memory_space<vmem>>[vector<16xi32>], vector<16xf32>,
      %get3A_1039 = arith.constant 10 : i32
      %get3A_1040 = arith.index_cast %get3A_1039 : i32 to index
      %get3A_1041 = arith.constant 112 : index
      %get3A_1042 = tpu.vector_load %arg9[%get3A_1040, %get3A_1041] {strides = array<i32>} : memref<16x128xi32, #tpu.memory_space<vmem>>, vector<16xi32>,
      tpu.vector_store_idx %arg11[%get3A_1042], %broadcast_in_dim3A_8 {add = true} : memref<10240xf32, #tpu.memory_space<vmem>>[vector<16xi32>], vector<16xf32>,
      %dma_wait3A_1043 = arith.constant 11 : i32
      %dma_wait3A_1044 = arith.constant 2 : i32
      %dma_wait3A_1045 = arith.constant 2 : i32
      %dma_wait3A_1046 = arith.constant 0 : i32
      %dma_wait3A_1047 = arith.constant 0 : i32
      %dma_wait3A_1048 = tpu.memref_slice %arg10[%dma_wait3A_1044, %dma_wait3A_1046, %dma_wait3A_1047] : memref<3x128x64xf32, #tpu.memory_space<vmem>> -> memref<1x128x64xf32, #tpu.memory_space<vmem>>
      %dma_wait3A_1049 = tpu.memref_squeeze %dma_wait3A_1048 : memref<1x128x64xf32, #tpu.memory_space<vmem>> -> memref<128x64xf32, #tpu.memory_space<vmem>>
      %dma_wait3A_1050 = arith.constant 0 : i32
      %dma_wait3A_1051 = tpu.memref_slice %arg8[%dma_wait3A_1043, %dma_wait3A_1050] : memref<16x128xi32, #tpu.memory_space<vmem>> -> memref<1x128xi32, #tpu.memory_space<vmem>>
      %dma_wait3A_1052 = tpu.memref_squeeze %dma_wait3A_1051 : memref<1x128xi32, #tpu.memory_space<vmem>> -> memref<128xi32, #tpu.memory_space<vmem>>
      %dma_wait3A_1053 = arith.constant 0 : i32
      %dma_wait3A_1054 = arith.constant 0 : i32
      %dma_wait3A_1055 = tpu.memref_slice %arg12[%dma_wait3A_1053, %dma_wait3A_1054] : memref<10240x64xf32, #tpu.memory_space<vmem_shared>> -> memref<10240x64xf32, #tpu.memory_space<vmem_shared>>
      %dma_wait3A_1056 = tpu.memref_slice %arg14[%dma_wait3A_1045] : memref<3x!tpu.dma_semaphore, #tpu.memory_space<semaphore_mem>> -> memref<1x!tpu.dma_semaphore, #tpu.memory_space<semaphore_mem>>
      %dma_wait3A_1057 = tpu.memref_squeeze %dma_wait3A_1056 : memref<1x!tpu.dma_semaphore, #tpu.memory_space<semaphore_mem>> -> memref<!tpu.dma_semaphore, #tpu.memory_space<semaphore_mem>>
      tpu.wait_indirect_dma semaphore(%dma_wait3A_1057 : memref<!tpu.dma_semaphore, #tpu.memory_space<semaphore_mem>>) src(%dma_wait3A_1055 : memref<10240x64xf32, #tpu.memory_space<vmem_shared>>) dst(%dma_wait3A_1049 : memref<128x64xf32, #tpu.memory_space<vmem>>)
      %dma_start3A_1058 = arith.constant 2 : i32
      %dma_start3A_1059 = arith.constant 11 : i32
      %dma_start3A_1060 = arith.constant 2 : i32
      %dma_start3A_1061 = arith.constant 0 : i32
      %dma_start3A_1062 = arith.constant 0 : i32
      %dma_start3A_1063 = tpu.memref_slice %arg10[%dma_start3A_1058, %dma_start3A_1061, %dma_start3A_1062] : memref<3x128x64xf32, #tpu.memory_space<vmem>> -> memref<1x128x64xf32, #tpu.memory_space<vmem>>
      %dma_start3A_1064 = tpu.memref_squeeze %dma_start3A_1063 : memref<1x128x64xf32, #tpu.memory_space<vmem>> -> memref<128x64xf32, #tpu.memory_space<vmem>>
      %dma_start3A_1065 = arith.constant 0 : i32
      %dma_start3A_1066 = tpu.memref_slice %arg9[%dma_start3A_1059, %dma_start3A_1065] : memref<16x128xi32, #tpu.memory_space<vmem>> -> memref<1x128xi32, #tpu.memory_space<vmem>>
      %dma_start3A_1067 = tpu.memref_squeeze %dma_start3A_1066 : memref<1x128xi32, #tpu.memory_space<vmem>> -> memref<128xi32, #tpu.memory_space<vmem>>
      %dma_start3A_1068 = arith.constant 0 : i32
      %dma_start3A_1069 = arith.constant 0 : i32
      %dma_start3A_1070 = tpu.memref_slice %arg13[%dma_start3A_1068, %dma_start3A_1069] : memref<10240x64xf32, #tpu.memory_space<vmem_shared>> -> memref<10240x64xf32, #tpu.memory_space<vmem_shared>>
      %dma_start3A_1071 = tpu.memref_slice %arg15[%dma_start3A_1060] : memref<3x!tpu.dma_semaphore, #tpu.memory_space<semaphore_mem>> -> memref<1x!tpu.dma_semaphore, #tpu.memory_space<semaphore_mem>>
      %dma_start3A_1072 = tpu.memref_squeeze %dma_start3A_1071 : memref<1x!tpu.dma_semaphore, #tpu.memory_space<semaphore_mem>> -> memref<!tpu.dma_semaphore, #tpu.memory_space<semaphore_mem>>
      tpu.enqueue_indirect_dma source(%dma_start3A_1064 : memref<128x64xf32, #tpu.memory_space<vmem>>) target(%dma_start3A_1070 : memref<10240x64xf32, #tpu.memory_space<vmem_shared>>) offsets(%dma_start3A_1067 : memref<128xi32, #tpu.memory_space<vmem>>) semaphore(%dma_start3A_1072 : memref<!tpu.dma_semaphore, #tpu.memory_space<semaphore_mem>>) {add = true}
      %dma_wait3A_1073 = arith.constant 1 : i32
      %dma_wait3A_1074 = arith.constant 10 : i32
      %dma_wait3A_1075 = arith.constant 1 : i32
      %dma_wait3A_1076 = arith.constant 0 : i32
      %dma_wait3A_1077 = arith.constant 0 : i32
      %dma_wait3A_1078 = tpu.memref_slice %arg10[%dma_wait3A_1073, %dma_wait3A_1076, %dma_wait3A_1077] : memref<3x128x64xf32, #tpu.memory_space<vmem>> -> memref<1x128x64xf32, #tpu.memory_space<vmem>>
      %dma_wait3A_1079 = tpu.memref_squeeze %dma_wait3A_1078 : memref<1x128x64xf32, #tpu.memory_space<vmem>> -> memref<128x64xf32, #tpu.memory_space<vmem>>
      %dma_wait3A_1080 = arith.constant 0 : i32
      %dma_wait3A_1081 = tpu.memref_slice %arg9[%dma_wait3A_1074, %dma_wait3A_1080] : memref<16x128xi32, #tpu.memory_space<vmem>> -> memref<1x128xi32, #tpu.memory_space<vmem>>
      %dma_wait3A_1082 = tpu.memref_squeeze %dma_wait3A_1081 : memref<1x128xi32, #tpu.memory_space<vmem>> -> memref<128xi32, #tpu.memory_space<vmem>>
      %dma_wait3A_1083 = arith.constant 0 : i32
      %dma_wait3A_1084 = arith.constant 0 : i32
      %dma_wait3A_1085 = tpu.memref_slice %arg13[%dma_wait3A_1083, %dma_wait3A_1084] : memref<10240x64xf32, #tpu.memory_space<vmem_shared>> -> memref<10240x64xf32, #tpu.memory_space<vmem_shared>>
      %dma_wait3A_1086 = tpu.memref_slice %arg15[%dma_wait3A_1075] : memref<3x!tpu.dma_semaphore, #tpu.memory_space<semaphore_mem>> -> memref<1x!tpu.dma_semaphore, #tpu.memory_space<semaphore_mem>>
      %dma_wait3A_1087 = tpu.memref_squeeze %dma_wait3A_1086 : memref<1x!tpu.dma_semaphore, #tpu.memory_space<semaphore_mem>> -> memref<!tpu.dma_semaphore, #tpu.memory_space<semaphore_mem>>
      tpu.wait_indirect_dma semaphore(%dma_wait3A_1087 : memref<!tpu.dma_semaphore, #tpu.memory_space<semaphore_mem>>) src(%dma_wait3A_1079 : memref<128x64xf32, #tpu.memory_space<vmem>>) dst(%dma_wait3A_1085 : memref<10240x64xf32, #tpu.memory_space<vmem_shared>>)
      %dma_start3A_1088 = arith.constant 13 : i32
      %dma_start3A_1089 = arith.constant 1 : i32
      %dma_start3A_1090 = arith.constant 1 : i32
      %dma_start3A_1091 = arith.constant 0 : i32
      %dma_start3A_1092 = arith.constant 0 : i32
      %dma_start3A_1093 = tpu.memref_slice %arg10[%dma_start3A_1089, %dma_start3A_1091, %dma_start3A_1092] : memref<3x128x64xf32, #tpu.memory_space<vmem>> -> memref<1x128x64xf32, #tpu.memory_space<vmem>>
      %dma_start3A_1094 = tpu.memref_squeeze %dma_start3A_1093 : memref<1x128x64xf32, #tpu.memory_space<vmem>> -> memref<128x64xf32, #tpu.memory_space<vmem>>
      %dma_start3A_1095 = arith.constant 0 : i32
      %dma_start3A_1096 = tpu.memref_slice %arg8[%dma_start3A_1088, %dma_start3A_1095] : memref<16x128xi32, #tpu.memory_space<vmem>> -> memref<1x128xi32, #tpu.memory_space<vmem>>
      %dma_start3A_1097 = tpu.memref_squeeze %dma_start3A_1096 : memref<1x128xi32, #tpu.memory_space<vmem>> -> memref<128xi32, #tpu.memory_space<vmem>>
      %dma_start3A_1098 = arith.constant 0 : i32
      %dma_start3A_1099 = arith.constant 0 : i32
      %dma_start3A_1100 = tpu.memref_slice %arg12[%dma_start3A_1098, %dma_start3A_1099] : memref<10240x64xf32, #tpu.memory_space<vmem_shared>> -> memref<10240x64xf32, #tpu.memory_space<vmem_shared>>
      %dma_start3A_1101 = tpu.memref_slice %arg14[%dma_start3A_1090] : memref<3x!tpu.dma_semaphore, #tpu.memory_space<semaphore_mem>> -> memref<1x!tpu.dma_semaphore, #tpu.memory_space<semaphore_mem>>
      %dma_start3A_1102 = tpu.memref_squeeze %dma_start3A_1101 : memref<1x!tpu.dma_semaphore, #tpu.memory_space<semaphore_mem>> -> memref<!tpu.dma_semaphore, #tpu.memory_space<semaphore_mem>>
      tpu.enqueue_indirect_dma source(%dma_start3A_1100 : memref<10240x64xf32, #tpu.memory_space<vmem_shared>>) target(%dma_start3A_1094 : memref<128x64xf32, #tpu.memory_space<vmem>>) offsets(%dma_start3A_1097 : memref<128xi32, #tpu.memory_space<vmem>>) semaphore(%dma_start3A_1102 : memref<!tpu.dma_semaphore, #tpu.memory_space<semaphore_mem>>)
      %get3A_1103 = arith.constant 11 : i32
      %get3A_1104 = arith.index_cast %get3A_1103 : i32 to index
      %get3A_1105 = arith.constant 0 : index
      %get3A_1106 = tpu.vector_load %arg9[%get3A_1104, %get3A_1105] {strides = array<i32>} : memref<16x128xi32, #tpu.memory_space<vmem>>, vector<16xi32>,
      tpu.vector_store_idx %arg11[%get3A_1106], %broadcast_in_dim3A_8 {add = true} : memref<10240xf32, #tpu.memory_space<vmem>>[vector<16xi32>], vector<16xf32>,
      %get3A_1107 = arith.constant 11 : i32
      %get3A_1108 = arith.index_cast %get3A_1107 : i32 to index
      %get3A_1109 = arith.constant 16 : index
      %get3A_1110 = tpu.vector_load %arg9[%get3A_1108, %get3A_1109] {strides = array<i32>} : memref<16x128xi32, #tpu.memory_space<vmem>>, vector<16xi32>,
      tpu.vector_store_idx %arg11[%get3A_1110], %broadcast_in_dim3A_8 {add = true} : memref<10240xf32, #tpu.memory_space<vmem>>[vector<16xi32>], vector<16xf32>,
      %get3A_1111 = arith.constant 11 : i32
      %get3A_1112 = arith.index_cast %get3A_1111 : i32 to index
      %get3A_1113 = arith.constant 32 : index
      %get3A_1114 = tpu.vector_load %arg9[%get3A_1112, %get3A_1113] {strides = array<i32>} : memref<16x128xi32, #tpu.memory_space<vmem>>, vector<16xi32>,
      tpu.vector_store_idx %arg11[%get3A_1114], %broadcast_in_dim3A_8 {add = true} : memref<10240xf32, #tpu.memory_space<vmem>>[vector<16xi32>], vector<16xf32>,
      %get3A_1115 = arith.constant 11 : i32
      %get3A_1116 = arith.index_cast %get3A_1115 : i32 to index
      %get3A_1117 = arith.constant 48 : index
      %get3A_1118 = tpu.vector_load %arg9[%get3A_1116, %get3A_1117] {strides = array<i32>} : memref<16x128xi32, #tpu.memory_space<vmem>>, vector<16xi32>,
      tpu.vector_store_idx %arg11[%get3A_1118], %broadcast_in_dim3A_8 {add = true} : memref<10240xf32, #tpu.memory_space<vmem>>[vector<16xi32>], vector<16xf32>,
      %get3A_1119 = arith.constant 11 : i32
      %get3A_1120 = arith.index_cast %get3A_1119 : i32 to index
      %get3A_1121 = arith.constant 64 : index
      %get3A_1122 = tpu.vector_load %arg9[%get3A_1120, %get3A_1121] {strides = array<i32>} : memref<16x128xi32, #tpu.memory_space<vmem>>, vector<16xi32>,
      tpu.vector_store_idx %arg11[%get3A_1122], %broadcast_in_dim3A_8 {add = true} : memref<10240xf32, #tpu.memory_space<vmem>>[vector<16xi32>], vector<16xf32>,
      %get3A_1123 = arith.constant 11 : i32
      %get3A_1124 = arith.index_cast %get3A_1123 : i32 to index
      %get3A_1125 = arith.constant 80 : index
      %get3A_1126 = tpu.vector_load %arg9[%get3A_1124, %get3A_1125] {strides = array<i32>} : memref<16x128xi32, #tpu.memory_space<vmem>>, vector<16xi32>,
      tpu.vector_store_idx %arg11[%get3A_1126], %broadcast_in_dim3A_8 {add = true} : memref<10240xf32, #tpu.memory_space<vmem>>[vector<16xi32>], vector<16xf32>,
      %get3A_1127 = arith.constant 11 : i32
      %get3A_1128 = arith.index_cast %get3A_1127 : i32 to index
      %get3A_1129 = arith.constant 96 : index
      %get3A_1130 = tpu.vector_load %arg9[%get3A_1128, %get3A_1129] {strides = array<i32>} : memref<16x128xi32, #tpu.memory_space<vmem>>, vector<16xi32>,
      tpu.vector_store_idx %arg11[%get3A_1130], %broadcast_in_dim3A_8 {add = true} : memref<10240xf32, #tpu.memory_space<vmem>>[vector<16xi32>], vector<16xf32>,
      %get3A_1131 = arith.constant 11 : i32
      %get3A_1132 = arith.index_cast %get3A_1131 : i32 to index
      %get3A_1133 = arith.constant 112 : index
      %get3A_1134 = tpu.vector_load %arg9[%get3A_1132, %get3A_1133] {strides = array<i32>} : memref<16x128xi32, #tpu.memory_space<vmem>>, vector<16xi32>,
      tpu.vector_store_idx %arg11[%get3A_1134], %broadcast_in_dim3A_8 {add = true} : memref<10240xf32, #tpu.memory_space<vmem>>[vector<16xi32>], vector<16xf32>,
      %dma_wait3A_1135 = arith.constant 12 : i32
      %dma_wait3A_1136 = arith.constant 0 : i32
      %dma_wait3A_1137 = arith.constant 0 : i32
      %dma_wait3A_1138 = arith.constant 0 : i32
      %dma_wait3A_1139 = arith.constant 0 : i32
      %dma_wait3A_1140 = tpu.memref_slice %arg10[%dma_wait3A_1136, %dma_wait3A_1138, %dma_wait3A_1139] : memref<3x128x64xf32, #tpu.memory_space<vmem>> -> memref<1x128x64xf32, #tpu.memory_space<vmem>>
      %dma_wait3A_1141 = tpu.memref_squeeze %dma_wait3A_1140 : memref<1x128x64xf32, #tpu.memory_space<vmem>> -> memref<128x64xf32, #tpu.memory_space<vmem>>
      %dma_wait3A_1142 = arith.constant 0 : i32
      %dma_wait3A_1143 = tpu.memref_slice %arg8[%dma_wait3A_1135, %dma_wait3A_1142] : memref<16x128xi32, #tpu.memory_space<vmem>> -> memref<1x128xi32, #tpu.memory_space<vmem>>
      %dma_wait3A_1144 = tpu.memref_squeeze %dma_wait3A_1143 : memref<1x128xi32, #tpu.memory_space<vmem>> -> memref<128xi32, #tpu.memory_space<vmem>>
      %dma_wait3A_1145 = arith.constant 0 : i32
      %dma_wait3A_1146 = arith.constant 0 : i32
      %dma_wait3A_1147 = tpu.memref_slice %arg12[%dma_wait3A_1145, %dma_wait3A_1146] : memref<10240x64xf32, #tpu.memory_space<vmem_shared>> -> memref<10240x64xf32, #tpu.memory_space<vmem_shared>>
      %dma_wait3A_1148 = tpu.memref_slice %arg14[%dma_wait3A_1137] : memref<3x!tpu.dma_semaphore, #tpu.memory_space<semaphore_mem>> -> memref<1x!tpu.dma_semaphore, #tpu.memory_space<semaphore_mem>>
      %dma_wait3A_1149 = tpu.memref_squeeze %dma_wait3A_1148 : memref<1x!tpu.dma_semaphore, #tpu.memory_space<semaphore_mem>> -> memref<!tpu.dma_semaphore, #tpu.memory_space<semaphore_mem>>
      tpu.wait_indirect_dma semaphore(%dma_wait3A_1149 : memref<!tpu.dma_semaphore, #tpu.memory_space<semaphore_mem>>) src(%dma_wait3A_1147 : memref<10240x64xf32, #tpu.memory_space<vmem_shared>>) dst(%dma_wait3A_1141 : memref<128x64xf32, #tpu.memory_space<vmem>>)
      %dma_start3A_1150 = arith.constant 0 : i32
      %dma_start3A_1151 = arith.constant 12 : i32
      %dma_start3A_1152 = arith.constant 0 : i32
      %dma_start3A_1153 = arith.constant 0 : i32
      %dma_start3A_1154 = arith.constant 0 : i32
      %dma_start3A_1155 = tpu.memref_slice %arg10[%dma_start3A_1150, %dma_start3A_1153, %dma_start3A_1154] : memref<3x128x64xf32, #tpu.memory_space<vmem>> -> memref<1x128x64xf32, #tpu.memory_space<vmem>>
      %dma_start3A_1156 = tpu.memref_squeeze %dma_start3A_1155 : memref<1x128x64xf32, #tpu.memory_space<vmem>> -> memref<128x64xf32, #tpu.memory_space<vmem>>
      %dma_start3A_1157 = arith.constant 0 : i32
      %dma_start3A_1158 = tpu.memref_slice %arg9[%dma_start3A_1151, %dma_start3A_1157] : memref<16x128xi32, #tpu.memory_space<vmem>> -> memref<1x128xi32, #tpu.memory_space<vmem>>
      %dma_start3A_1159 = tpu.memref_squeeze %dma_start3A_1158 : memref<1x128xi32, #tpu.memory_space<vmem>> -> memref<128xi32, #tpu.memory_space<vmem>>
      %dma_start3A_1160 = arith.constant 0 : i32
      %dma_start3A_1161 = arith.constant 0 : i32
      %dma_start3A_1162 = tpu.memref_slice %arg13[%dma_start3A_1160, %dma_start3A_1161] : memref<10240x64xf32, #tpu.memory_space<vmem_shared>> -> memref<10240x64xf32, #tpu.memory_space<vmem_shared>>
      %dma_start3A_1163 = tpu.memref_slice %arg15[%dma_start3A_1152] : memref<3x!tpu.dma_semaphore, #tpu.memory_space<semaphore_mem>> -> memref<1x!tpu.dma_semaphore, #tpu.memory_space<semaphore_mem>>
      %dma_start3A_1164 = tpu.memref_squeeze %dma_start3A_1163 : memref<1x!tpu.dma_semaphore, #tpu.memory_space<semaphore_mem>> -> memref<!tpu.dma_semaphore, #tpu.memory_space<semaphore_mem>>
      tpu.enqueue_indirect_dma source(%dma_start3A_1156 : memref<128x64xf32, #tpu.memory_space<vmem>>) target(%dma_start3A_1162 : memref<10240x64xf32, #tpu.memory_space<vmem_shared>>) offsets(%dma_start3A_1159 : memref<128xi32, #tpu.memory_space<vmem>>) semaphore(%dma_start3A_1164 : memref<!tpu.dma_semaphore, #tpu.memory_space<semaphore_mem>>) {add = true}
      %dma_wait3A_1165 = arith.constant 2 : i32
      %dma_wait3A_1166 = arith.constant 11 : i32
      %dma_wait3A_1167 = arith.constant 2 : i32
      %dma_wait3A_1168 = arith.constant 0 : i32
      %dma_wait3A_1169 = arith.constant 0 : i32
      %dma_wait3A_1170 = tpu.memref_slice %arg10[%dma_wait3A_1165, %dma_wait3A_1168, %dma_wait3A_1169] : memref<3x128x64xf32, #tpu.memory_space<vmem>> -> memref<1x128x64xf32, #tpu.memory_space<vmem>>
      %dma_wait3A_1171 = tpu.memref_squeeze %dma_wait3A_1170 : memref<1x128x64xf32, #tpu.memory_space<vmem>> -> memref<128x64xf32, #tpu.memory_space<vmem>>
      %dma_wait3A_1172 = arith.constant 0 : i32
      %dma_wait3A_1173 = tpu.memref_slice %arg9[%dma_wait3A_1166, %dma_wait3A_1172] : memref<16x128xi32, #tpu.memory_space<vmem>> -> memref<1x128xi32, #tpu.memory_space<vmem>>
      %dma_wait3A_1174 = tpu.memref_squeeze %dma_wait3A_1173 : memref<1x128xi32, #tpu.memory_space<vmem>> -> memref<128xi32, #tpu.memory_space<vmem>>
      %dma_wait3A_1175 = arith.constant 0 : i32
      %dma_wait3A_1176 = arith.constant 0 : i32
      %dma_wait3A_1177 = tpu.memref_slice %arg13[%dma_wait3A_1175, %dma_wait3A_1176] : memref<10240x64xf32, #tpu.memory_space<vmem_shared>> -> memref<10240x64xf32, #tpu.memory_space<vmem_shared>>
      %dma_wait3A_1178 = tpu.memref_slice %arg15[%dma_wait3A_1167] : memref<3x!tpu.dma_semaphore, #tpu.memory_space<semaphore_mem>> -> memref<1x!tpu.dma_semaphore, #tpu.memory_space<semaphore_mem>>
      %dma_wait3A_1179 = tpu.memref_squeeze %dma_wait3A_1178 : memref<1x!tpu.dma_semaphore, #tpu.memory_space<semaphore_mem>> -> memref<!tpu.dma_semaphore, #tpu.memory_space<semaphore_mem>>
      tpu.wait_indirect_dma semaphore(%dma_wait3A_1179 : memref<!tpu.dma_semaphore, #tpu.memory_space<semaphore_mem>>) src(%dma_wait3A_1171 : memref<128x64xf32, #tpu.memory_space<vmem>>) dst(%dma_wait3A_1177 : memref<10240x64xf32, #tpu.memory_space<vmem_shared>>)
      %dma_start3A_1180 = arith.constant 14 : i32
      %dma_start3A_1181 = arith.constant 2 : i32
      %dma_start3A_1182 = arith.constant 2 : i32
      %dma_start3A_1183 = arith.constant 0 : i32
      %dma_start3A_1184 = arith.constant 0 : i32
      %dma_start3A_1185 = tpu.memref_slice %arg10[%dma_start3A_1181, %dma_start3A_1183, %dma_start3A_1184] : memref<3x128x64xf32, #tpu.memory_space<vmem>> -> memref<1x128x64xf32, #tpu.memory_space<vmem>>
      %dma_start3A_1186 = tpu.memref_squeeze %dma_start3A_1185 : memref<1x128x64xf32, #tpu.memory_space<vmem>> -> memref<128x64xf32, #tpu.memory_space<vmem>>
      %dma_start3A_1187 = arith.constant 0 : i32
      %dma_start3A_1188 = tpu.memref_slice %arg8[%dma_start3A_1180, %dma_start3A_1187] : memref<16x128xi32, #tpu.memory_space<vmem>> -> memref<1x128xi32, #tpu.memory_space<vmem>>
      %dma_start3A_1189 = tpu.memref_squeeze %dma_start3A_1188 : memref<1x128xi32, #tpu.memory_space<vmem>> -> memref<128xi32, #tpu.memory_space<vmem>>
      %dma_start3A_1190 = arith.constant 0 : i32
      %dma_start3A_1191 = arith.constant 0 : i32
      %dma_start3A_1192 = tpu.memref_slice %arg12[%dma_start3A_1190, %dma_start3A_1191] : memref<10240x64xf32, #tpu.memory_space<vmem_shared>> -> memref<10240x64xf32, #tpu.memory_space<vmem_shared>>
      %dma_start3A_1193 = tpu.memref_slice %arg14[%dma_start3A_1182] : memref<3x!tpu.dma_semaphore, #tpu.memory_space<semaphore_mem>> -> memref<1x!tpu.dma_semaphore, #tpu.memory_space<semaphore_mem>>
      %dma_start3A_1194 = tpu.memref_squeeze %dma_start3A_1193 : memref<1x!tpu.dma_semaphore, #tpu.memory_space<semaphore_mem>> -> memref<!tpu.dma_semaphore, #tpu.memory_space<semaphore_mem>>
      tpu.enqueue_indirect_dma source(%dma_start3A_1192 : memref<10240x64xf32, #tpu.memory_space<vmem_shared>>) target(%dma_start3A_1186 : memref<128x64xf32, #tpu.memory_space<vmem>>) offsets(%dma_start3A_1189 : memref<128xi32, #tpu.memory_space<vmem>>) semaphore(%dma_start3A_1194 : memref<!tpu.dma_semaphore, #tpu.memory_space<semaphore_mem>>)
      %get3A_1195 = arith.constant 12 : i32
      %get3A_1196 = arith.index_cast %get3A_1195 : i32 to index
      %get3A_1197 = arith.constant 0 : index
      %get3A_1198 = tpu.vector_load %arg9[%get3A_1196, %get3A_1197] {strides = array<i32>} : memref<16x128xi32, #tpu.memory_space<vmem>>, vector<16xi32>,
      tpu.vector_store_idx %arg11[%get3A_1198], %broadcast_in_dim3A_8 {add = true} : memref<10240xf32, #tpu.memory_space<vmem>>[vector<16xi32>], vector<16xf32>,
      %get3A_1199 = arith.constant 12 : i32
      %get3A_1200 = arith.index_cast %get3A_1199 : i32 to index
      %get3A_1201 = arith.constant 16 : index
      %get3A_1202 = tpu.vector_load %arg9[%get3A_1200, %get3A_1201] {strides = array<i32>} : memref<16x128xi32, #tpu.memory_space<vmem>>, vector<16xi32>,
      tpu.vector_store_idx %arg11[%get3A_1202], %broadcast_in_dim3A_8 {add = true} : memref<10240xf32, #tpu.memory_space<vmem>>[vector<16xi32>], vector<16xf32>,
      %get3A_1203 = arith.constant 12 : i32
      %get3A_1204 = arith.index_cast %get3A_1203 : i32 to index
      %get3A_1205 = arith.constant 32 : index
      %get3A_1206 = tpu.vector_load %arg9[%get3A_1204, %get3A_1205] {strides = array<i32>} : memref<16x128xi32, #tpu.memory_space<vmem>>, vector<16xi32>,
      tpu.vector_store_idx %arg11[%get3A_1206], %broadcast_in_dim3A_8 {add = true} : memref<10240xf32, #tpu.memory_space<vmem>>[vector<16xi32>], vector<16xf32>,
      %get3A_1207 = arith.constant 12 : i32
      %get3A_1208 = arith.index_cast %get3A_1207 : i32 to index
      %get3A_1209 = arith.constant 48 : index
      %get3A_1210 = tpu.vector_load %arg9[%get3A_1208, %get3A_1209] {strides = array<i32>} : memref<16x128xi32, #tpu.memory_space<vmem>>, vector<16xi32>,
      tpu.vector_store_idx %arg11[%get3A_1210], %broadcast_in_dim3A_8 {add = true} : memref<10240xf32, #tpu.memory_space<vmem>>[vector<16xi32>], vector<16xf32>,
      %get3A_1211 = arith.constant 12 : i32
      %get3A_1212 = arith.index_cast %get3A_1211 : i32 to index
      %get3A_1213 = arith.constant 64 : index
      %get3A_1214 = tpu.vector_load %arg9[%get3A_1212, %get3A_1213] {strides = array<i32>} : memref<16x128xi32, #tpu.memory_space<vmem>>, vector<16xi32>,
      tpu.vector_store_idx %arg11[%get3A_1214], %broadcast_in_dim3A_8 {add = true} : memref<10240xf32, #tpu.memory_space<vmem>>[vector<16xi32>], vector<16xf32>,
      %get3A_1215 = arith.constant 12 : i32
      %get3A_1216 = arith.index_cast %get3A_1215 : i32 to index
      %get3A_1217 = arith.constant 80 : index
      %get3A_1218 = tpu.vector_load %arg9[%get3A_1216, %get3A_1217] {strides = array<i32>} : memref<16x128xi32, #tpu.memory_space<vmem>>, vector<16xi32>,
      tpu.vector_store_idx %arg11[%get3A_1218], %broadcast_in_dim3A_8 {add = true} : memref<10240xf32, #tpu.memory_space<vmem>>[vector<16xi32>], vector<16xf32>,
      %get3A_1219 = arith.constant 12 : i32
      %get3A_1220 = arith.index_cast %get3A_1219 : i32 to index
      %get3A_1221 = arith.constant 96 : index
      %get3A_1222 = tpu.vector_load %arg9[%get3A_1220, %get3A_1221] {strides = array<i32>} : memref<16x128xi32, #tpu.memory_space<vmem>>, vector<16xi32>,
      tpu.vector_store_idx %arg11[%get3A_1222], %broadcast_in_dim3A_8 {add = true} : memref<10240xf32, #tpu.memory_space<vmem>>[vector<16xi32>], vector<16xf32>,
      %get3A_1223 = arith.constant 12 : i32
      %get3A_1224 = arith.index_cast %get3A_1223 : i32 to index
      %get3A_1225 = arith.constant 112 : index
      %get3A_1226 = tpu.vector_load %arg9[%get3A_1224, %get3A_1225] {strides = array<i32>} : memref<16x128xi32, #tpu.memory_space<vmem>>, vector<16xi32>,
      tpu.vector_store_idx %arg11[%get3A_1226], %broadcast_in_dim3A_8 {add = true} : memref<10240xf32, #tpu.memory_space<vmem>>[vector<16xi32>], vector<16xf32>,
      %dma_wait3A_1227 = arith.constant 13 : i32
      %dma_wait3A_1228 = arith.constant 1 : i32
      %dma_wait3A_1229 = arith.constant 1 : i32
      %dma_wait3A_1230 = arith.constant 0 : i32
      %dma_wait3A_1231 = arith.constant 0 : i32
      %dma_wait3A_1232 = tpu.memref_slice %arg10[%dma_wait3A_1228, %dma_wait3A_1230, %dma_wait3A_1231] : memref<3x128x64xf32, #tpu.memory_space<vmem>> -> memref<1x128x64xf32, #tpu.memory_space<vmem>>
      %dma_wait3A_1233 = tpu.memref_squeeze %dma_wait3A_1232 : memref<1x128x64xf32, #tpu.memory_space<vmem>> -> memref<128x64xf32, #tpu.memory_space<vmem>>
      %dma_wait3A_1234 = arith.constant 0 : i32
      %dma_wait3A_1235 = tpu.memref_slice %arg8[%dma_wait3A_1227, %dma_wait3A_1234] : memref<16x128xi32, #tpu.memory_space<vmem>> -> memref<1x128xi32, #tpu.memory_space<vmem>>
      %dma_wait3A_1236 = tpu.memref_squeeze %dma_wait3A_1235 : memref<1x128xi32, #tpu.memory_space<vmem>> -> memref<128xi32, #tpu.memory_space<vmem>>
      %dma_wait3A_1237 = arith.constant 0 : i32
      %dma_wait3A_1238 = arith.constant 0 : i32
      %dma_wait3A_1239 = tpu.memref_slice %arg12[%dma_wait3A_1237, %dma_wait3A_1238] : memref<10240x64xf32, #tpu.memory_space<vmem_shared>> -> memref<10240x64xf32, #tpu.memory_space<vmem_shared>>
      %dma_wait3A_1240 = tpu.memref_slice %arg14[%dma_wait3A_1229] : memref<3x!tpu.dma_semaphore, #tpu.memory_space<semaphore_mem>> -> memref<1x!tpu.dma_semaphore, #tpu.memory_space<semaphore_mem>>
      %dma_wait3A_1241 = tpu.memref_squeeze %dma_wait3A_1240 : memref<1x!tpu.dma_semaphore, #tpu.memory_space<semaphore_mem>> -> memref<!tpu.dma_semaphore, #tpu.memory_space<semaphore_mem>>
      tpu.wait_indirect_dma semaphore(%dma_wait3A_1241 : memref<!tpu.dma_semaphore, #tpu.memory_space<semaphore_mem>>) src(%dma_wait3A_1239 : memref<10240x64xf32, #tpu.memory_space<vmem_shared>>) dst(%dma_wait3A_1233 : memref<128x64xf32, #tpu.memory_space<vmem>>)
      %dma_start3A_1242 = arith.constant 1 : i32
      %dma_start3A_1243 = arith.constant 13 : i32
      %dma_start3A_1244 = arith.constant 1 : i32
      %dma_start3A_1245 = arith.constant 0 : i32
      %dma_start3A_1246 = arith.constant 0 : i32
      %dma_start3A_1247 = tpu.memref_slice %arg10[%dma_start3A_1242, %dma_start3A_1245, %dma_start3A_1246] : memref<3x128x64xf32, #tpu.memory_space<vmem>> -> memref<1x128x64xf32, #tpu.memory_space<vmem>>
      %dma_start3A_1248 = tpu.memref_squeeze %dma_start3A_1247 : memref<1x128x64xf32, #tpu.memory_space<vmem>> -> memref<128x64xf32, #tpu.memory_space<vmem>>
      %dma_start3A_1249 = arith.constant 0 : i32
      %dma_start3A_1250 = tpu.memref_slice %arg9[%dma_start3A_1243, %dma_start3A_1249] : memref<16x128xi32, #tpu.memory_space<vmem>> -> memref<1x128xi32, #tpu.memory_space<vmem>>
      %dma_start3A_1251 = tpu.memref_squeeze %dma_start3A_1250 : memref<1x128xi32, #tpu.memory_space<vmem>> -> memref<128xi32, #tpu.memory_space<vmem>>
      %dma_start3A_1252 = arith.constant 0 : i32
      %dma_start3A_1253 = arith.constant 0 : i32
      %dma_start3A_1254 = tpu.memref_slice %arg13[%dma_start3A_1252, %dma_start3A_1253] : memref<10240x64xf32, #tpu.memory_space<vmem_shared>> -> memref<10240x64xf32, #tpu.memory_space<vmem_shared>>
      %dma_start3A_1255 = tpu.memref_slice %arg15[%dma_start3A_1244] : memref<3x!tpu.dma_semaphore, #tpu.memory_space<semaphore_mem>> -> memref<1x!tpu.dma_semaphore, #tpu.memory_space<semaphore_mem>>
      %dma_start3A_1256 = tpu.memref_squeeze %dma_start3A_1255 : memref<1x!tpu.dma_semaphore, #tpu.memory_space<semaphore_mem>> -> memref<!tpu.dma_semaphore, #tpu.memory_space<semaphore_mem>>
      tpu.enqueue_indirect_dma source(%dma_start3A_1248 : memref<128x64xf32, #tpu.memory_space<vmem>>) target(%dma_start3A_1254 : memref<10240x64xf32, #tpu.memory_space<vmem_shared>>) offsets(%dma_start3A_1251 : memref<128xi32, #tpu.memory_space<vmem>>) semaphore(%dma_start3A_1256 : memref<!tpu.dma_semaphore, #tpu.memory_space<semaphore_mem>>) {add = true}
      %dma_wait3A_1257 = arith.constant 0 : i32
      %dma_wait3A_1258 = arith.constant 12 : i32
      %dma_wait3A_1259 = arith.constant 0 : i32
      %dma_wait3A_1260 = arith.constant 0 : i32
      %dma_wait3A_1261 = arith.constant 0 : i32
      %dma_wait3A_1262 = tpu.memref_slice %arg10[%dma_wait3A_1257, %dma_wait3A_1260, %dma_wait3A_1261] : memref<3x128x64xf32, #tpu.memory_space<vmem>> -> memref<1x128x64xf32, #tpu.memory_space<vmem>>
      %dma_wait3A_1263 = tpu.memref_squeeze %dma_wait3A_1262 : memref<1x128x64xf32, #tpu.memory_space<vmem>> -> memref<128x64xf32, #tpu.memory_space<vmem>>
      %dma_wait3A_1264 = arith.constant 0 : i32
      %dma_wait3A_1265 = tpu.memref_slice %arg9[%dma_wait3A_1258, %dma_wait3A_1264] : memref<16x128xi32, #tpu.memory_space<vmem>> -> memref<1x128xi32, #tpu.memory_space<vmem>>
      %dma_wait3A_1266 = tpu.memref_squeeze %dma_wait3A_1265 : memref<1x128xi32, #tpu.memory_space<vmem>> -> memref<128xi32, #tpu.memory_space<vmem>>
      %dma_wait3A_1267 = arith.constant 0 : i32
      %dma_wait3A_1268 = arith.constant 0 : i32
      %dma_wait3A_1269 = tpu.memref_slice %arg13[%dma_wait3A_1267, %dma_wait3A_1268] : memref<10240x64xf32, #tpu.memory_space<vmem_shared>> -> memref<10240x64xf32, #tpu.memory_space<vmem_shared>>
      %dma_wait3A_1270 = tpu.memref_slice %arg15[%dma_wait3A_1259] : memref<3x!tpu.dma_semaphore, #tpu.memory_space<semaphore_mem>> -> memref<1x!tpu.dma_semaphore, #tpu.memory_space<semaphore_mem>>
      %dma_wait3A_1271 = tpu.memref_squeeze %dma_wait3A_1270 : memref<1x!tpu.dma_semaphore, #tpu.memory_space<semaphore_mem>> -> memref<!tpu.dma_semaphore, #tpu.memory_space<semaphore_mem>>
      tpu.wait_indirect_dma semaphore(%dma_wait3A_1271 : memref<!tpu.dma_semaphore, #tpu.memory_space<semaphore_mem>>) src(%dma_wait3A_1263 : memref<128x64xf32, #tpu.memory_space<vmem>>) dst(%dma_wait3A_1269 : memref<10240x64xf32, #tpu.memory_space<vmem_shared>>)
      %dma_start3A_1272 = arith.constant 15 : i32
      %dma_start3A_1273 = arith.constant 0 : i32
      %dma_start3A_1274 = arith.constant 0 : i32
      %dma_start3A_1275 = arith.constant 0 : i32
      %dma_start3A_1276 = arith.constant 0 : i32
      %dma_start3A_1277 = tpu.memref_slice %arg10[%dma_start3A_1273, %dma_start3A_1275, %dma_start3A_1276] : memref<3x128x64xf32, #tpu.memory_space<vmem>> -> memref<1x128x64xf32, #tpu.memory_space<vmem>>
      %dma_start3A_1278 = tpu.memref_squeeze %dma_start3A_1277 : memref<1x128x64xf32, #tpu.memory_space<vmem>> -> memref<128x64xf32, #tpu.memory_space<vmem>>
      %dma_start3A_1279 = arith.constant 0 : i32
      %dma_start3A_1280 = tpu.memref_slice %arg8[%dma_start3A_1272, %dma_start3A_1279] : memref<16x128xi32, #tpu.memory_space<vmem>> -> memref<1x128xi32, #tpu.memory_space<vmem>>
      %dma_start3A_1281 = tpu.memref_squeeze %dma_start3A_1280 : memref<1x128xi32, #tpu.memory_space<vmem>> -> memref<128xi32, #tpu.memory_space<vmem>>
      %dma_start3A_1282 = arith.constant 0 : i32
      %dma_start3A_1283 = arith.constant 0 : i32
      %dma_start3A_1284 = tpu.memref_slice %arg12[%dma_start3A_1282, %dma_start3A_1283] : memref<10240x64xf32, #tpu.memory_space<vmem_shared>> -> memref<10240x64xf32, #tpu.memory_space<vmem_shared>>
      %dma_start3A_1285 = tpu.memref_slice %arg14[%dma_start3A_1274] : memref<3x!tpu.dma_semaphore, #tpu.memory_space<semaphore_mem>> -> memref<1x!tpu.dma_semaphore, #tpu.memory_space<semaphore_mem>>
      %dma_start3A_1286 = tpu.memref_squeeze %dma_start3A_1285 : memref<1x!tpu.dma_semaphore, #tpu.memory_space<semaphore_mem>> -> memref<!tpu.dma_semaphore, #tpu.memory_space<semaphore_mem>>
      tpu.enqueue_indirect_dma source(%dma_start3A_1284 : memref<10240x64xf32, #tpu.memory_space<vmem_shared>>) target(%dma_start3A_1278 : memref<128x64xf32, #tpu.memory_space<vmem>>) offsets(%dma_start3A_1281 : memref<128xi32, #tpu.memory_space<vmem>>) semaphore(%dma_start3A_1286 : memref<!tpu.dma_semaphore, #tpu.memory_space<semaphore_mem>>)
      %get3A_1287 = arith.constant 13 : i32
      %get3A_1288 = arith.index_cast %get3A_1287 : i32 to index
      %get3A_1289 = arith.constant 0 : index
      %get3A_1290 = tpu.vector_load %arg9[%get3A_1288, %get3A_1289] {strides = array<i32>} : memref<16x128xi32, #tpu.memory_space<vmem>>, vector<16xi32>,
      tpu.vector_store_idx %arg11[%get3A_1290], %broadcast_in_dim3A_8 {add = true} : memref<10240xf32, #tpu.memory_space<vmem>>[vector<16xi32>], vector<16xf32>,
      %get3A_1291 = arith.constant 13 : i32
      %get3A_1292 = arith.index_cast %get3A_1291 : i32 to index
      %get3A_1293 = arith.constant 16 : index
      %get3A_1294 = tpu.vector_load %arg9[%get3A_1292, %get3A_1293] {strides = array<i32>} : memref<16x128xi32, #tpu.memory_space<vmem>>, vector<16xi32>,
      tpu.vector_store_idx %arg11[%get3A_1294], %broadcast_in_dim3A_8 {add = true} : memref<10240xf32, #tpu.memory_space<vmem>>[vector<16xi32>], vector<16xf32>,
      %get3A_1295 = arith.constant 13 : i32
      %get3A_1296 = arith.index_cast %get3A_1295 : i32 to index
      %get3A_1297 = arith.constant 32 : index
      %get3A_1298 = tpu.vector_load %arg9[%get3A_1296, %get3A_1297] {strides = array<i32>} : memref<16x128xi32, #tpu.memory_space<vmem>>, vector<16xi32>,
      tpu.vector_store_idx %arg11[%get3A_1298], %broadcast_in_dim3A_8 {add = true} : memref<10240xf32, #tpu.memory_space<vmem>>[vector<16xi32>], vector<16xf32>,
      %get3A_1299 = arith.constant 13 : i32
      %get3A_1300 = arith.index_cast %get3A_1299 : i32 to index
      %get3A_1301 = arith.constant 48 : index
      %get3A_1302 = tpu.vector_load %arg9[%get3A_1300, %get3A_1301] {strides = array<i32>} : memref<16x128xi32, #tpu.memory_space<vmem>>, vector<16xi32>,
      tpu.vector_store_idx %arg11[%get3A_1302], %broadcast_in_dim3A_8 {add = true} : memref<10240xf32, #tpu.memory_space<vmem>>[vector<16xi32>], vector<16xf32>,
      %get3A_1303 = arith.constant 13 : i32
      %get3A_1304 = arith.index_cast %get3A_1303 : i32 to index
      %get3A_1305 = arith.constant 64 : index
      %get3A_1306 = tpu.vector_load %arg9[%get3A_1304, %get3A_1305] {strides = array<i32>} : memref<16x128xi32, #tpu.memory_space<vmem>>, vector<16xi32>,
      tpu.vector_store_idx %arg11[%get3A_1306], %broadcast_in_dim3A_8 {add = true} : memref<10240xf32, #tpu.memory_space<vmem>>[vector<16xi32>], vector<16xf32>,
      %get3A_1307 = arith.constant 13 : i32
      %get3A_1308 = arith.index_cast %get3A_1307 : i32 to index
      %get3A_1309 = arith.constant 80 : index
      %get3A_1310 = tpu.vector_load %arg9[%get3A_1308, %get3A_1309] {strides = array<i32>} : memref<16x128xi32, #tpu.memory_space<vmem>>, vector<16xi32>,
      tpu.vector_store_idx %arg11[%get3A_1310], %broadcast_in_dim3A_8 {add = true} : memref<10240xf32, #tpu.memory_space<vmem>>[vector<16xi32>], vector<16xf32>,
      %get3A_1311 = arith.constant 13 : i32
      %get3A_1312 = arith.index_cast %get3A_1311 : i32 to index
      %get3A_1313 = arith.constant 96 : index
      %get3A_1314 = tpu.vector_load %arg9[%get3A_1312, %get3A_1313] {strides = array<i32>} : memref<16x128xi32, #tpu.memory_space<vmem>>, vector<16xi32>,
      tpu.vector_store_idx %arg11[%get3A_1314], %broadcast_in_dim3A_8 {add = true} : memref<10240xf32, #tpu.memory_space<vmem>>[vector<16xi32>], vector<16xf32>,
      %get3A_1315 = arith.constant 13 : i32
      %get3A_1316 = arith.index_cast %get3A_1315 : i32 to index
      %get3A_1317 = arith.constant 112 : index
      %get3A_1318 = tpu.vector_load %arg9[%get3A_1316, %get3A_1317] {strides = array<i32>} : memref<16x128xi32, #tpu.memory_space<vmem>>, vector<16xi32>,
      tpu.vector_store_idx %arg11[%get3A_1318], %broadcast_in_dim3A_8 {add = true} : memref<10240xf32, #tpu.memory_space<vmem>>[vector<16xi32>], vector<16xf32>,
      %dma_wait3A_1319 = arith.constant 14 : i32
      %dma_wait3A_1320 = arith.constant 2 : i32
      %dma_wait3A_1321 = arith.constant 2 : i32
      %dma_wait3A_1322 = arith.constant 0 : i32
      %dma_wait3A_1323 = arith.constant 0 : i32
      %dma_wait3A_1324 = tpu.memref_slice %arg10[%dma_wait3A_1320, %dma_wait3A_1322, %dma_wait3A_1323] : memref<3x128x64xf32, #tpu.memory_space<vmem>> -> memref<1x128x64xf32, #tpu.memory_space<vmem>>
      %dma_wait3A_1325 = tpu.memref_squeeze %dma_wait3A_1324 : memref<1x128x64xf32, #tpu.memory_space<vmem>> -> memref<128x64xf32, #tpu.memory_space<vmem>>
      %dma_wait3A_1326 = arith.constant 0 : i32
      %dma_wait3A_1327 = tpu.memref_slice %arg8[%dma_wait3A_1319, %dma_wait3A_1326] : memref<16x128xi32, #tpu.memory_space<vmem>> -> memref<1x128xi32, #tpu.memory_space<vmem>>
      %dma_wait3A_1328 = tpu.memref_squeeze %dma_wait3A_1327 : memref<1x128xi32, #tpu.memory_space<vmem>> -> memref<128xi32, #tpu.memory_space<vmem>>
      %dma_wait3A_1329 = arith.constant 0 : i32
      %dma_wait3A_1330 = arith.constant 0 : i32
      %dma_wait3A_1331 = tpu.memref_slice %arg12[%dma_wait3A_1329, %dma_wait3A_1330] : memref<10240x64xf32, #tpu.memory_space<vmem_shared>> -> memref<10240x64xf32, #tpu.memory_space<vmem_shared>>
      %dma_wait3A_1332 = tpu.memref_slice %arg14[%dma_wait3A_1321] : memref<3x!tpu.dma_semaphore, #tpu.memory_space<semaphore_mem>> -> memref<1x!tpu.dma_semaphore, #tpu.memory_space<semaphore_mem>>
      %dma_wait3A_1333 = tpu.memref_squeeze %dma_wait3A_1332 : memref<1x!tpu.dma_semaphore, #tpu.memory_space<semaphore_mem>> -> memref<!tpu.dma_semaphore, #tpu.memory_space<semaphore_mem>>
      tpu.wait_indirect_dma semaphore(%dma_wait3A_1333 : memref<!tpu.dma_semaphore, #tpu.memory_space<semaphore_mem>>) src(%dma_wait3A_1331 : memref<10240x64xf32, #tpu.memory_space<vmem_shared>>) dst(%dma_wait3A_1325 : memref<128x64xf32, #tpu.memory_space<vmem>>)
      %dma_start3A_1334 = arith.constant 2 : i32
      %dma_start3A_1335 = arith.constant 14 : i32
      %dma_start3A_1336 = arith.constant 2 : i32
      %dma_start3A_1337 = arith.constant 0 : i32
      %dma_start3A_1338 = arith.constant 0 : i32
      %dma_start3A_1339 = tpu.memref_slice %arg10[%dma_start3A_1334, %dma_start3A_1337, %dma_start3A_1338] : memref<3x128x64xf32, #tpu.memory_space<vmem>> -> memref<1x128x64xf32, #tpu.memory_space<vmem>>
      %dma_start3A_1340 = tpu.memref_squeeze %dma_start3A_1339 : memref<1x128x64xf32, #tpu.memory_space<vmem>> -> memref<128x64xf32, #tpu.memory_space<vmem>>
      %dma_start3A_1341 = arith.constant 0 : i32
      %dma_start3A_1342 = tpu.memref_slice %arg9[%dma_start3A_1335, %dma_start3A_1341] : memref<16x128xi32, #tpu.memory_space<vmem>> -> memref<1x128xi32, #tpu.memory_space<vmem>>
      %dma_start3A_1343 = tpu.memref_squeeze %dma_start3A_1342 : memref<1x128xi32, #tpu.memory_space<vmem>> -> memref<128xi32, #tpu.memory_space<vmem>>
      %dma_start3A_1344 = arith.constant 0 : i32
      %dma_start3A_1345 = arith.constant 0 : i32
      %dma_start3A_1346 = tpu.memref_slice %arg13[%dma_start3A_1344, %dma_start3A_1345] : memref<10240x64xf32, #tpu.memory_space<vmem_shared>> -> memref<10240x64xf32, #tpu.memory_space<vmem_shared>>
      %dma_start3A_1347 = tpu.memref_slice %arg15[%dma_start3A_1336] : memref<3x!tpu.dma_semaphore, #tpu.memory_space<semaphore_mem>> -> memref<1x!tpu.dma_semaphore, #tpu.memory_space<semaphore_mem>>
      %dma_start3A_1348 = tpu.memref_squeeze %dma_start3A_1347 : memref<1x!tpu.dma_semaphore, #tpu.memory_space<semaphore_mem>> -> memref<!tpu.dma_semaphore, #tpu.memory_space<semaphore_mem>>
      tpu.enqueue_indirect_dma source(%dma_start3A_1340 : memref<128x64xf32, #tpu.memory_space<vmem>>) target(%dma_start3A_1346 : memref<10240x64xf32, #tpu.memory_space<vmem_shared>>) offsets(%dma_start3A_1343 : memref<128xi32, #tpu.memory_space<vmem>>) semaphore(%dma_start3A_1348 : memref<!tpu.dma_semaphore, #tpu.memory_space<semaphore_mem>>) {add = true}
      %get3A_1349 = arith.constant 14 : i32
      %get3A_1350 = arith.index_cast %get3A_1349 : i32 to index
      %get3A_1351 = arith.constant 0 : index
      %get3A_1352 = tpu.vector_load %arg9[%get3A_1350, %get3A_1351] {strides = array<i32>} : memref<16x128xi32, #tpu.memory_space<vmem>>, vector<16xi32>,
      tpu.vector_store_idx %arg11[%get3A_1352], %broadcast_in_dim3A_8 {add = true} : memref<10240xf32, #tpu.memory_space<vmem>>[vector<16xi32>], vector<16xf32>,
      %get3A_1353 = arith.constant 14 : i32
      %get3A_1354 = arith.index_cast %get3A_1353 : i32 to index
      %get3A_1355 = arith.constant 16 : index
      %get3A_1356 = tpu.vector_load %arg9[%get3A_1354, %get3A_1355] {strides = array<i32>} : memref<16x128xi32, #tpu.memory_space<vmem>>, vector<16xi32>,
      tpu.vector_store_idx %arg11[%get3A_1356], %broadcast_in_dim3A_8 {add = true} : memref<10240xf32, #tpu.memory_space<vmem>>[vector<16xi32>], vector<16xf32>,
      %get3A_1357 = arith.constant 14 : i32
      %get3A_1358 = arith.index_cast %get3A_1357 : i32 to index
      %get3A_1359 = arith.constant 32 : index
      %get3A_1360 = tpu.vector_load %arg9[%get3A_1358, %get3A_1359] {strides = array<i32>} : memref<16x128xi32, #tpu.memory_space<vmem>>, vector<16xi32>,
      tpu.vector_store_idx %arg11[%get3A_1360], %broadcast_in_dim3A_8 {add = true} : memref<10240xf32, #tpu.memory_space<vmem>>[vector<16xi32>], vector<16xf32>,
      %get3A_1361 = arith.constant 14 : i32
      %get3A_1362 = arith.index_cast %get3A_1361 : i32 to index
      %get3A_1363 = arith.constant 48 : index
      %get3A_1364 = tpu.vector_load %arg9[%get3A_1362, %get3A_1363] {strides = array<i32>} : memref<16x128xi32, #tpu.memory_space<vmem>>, vector<16xi32>,
      tpu.vector_store_idx %arg11[%get3A_1364], %broadcast_in_dim3A_8 {add = true} : memref<10240xf32, #tpu.memory_space<vmem>>[vector<16xi32>], vector<16xf32>,
      %get3A_1365 = arith.constant 14 : i32
      %get3A_1366 = arith.index_cast %get3A_1365 : i32 to index
      %get3A_1367 = arith.constant 64 : index
      %get3A_1368 = tpu.vector_load %arg9[%get3A_1366, %get3A_1367] {strides = array<i32>} : memref<16x128xi32, #tpu.memory_space<vmem>>, vector<16xi32>,
      tpu.vector_store_idx %arg11[%get3A_1368], %broadcast_in_dim3A_8 {add = true} : memref<10240xf32, #tpu.memory_space<vmem>>[vector<16xi32>], vector<16xf32>,
      %get3A_1369 = arith.constant 14 : i32
      %get3A_1370 = arith.index_cast %get3A_1369 : i32 to index
      %get3A_1371 = arith.constant 80 : index
      %get3A_1372 = tpu.vector_load %arg9[%get3A_1370, %get3A_1371] {strides = array<i32>} : memref<16x128xi32, #tpu.memory_space<vmem>>, vector<16xi32>,
      tpu.vector_store_idx %arg11[%get3A_1372], %broadcast_in_dim3A_8 {add = true} : memref<10240xf32, #tpu.memory_space<vmem>>[vector<16xi32>], vector<16xf32>,
      %get3A_1373 = arith.constant 14 : i32
      %get3A_1374 = arith.index_cast %get3A_1373 : i32 to index
      %get3A_1375 = arith.constant 96 : index
      %get3A_1376 = tpu.vector_load %arg9[%get3A_1374, %get3A_1375] {strides = array<i32>} : memref<16x128xi32, #tpu.memory_space<vmem>>, vector<16xi32>,
      tpu.vector_store_idx %arg11[%get3A_1376], %broadcast_in_dim3A_8 {add = true} : memref<10240xf32, #tpu.memory_space<vmem>>[vector<16xi32>], vector<16xf32>,
      %get3A_1377 = arith.constant 14 : i32
      %get3A_1378 = arith.index_cast %get3A_1377 : i32 to index
      %get3A_1379 = arith.constant 112 : index
      %get3A_1380 = tpu.vector_load %arg9[%get3A_1378, %get3A_1379] {strides = array<i32>} : memref<16x128xi32, #tpu.memory_space<vmem>>, vector<16xi32>,
      tpu.vector_store_idx %arg11[%get3A_1380], %broadcast_in_dim3A_8 {add = true} : memref<10240xf32, #tpu.memory_space<vmem>>[vector<16xi32>], vector<16xf32>,
      %dma_wait3A_1381 = arith.constant 15 : i32
      %dma_wait3A_1382 = arith.constant 0 : i32
      %dma_wait3A_1383 = arith.constant 0 : i32
      %dma_wait3A_1384 = arith.constant 0 : i32
      %dma_wait3A_1385 = arith.constant 0 : i32
      %dma_wait3A_1386 = tpu.memref_slice %arg10[%dma_wait3A_1382, %dma_wait3A_1384, %dma_wait3A_1385] : memref<3x128x64xf32, #tpu.memory_space<vmem>> -> memref<1x128x64xf32, #tpu.memory_space<vmem>>
      %dma_wait3A_1387 = tpu.memref_squeeze %dma_wait3A_1386 : memref<1x128x64xf32, #tpu.memory_space<vmem>> -> memref<128x64xf32, #tpu.memory_space<vmem>>
      %dma_wait3A_1388 = arith.constant 0 : i32
      %dma_wait3A_1389 = tpu.memref_slice %arg8[%dma_wait3A_1381, %dma_wait3A_1388] : memref<16x128xi32, #tpu.memory_space<vmem>> -> memref<1x128xi32, #tpu.memory_space<vmem>>
      %dma_wait3A_1390 = tpu.memref_squeeze %dma_wait3A_1389 : memref<1x128xi32, #tpu.memory_space<vmem>> -> memref<128xi32, #tpu.memory_space<vmem>>
      %dma_wait3A_1391 = arith.constant 0 : i32
      %dma_wait3A_1392 = arith.constant 0 : i32
      %dma_wait3A_1393 = tpu.memref_slice %arg12[%dma_wait3A_1391, %dma_wait3A_1392] : memref<10240x64xf32, #tpu.memory_space<vmem_shared>> -> memref<10240x64xf32, #tpu.memory_space<vmem_shared>>
      %dma_wait3A_1394 = tpu.memref_slice %arg14[%dma_wait3A_1383] : memref<3x!tpu.dma_semaphore, #tpu.memory_space<semaphore_mem>> -> memref<1x!tpu.dma_semaphore, #tpu.memory_space<semaphore_mem>>
      %dma_wait3A_1395 = tpu.memref_squeeze %dma_wait3A_1394 : memref<1x!tpu.dma_semaphore, #tpu.memory_space<semaphore_mem>> -> memref<!tpu.dma_semaphore, #tpu.memory_space<semaphore_mem>>
      tpu.wait_indirect_dma semaphore(%dma_wait3A_1395 : memref<!tpu.dma_semaphore, #tpu.memory_space<semaphore_mem>>) src(%dma_wait3A_1393 : memref<10240x64xf32, #tpu.memory_space<vmem_shared>>) dst(%dma_wait3A_1387 : memref<128x64xf32, #tpu.memory_space<vmem>>)
      %dma_start3A_1396 = arith.constant 0 : i32
      %dma_start3A_1397 = arith.constant 15 : i32
      %dma_start3A_1398 = arith.constant 0 : i32
      %dma_start3A_1399 = arith.constant 0 : i32
      %dma_start3A_1400 = arith.constant 0 : i32
      %dma_start3A_1401 = tpu.memref_slice %arg10[%dma_start3A_1396, %dma_start3A_1399, %dma_start3A_1400] : memref<3x128x64xf32, #tpu.memory_space<vmem>> -> memref<1x128x64xf32, #tpu.memory_space<vmem>>
      %dma_start3A_1402 = tpu.memref_squeeze %dma_start3A_1401 : memref<1x128x64xf32, #tpu.memory_space<vmem>> -> memref<128x64xf32, #tpu.memory_space<vmem>>
      %dma_start3A_1403 = arith.constant 0 : i32
      %dma_start3A_1404 = tpu.memref_slice %arg9[%dma_start3A_1397, %dma_start3A_1403] : memref<16x128xi32, #tpu.memory_space<vmem>> -> memref<1x128xi32, #tpu.memory_space<vmem>>
      %dma_start3A_1405 = tpu.memref_squeeze %dma_start3A_1404 : memref<1x128xi32, #tpu.memory_space<vmem>> -> memref<128xi32, #tpu.memory_space<vmem>>
      %dma_start3A_1406 = arith.constant 0 : i32
      %dma_start3A_1407 = arith.constant 0 : i32
      %dma_start3A_1408 = tpu.memref_slice %arg13[%dma_start3A_1406, %dma_start3A_1407] : memref<10240x64xf32, #tpu.memory_space<vmem_shared>> -> memref<10240x64xf32, #tpu.memory_space<vmem_shared>>
      %dma_start3A_1409 = tpu.memref_slice %arg15[%dma_start3A_1398] : memref<3x!tpu.dma_semaphore, #tpu.memory_space<semaphore_mem>> -> memref<1x!tpu.dma_semaphore, #tpu.memory_space<semaphore_mem>>
      %dma_start3A_1410 = tpu.memref_squeeze %dma_start3A_1409 : memref<1x!tpu.dma_semaphore, #tpu.memory_space<semaphore_mem>> -> memref<!tpu.dma_semaphore, #tpu.memory_space<semaphore_mem>>
      tpu.enqueue_indirect_dma source(%dma_start3A_1402 : memref<128x64xf32, #tpu.memory_space<vmem>>) target(%dma_start3A_1408 : memref<10240x64xf32, #tpu.memory_space<vmem_shared>>) offsets(%dma_start3A_1405 : memref<128xi32, #tpu.memory_space<vmem>>) semaphore(%dma_start3A_1410 : memref<!tpu.dma_semaphore, #tpu.memory_space<semaphore_mem>>) {add = true}
      %get3A_1411 = arith.constant 15 : i32
      %get3A_1412 = arith.index_cast %get3A_1411 : i32 to index
      %get3A_1413 = arith.constant 0 : index
      %get3A_1414 = tpu.vector_load %arg9[%get3A_1412, %get3A_1413] {strides = array<i32>} : memref<16x128xi32, #tpu.memory_space<vmem>>, vector<16xi32>,
      tpu.vector_store_idx %arg11[%get3A_1414], %broadcast_in_dim3A_8 {add = true} : memref<10240xf32, #tpu.memory_space<vmem>>[vector<16xi32>], vector<16xf32>,
      %get3A_1415 = arith.constant 15 : i32
      %get3A_1416 = arith.index_cast %get3A_1415 : i32 to index
      %get3A_1417 = arith.constant 16 : index
      %get3A_1418 = tpu.vector_load %arg9[%get3A_1416, %get3A_1417] {strides = array<i32>} : memref<16x128xi32, #tpu.memory_space<vmem>>, vector<16xi32>,
      tpu.vector_store_idx %arg11[%get3A_1418], %broadcast_in_dim3A_8 {add = true} : memref<10240xf32, #tpu.memory_space<vmem>>[vector<16xi32>], vector<16xf32>,
      %get3A_1419 = arith.constant 15 : i32
      %get3A_1420 = arith.index_cast %get3A_1419 : i32 to index
      %get3A_1421 = arith.constant 32 : index
      %get3A_1422 = tpu.vector_load %arg9[%get3A_1420, %get3A_1421] {strides = array<i32>} : memref<16x128xi32, #tpu.memory_space<vmem>>, vector<16xi32>,
      tpu.vector_store_idx %arg11[%get3A_1422], %broadcast_in_dim3A_8 {add = true} : memref<10240xf32, #tpu.memory_space<vmem>>[vector<16xi32>], vector<16xf32>,
      %get3A_1423 = arith.constant 15 : i32
      %get3A_1424 = arith.index_cast %get3A_1423 : i32 to index
      %get3A_1425 = arith.constant 48 : index
      %get3A_1426 = tpu.vector_load %arg9[%get3A_1424, %get3A_1425] {strides = array<i32>} : memref<16x128xi32, #tpu.memory_space<vmem>>, vector<16xi32>,
      tpu.vector_store_idx %arg11[%get3A_1426], %broadcast_in_dim3A_8 {add = true} : memref<10240xf32, #tpu.memory_space<vmem>>[vector<16xi32>], vector<16xf32>,
      %get3A_1427 = arith.constant 15 : i32
      %get3A_1428 = arith.index_cast %get3A_1427 : i32 to index
      %get3A_1429 = arith.constant 64 : index
      %get3A_1430 = tpu.vector_load %arg9[%get3A_1428, %get3A_1429] {strides = array<i32>} : memref<16x128xi32, #tpu.memory_space<vmem>>, vector<16xi32>,
      tpu.vector_store_idx %arg11[%get3A_1430], %broadcast_in_dim3A_8 {add = true} : memref<10240xf32, #tpu.memory_space<vmem>>[vector<16xi32>], vector<16xf32>,
      %get3A_1431 = arith.constant 15 : i32
      %get3A_1432 = arith.index_cast %get3A_1431 : i32 to index
      %get3A_1433 = arith.constant 80 : index
      %get3A_1434 = tpu.vector_load %arg9[%get3A_1432, %get3A_1433] {strides = array<i32>} : memref<16x128xi32, #tpu.memory_space<vmem>>, vector<16xi32>,
      tpu.vector_store_idx %arg11[%get3A_1434], %broadcast_in_dim3A_8 {add = true} : memref<10240xf32, #tpu.memory_space<vmem>>[vector<16xi32>], vector<16xf32>,
      %get3A_1435 = arith.constant 15 : i32
      %get3A_1436 = arith.index_cast %get3A_1435 : i32 to index
      %get3A_1437 = arith.constant 96 : index
      %get3A_1438 = tpu.vector_load %arg9[%get3A_1436, %get3A_1437] {strides = array<i32>} : memref<16x128xi32, #tpu.memory_space<vmem>>, vector<16xi32>,
      tpu.vector_store_idx %arg11[%get3A_1438], %broadcast_in_dim3A_8 {add = true} : memref<10240xf32, #tpu.memory_space<vmem>>[vector<16xi32>], vector<16xf32>,
      %get3A_1439 = arith.constant 15 : i32
      %get3A_1440 = arith.index_cast %get3A_1439 : i32 to index
      %get3A_1441 = arith.constant 112 : index
      %get3A_1442 = tpu.vector_load %arg9[%get3A_1440, %get3A_1441] {strides = array<i32>} : memref<16x128xi32, #tpu.memory_space<vmem>>, vector<16xi32>,
      tpu.vector_store_idx %arg11[%get3A_1442], %broadcast_in_dim3A_8 {add = true} : memref<10240xf32, #tpu.memory_space<vmem>>[vector<16xi32>], vector<16xf32>,
      %dma_wait3A_1443 = arith.constant 1 : i32
      %dma_wait3A_1444 = arith.constant 13 : i32
      %dma_wait3A_1445 = arith.constant 1 : i32
      %dma_wait3A_1446 = arith.constant 0 : i32
      %dma_wait3A_1447 = arith.constant 0 : i32
      %dma_wait3A_1448 = tpu.memref_slice %arg10[%dma_wait3A_1443, %dma_wait3A_1446, %dma_wait3A_1447] : memref<3x128x64xf32, #tpu.memory_space<vmem>> -> memref<1x128x64xf32, #tpu.memory_space<vmem>>
      %dma_wait3A_1449 = tpu.memref_squeeze %dma_wait3A_1448 : memref<1x128x64xf32, #tpu.memory_space<vmem>> -> memref<128x64xf32, #tpu.memory_space<vmem>>
      %dma_wait3A_1450 = arith.constant 0 : i32
      %dma_wait3A_1451 = tpu.memref_slice %arg9[%dma_wait3A_1444, %dma_wait3A_1450] : memref<16x128xi32, #tpu.memory_space<vmem>> -> memref<1x128xi32, #tpu.memory_space<vmem>>
      %dma_wait3A_1452 = tpu.memref_squeeze %dma_wait3A_1451 : memref<1x128xi32, #tpu.memory_space<vmem>> -> memref<128xi32, #tpu.memory_space<vmem>>
      %dma_wait3A_1453 = arith.constant 0 : i32
      %dma_wait3A_1454 = arith.constant 0 : i32
      %dma_wait3A_1455 = tpu.memref_slice %arg13[%dma_wait3A_1453, %dma_wait3A_1454] : memref<10240x64xf32, #tpu.memory_space<vmem_shared>> -> memref<10240x64xf32, #tpu.memory_space<vmem_shared>>
      %dma_wait3A_1456 = tpu.memref_slice %arg15[%dma_wait3A_1445] : memref<3x!tpu.dma_semaphore, #tpu.memory_space<semaphore_mem>> -> memref<1x!tpu.dma_semaphore, #tpu.memory_space<semaphore_mem>>
      %dma_wait3A_1457 = tpu.memref_squeeze %dma_wait3A_1456 : memref<1x!tpu.dma_semaphore, #tpu.memory_space<semaphore_mem>> -> memref<!tpu.dma_semaphore, #tpu.memory_space<semaphore_mem>>
      tpu.wait_indirect_dma semaphore(%dma_wait3A_1457 : memref<!tpu.dma_semaphore, #tpu.memory_space<semaphore_mem>>) src(%dma_wait3A_1449 : memref<128x64xf32, #tpu.memory_space<vmem>>) dst(%dma_wait3A_1455 : memref<10240x64xf32, #tpu.memory_space<vmem_shared>>)
      %dma_wait3A_1458 = arith.constant 2 : i32
      %dma_wait3A_1459 = arith.constant 14 : i32
      %dma_wait3A_1460 = arith.constant 2 : i32
      %dma_wait3A_1461 = arith.constant 0 : i32
      %dma_wait3A_1462 = arith.constant 0 : i32
      %dma_wait3A_1463 = tpu.memref_slice %arg10[%dma_wait3A_1458, %dma_wait3A_1461, %dma_wait3A_1462] : memref<3x128x64xf32, #tpu.memory_space<vmem>> -> memref<1x128x64xf32, #tpu.memory_space<vmem>>
      %dma_wait3A_1464 = tpu.memref_squeeze %dma_wait3A_1463 : memref<1x128x64xf32, #tpu.memory_space<vmem>> -> memref<128x64xf32, #tpu.memory_space<vmem>>
      %dma_wait3A_1465 = arith.constant 0 : i32
      %dma_wait3A_1466 = tpu.memref_slice %arg9[%dma_wait3A_1459, %dma_wait3A_1465] : memref<16x128xi32, #tpu.memory_space<vmem>> -> memref<1x128xi32, #tpu.memory_space<vmem>>
      %dma_wait3A_1467 = tpu.memref_squeeze %dma_wait3A_1466 : memref<1x128xi32, #tpu.memory_space<vmem>> -> memref<128xi32, #tpu.memory_space<vmem>>
      %dma_wait3A_1468 = arith.constant 0 : i32
      %dma_wait3A_1469 = arith.constant 0 : i32
      %dma_wait3A_1470 = tpu.memref_slice %arg13[%dma_wait3A_1468, %dma_wait3A_1469] : memref<10240x64xf32, #tpu.memory_space<vmem_shared>> -> memref<10240x64xf32, #tpu.memory_space<vmem_shared>>
      %dma_wait3A_1471 = tpu.memref_slice %arg15[%dma_wait3A_1460] : memref<3x!tpu.dma_semaphore, #tpu.memory_space<semaphore_mem>> -> memref<1x!tpu.dma_semaphore, #tpu.memory_space<semaphore_mem>>
      %dma_wait3A_1472 = tpu.memref_squeeze %dma_wait3A_1471 : memref<1x!tpu.dma_semaphore, #tpu.memory_space<semaphore_mem>> -> memref<!tpu.dma_semaphore, #tpu.memory_space<semaphore_mem>>
      tpu.wait_indirect_dma semaphore(%dma_wait3A_1472 : memref<!tpu.dma_semaphore, #tpu.memory_space<semaphore_mem>>) src(%dma_wait3A_1464 : memref<128x64xf32, #tpu.memory_space<vmem>>) dst(%dma_wait3A_1470 : memref<10240x64xf32, #tpu.memory_space<vmem_shared>>)
      %dma_wait3A_1473 = arith.constant 0 : i32
      %dma_wait3A_1474 = arith.constant 15 : i32
      %dma_wait3A_1475 = arith.constant 0 : i32
      %dma_wait3A_1476 = arith.constant 0 : i32
      %dma_wait3A_1477 = arith.constant 0 : i32
      %dma_wait3A_1478 = tpu.memref_slice %arg10[%dma_wait3A_1473, %dma_wait3A_1476, %dma_wait3A_1477] : memref<3x128x64xf32, #tpu.memory_space<vmem>> -> memref<1x128x64xf32, #tpu.memory_space<vmem>>
      %dma_wait3A_1479 = tpu.memref_squeeze %dma_wait3A_1478 : memref<1x128x64xf32, #tpu.memory_space<vmem>> -> memref<128x64xf32, #tpu.memory_space<vmem>>
      %dma_wait3A_1480 = arith.constant 0 : i32
      %dma_wait3A_1481 = tpu.memref_slice %arg9[%dma_wait3A_1474, %dma_wait3A_1480] : memref<16x128xi32, #tpu.memory_space<vmem>> -> memref<1x128xi32, #tpu.memory_space<vmem>>
      %dma_wait3A_1482 = tpu.memref_squeeze %dma_wait3A_1481 : memref<1x128xi32, #tpu.memory_space<vmem>> -> memref<128xi32, #tpu.memory_space<vmem>>
      %dma_wait3A_1483 = arith.constant 0 : i32
      %dma_wait3A_1484 = arith.constant 0 : i32
      %dma_wait3A_1485 = tpu.memref_slice %arg13[%dma_wait3A_1483, %dma_wait3A_1484] : memref<10240x64xf32, #tpu.memory_space<vmem_shared>> -> memref<10240x64xf32, #tpu.memory_space<vmem_shared>>
      %dma_wait3A_1486 = tpu.memref_slice %arg15[%dma_wait3A_1475] : memref<3x!tpu.dma_semaphore, #tpu.memory_space<semaphore_mem>> -> memref<1x!tpu.dma_semaphore, #tpu.memory_space<semaphore_mem>>
      %dma_wait3A_1487 = tpu.memref_squeeze %dma_wait3A_1486 : memref<1x!tpu.dma_semaphore, #tpu.memory_space<semaphore_mem>> -> memref<!tpu.dma_semaphore, #tpu.memory_space<semaphore_mem>>
      tpu.wait_indirect_dma semaphore(%dma_wait3A_1487 : memref<!tpu.dma_semaphore, #tpu.memory_space<semaphore_mem>>) src(%dma_wait3A_1479 : memref<128x64xf32, #tpu.memory_space<vmem>>) dst(%dma_wait3A_1485 : memref<10240x64xf32, #tpu.memory_space<vmem_shared>>)
    }
    %scan3A_14 = arith.constant 10 : i32
    "tpu.region"() ({
      %run_scoped3A = tpu.sem_alloc : memref<!tpu.dma_semaphore, #tpu.memory_space<semaphore_mem>>
      %dma_start3A = arith.constant 0 : i32
      %dma_start3A_16 = tpu.memref_slice %arg7[%arg0, %arg1, %dma_start3A] : memref<2x16x10240xf32, #tpu.memory_space<hbm>> -> memref<1x1x10240xf32, #tpu.memory_space<hbm>>
      %dma_start3A_17 = tpu.memref_squeeze %dma_start3A_16 : memref<1x1x10240xf32, #tpu.memory_space<hbm>> -> memref<10240xf32, #tpu.memory_space<hbm>>
      %dma_start3A_18 = arith.constant 0 : i32
      %dma_start3A_19 = tpu.memref_slice %arg7[%arg0, %arg1, %dma_start3A_18] : memref<2x16x10240xf32, #tpu.memory_space<hbm>> -> memref<1x1x10240xf32, #tpu.memory_space<hbm>>
      %dma_start3A_20 = tpu.memref_squeeze %dma_start3A_19 : memref<1x1x10240xf32, #tpu.memory_space<hbm>> -> memref<10240xf32, #tpu.memory_space<hbm>>
      tpu.enqueue_dma source(%arg11 : memref<10240xf32, #tpu.memory_space<vmem>>) target(%dma_start3A_20 : memref<10240xf32, #tpu.memory_space<hbm>>) target_semaphore(%run_scoped3A : memref<!tpu.dma_semaphore, #tpu.memory_space<semaphore_mem>>)
      %dma_wait3A = arith.constant 0 : i32
      %dma_wait3A_21 = tpu.memref_slice %arg7[%arg0, %arg1, %dma_wait3A] : memref<2x16x10240xf32, #tpu.memory_space<hbm>> -> memref<1x1x10240xf32, #tpu.memory_space<hbm>>
      %dma_wait3A_22 = tpu.memref_squeeze %dma_wait3A_21 : memref<1x1x10240xf32, #tpu.memory_space<hbm>> -> memref<10240xf32, #tpu.memory_space<hbm>>
      %dma_wait3A_23 = arith.constant 0 : i32
      %dma_wait3A_24 = tpu.memref_slice %arg7[%arg0, %arg1, %dma_wait3A_23] : memref<2x16x10240xf32, #tpu.memory_space<hbm>> -> memref<1x1x10240xf32, #tpu.memory_space<hbm>>
      %dma_wait3A_25 = tpu.memref_squeeze %dma_wait3A_24 : memref<1x1x10240xf32, #tpu.memory_space<hbm>> -> memref<10240xf32, #tpu.memory_space<hbm>>
      tpu.wait_dma2 semaphore(%run_scoped3A : memref<!tpu.dma_semaphore, #tpu.memory_space<semaphore_mem>>) src(%arg11 : memref<10240xf32, #tpu.memory_space<vmem>>) dst(%dma_wait3A_25 : memref<10240xf32, #tpu.memory_space<hbm>>)
      tpu.yield
    }) : () -> ()
    %barrier3A_15 = arith.constant 0 : index
    tpu.barrier barrier_id(%barrier3A_15)
    "tpu.region"() ({
      %run_scoped3A = tpu.sem_alloc : memref<!tpu.dma_semaphore, #tpu.memory_space<semaphore_mem>>
      %dma_start3A = arith.constant 0 : i32
      %dma_start3A_16 = tpu.memref_slice %arg6[%arg0, %mul3A_0, %dma_start3A] : memref<2x10240x64xf32, #tpu.memory_space<hbm>> -> memref<1x640x64xf32, #tpu.memory_space<hbm>>
      %dma_start3A_17 = tpu.memref_squeeze %dma_start3A_16 : memref<1x640x64xf32, #tpu.memory_space<hbm>> -> memref<640x64xf32, #tpu.memory_space<hbm>>
      %dma_start3A_18 = arith.constant 0 : i32
      %dma_start3A_19 = tpu.memref_slice %arg13[%mul3A_0, %dma_start3A_18] : memref<10240x64xf32, #tpu.memory_space<vmem_shared>> -> memref<640x64xf32, #tpu.memory_space<vmem_shared>>
      tpu.enqueue_dma source(%dma_start3A_19 : memref<640x64xf32, #tpu.memory_space<vmem_shared>>) target(%dma_start3A_17 : memref<640x64xf32, #tpu.memory_space<hbm>>) target_semaphore(%run_scoped3A : memref<!tpu.dma_semaphore, #tpu.memory_space<semaphore_mem>>)
      %dma_wait3A = arith.constant 0 : i32
      %dma_wait3A_20 = tpu.memref_slice %arg6[%arg0, %mul3A_0, %dma_wait3A] : memref<2x10240x64xf32, #tpu.memory_space<hbm>> -> memref<1x640x64xf32, #tpu.memory_space<hbm>>
      %dma_wait3A_21 = tpu.memref_squeeze %dma_wait3A_20 : memref<1x640x64xf32, #tpu.memory_space<hbm>> -> memref<640x64xf32, #tpu.memory_space<hbm>>
      %dma_wait3A_22 = arith.constant 0 : i32
      %dma_wait3A_23 = tpu.memref_slice %arg13[%mul3A_0, %dma_wait3A_22] : memref<10240x64xf32, #tpu.memory_space<vmem_shared>> -> memref<640x64xf32, #tpu.memory_space<vmem_shared>>
      tpu.wait_dma2 semaphore(%run_scoped3A : memref<!tpu.dma_semaphore, #tpu.memory_space<semaphore_mem>>) src(%dma_wait3A_23 : memref<640x64xf32, #tpu.memory_space<vmem_shared>>) dst(%dma_wait3A_21 : memref<640x64xf32, #tpu.memory_space<hbm>>)
      tpu.yield
    }) : () -> ()
    return
  }
}

module attributes {stable_mosaic.version = 14 : i64} {
  func.func @body(%arg0: i32, %arg1: memref<2x512x64xf32, #tpu.memory_space<vmem>>, %arg2: memref<2x16x512xf32, #tpu.memory_space<vmem>>, %arg3: memref<512x128xf32, #tpu.memory_space<vmem>>, %arg4: memref<128x128xf32, #tpu.memory_space<vmem>>, %arg5: memref<128x128xf32, #tpu.memory_space<vmem>>, %arg6: memref<512x128xf32, #tpu.memory_space<vmem>>) attributes {dimension_semantics = [#tpu.dimension_semantics<arbitrary>], iteration_bounds = array<i64: 20>, scalar_prefetch = 0 : i64, scratch_operands = 0 : i64, tpu.core_type = #tpu.core_type<tc>, window_params = [{transform_indices = @transform_0, window_bounds = array<i64: 2, 512, 64>}, {transform_indices = @transform_1, window_bounds = array<i64: 2, 16, 512>}, {transform_indices = @transform_2, window_bounds = array<i64: 512, 128>}, {pipeline_mode = #tpu.pipeline_mode<synchronous>, transform_indices = @transform_3, window_bounds = array<i64: 128, 128>}, {pipeline_mode = #tpu.pipeline_mode<synchronous>, transform_indices = @transform_4, window_bounds = array<i64: 128, 128>}, {transform_indices = @transform_5, window_bounds = array<i64: 512, 128>}]} {
    %get3A = arith.constant 0 : index
    %get3A_0 = arith.constant 0 : index
    %get3A_1 = arith.constant 0 : index
    %get3A_2 = vector.load %arg1[%get3A, %get3A_0, %get3A_1] : memref<2x512x64xf32, #tpu.memory_space<vmem>>, vector<1x512x64xf32>
    %get3A_3 = vector.shape_cast %get3A_2 : vector<1x512x64xf32> to vector<512x64xf32>
    %get3A_4 = arith.constant 1 : index
    %get3A_5 = arith.constant 0 : index
    %get3A_6 = arith.constant 0 : index
    %get3A_7 = vector.load %arg1[%get3A_4, %get3A_5, %get3A_6] : memref<2x512x64xf32, #tpu.memory_space<vmem>>, vector<1x512x64xf32>
    %get3A_8 = vector.shape_cast %get3A_7 : vector<1x512x64xf32> to vector<512x64xf32>
    %concatenate3A = tpu.concatenate %get3A_3, %get3A_8 in 1 : vector<512x64xf32>, vector<512x64xf32> -> vector<512x128xf32>
    %get3A_9 = arith.constant 0 : index
    %get3A_10 = arith.constant 0 : index
    %get3A_11 = arith.constant 0 : index
    %get3A_12 = vector.load %arg2[%get3A_9, %get3A_10, %get3A_11] : memref<2x16x512xf32, #tpu.memory_space<vmem>>, vector<2x16x512xf32>
    %reduce_sum3A = arith.constant dense<0.000000e+00> : vector<512xf32>
    %reduce_sum3A_13 = vector.multi_reduction <add>, %get3A_12, %reduce_sum3A [0, 1] : vector<2x16x512xf32> to vector<512xf32>
    %mul3A = arith.constant 5.000000e-01 : f32
    %mul3A_14 = vector.broadcast %mul3A : f32 to vector<512xf32>
    %mul3A_15 = arith.mulf %reduce_sum3A_13, %mul3A_14 : vector<512xf32>
    %eq3A = arith.constant 0.000000e+00 : f32
    %eq3A_16 = vector.broadcast %eq3A : f32 to vector<512xf32>
    %eq3A_17 = arith.cmpf oeq, %mul3A_15, %eq3A_16 : vector<512xf32>
    %jit3A = arith.constant 1.000000e+00 : f32
    %broadcast_in_dim3A = vector.broadcast %jit3A : f32 to vector<512xf32>
    %select_n3A = arith.select %eq3A_17, %broadcast_in_dim3A, %mul3A_15 : vector<512xi1>, vector<512xf32>
    %broadcast_in_dim3A_18 = vector.shape_cast %select_n3A : vector<512xf32> to vector<512x1xf32>
    %div3A = vector.broadcast %broadcast_in_dim3A_18 : vector<512x1xf32> to vector<512x128xf32>
    %div3A_19 = arith.divf %concatenate3A, %div3A : vector<512x128xf32>
    %get3A_20 = arith.constant 0 : index
    %get3A_21 = arith.constant 0 : index
    %get3A_22 = vector.load %arg4[%get3A_20, %get3A_21] : memref<128x128xf32, #tpu.memory_space<vmem>>, vector<128x128xf32>
    %dot_general3A = arith.constant dense<0.000000e+00> : vector<512x128xf32>
    %dot_general3A_23 = tpu.matmul %div3A_19, %get3A_22, %dot_general3A {dimension_numbers = #tpu.dot_dimension_numbers<[1], [1], [0], [0], [0, 0, 1, 0], [], []>, transpose_lhs_hint = false} : vector<512x128xf32>, vector<128x128xf32>, vector<512x128xf32> -> vector<512x128xf32>
    %get3A_24 = arith.constant 0 : index
    %get3A_25 = arith.constant 0 : index
    %get3A_26 = vector.load %arg3[%get3A_24, %get3A_25] : memref<512x128xf32, #tpu.memory_space<vmem>>, vector<512x128xf32>
    %get3A_27 = arith.constant 0 : index
    %get3A_28 = arith.constant 0 : index
    %get3A_29 = vector.load %arg5[%get3A_27, %get3A_28] : memref<128x128xf32, #tpu.memory_space<vmem>>, vector<128x128xf32>
    %dot_general3A_30 = arith.constant dense<0.000000e+00> : vector<512x128xf32>
    %dot_general3A_31 = tpu.matmul %get3A_26, %get3A_29, %dot_general3A_30 {dimension_numbers = #tpu.dot_dimension_numbers<[1], [1], [0], [0], [0, 0, 1, 0], [], []>, transpose_lhs_hint = false} : vector<512x128xf32>, vector<128x128xf32>, vector<512x128xf32> -> vector<512x128xf32>
    %add3A = arith.addf %dot_general3A_23, %dot_general3A_31 : vector<512x128xf32>
    %swap3A = arith.constant 0 : index
    %swap3A_32 = arith.constant 0 : index
    %swap3A_33 = vector.load %arg6[%swap3A, %swap3A_32] : memref<512x128xf32, #tpu.memory_space<vmem>>, vector<512x128xf32>
    tpu.vector_store %arg6[%swap3A, %swap3A_32], %add3A {strides = array<i32>} : memref<512x128xf32, #tpu.memory_space<vmem>>, vector<512x128xf32>,
    return
  }
  func.func @transform_0(%arg0: i32) -> (i32, i32, i32) {
    %c0_i32 = arith.constant 0 : i32
    %c0_i32_0 = arith.constant 0 : i32
    %c0_i32_1 = arith.constant 0 : i32
    return %c0_i32, %arg0, %c0_i32_0 : i32, i32, i32
  }
  func.func @transform_1(%arg0: i32) -> (i32, i32, i32) {
    %c0_i32 = arith.constant 0 : i32
    %c0_i32_0 = arith.constant 0 : i32
    %c0_i32_1 = arith.constant 0 : i32
    return %c0_i32, %c0_i32_0, %arg0 : i32, i32, i32
  }
  func.func @transform_2(%arg0: i32) -> (i32, i32) {
    %c0_i32 = arith.constant 0 : i32
    %c0_i32_0 = arith.constant 0 : i32
    return %arg0, %c0_i32 : i32, i32
  }
  func.func @transform_3(%arg0: i32) -> (i32, i32) {
    %c0_i32 = arith.constant 0 : i32
    %c0_i32_0 = arith.constant 0 : i32
    %c0_i32_1 = arith.constant 0 : i32
    return %c0_i32, %c0_i32_0 : i32, i32
  }
  func.func @transform_4(%arg0: i32) -> (i32, i32) {
    %c0_i32 = arith.constant 0 : i32
    %c0_i32_0 = arith.constant 0 : i32
    %c0_i32_1 = arith.constant 0 : i32
    return %c0_i32, %c0_i32_0 : i32, i32
  }
  func.func @transform_5(%arg0: i32) -> (i32, i32) {
    %c0_i32 = arith.constant 0 : i32
    %c0_i32_0 = arith.constant 0 : i32
    return %arg0, %c0_i32 : i32, i32
  }
}

</mosaic_0001>

<sc_bundles>
// kernel: kernel.4.cloned.1.call-start
scs
__scs_entry_jumppad:
0x0: {  	(pc) =	sbr.rel $0x88, $3  }
0x1: {  	(tag) =	ssettag $0x0;
	lr =	simm.s32 $0x1  }
0x2: {  	[smem:$0x3F9D] =	sst lr;
	_ =	strace $0xD0000000  }
0x3: {  	_ = 	snop  }
0x4: {  	_ = 	snop  }
0x5: {  	_ = 	snop  }
0x6: {  	_ = 	snop  }
0x7: {  	_ = 	snop  }
__scs_overlays_trampoline_lowered:
0x8: {  	[smem:$0x3FAC] =	sst s0  }
0x9: {  	[smem:$0x3FAD] =	sst s1  }
0xa: {  	[smem:$0x3FAE] =	sst s2  }
0xb: {  	[smem:$0x3FAF] =	sst s3  }
0xc: {  	[smem:$0x3FB0] =	sst s4  }
0xd: {  	[smem:$0x3FB1] =	sst s5  }
0xe: {  	[smem:$0x3FB2] =	sst s6  }
0xf: {  	[smem:$0x3FB3] =	sst s7  }
0x10: {  	[smem:$0x3FB4] =	sst s8  }
0x11: {  	[smem:$0x3FB5] =	sst s9;
	s0 =	simm.s32 @!p0 $0x0  }
0x12: {  	s1 =	sld [smem:$0x3F9B];
	s0 =	simm.s32 @p0 $0x1  }
0x13: {  	[smem:$0x3FB6] =	sst s0;
	s0 =	simm.s32 @!p1 $0x0  }
0x14: {  	s2 =	sld [smem:$0x3F9A];
	s0 =	simm.s32 @p1 $0x1  }
0x15: {  	[smem:$0x3FB7] =	sst s0;
	s0 =	simm.s32 @!p2 $0x0  }
0x16: {  	s3 =	sld [smem:$0x3FDB];
	s0 =	simm.s32 @p2 $0x1  }
0x17: {  	s4 =	simm.s32 $0x1BF5;
	[smem:$0x3FB9] =	sst s0  }
0x18: {  	s0 =	sld [smem:$0x3F9C];
	_ =	swait.ge [sflag:s4], $0x0  }
0x19: {  	s7 =	sld [smem:$0x3F9D]  }
0x1a: {  	s8 =	sadd.s32 $0xFFFFE003, lr  }
0x1b: {  	s9 =	sadd.s32 $0xFFFFFEF7, lr;
	s5 =	simm.s32 $0xFFFFFFFF;
	p2 =	slt.u32 s8, $0xFFFFF086  }
0x1c: {  	p1 =	slt.u32 s9, $0xF7A;
	s5 =	simm.s32 @!p2 $0x0  }
0x1d: {  	s5 =	simm.s32 @p1 $0x1;
	p0 =	seq.s32 s7, s2  }
0x1e: {  	s7 =	smul.u32 @!p0 $0xF7A, s2;
	p2 =	seq.s32 @!p0 s5, $0x0  }
0x1f: {  	s9 =	smul.u32 $0xF7A, s1;
	s8 =	simm.s32 @!p0 $0x1BF5;
	p2 =	por !p2, p0  }
0x20: {  	[sflag:s8] =	ssyncset.s32 @!p0 $0xFFFFF086;
	s6 =	sadd.s32 @!p0 s3, s7;
	s7 =	simm.s32 @!p0 $0x108  }
0x21: {  	s3 =	sadd.s32 s3, s9;
	s6 =	sadd.s32 @!p0 $0x88, s6;
	s7 =	simm.s32 @p2 $0x1082  }
0x22: {  	[simem:s7], [sflag:s8] =	dma.local @!p0 [hbm:s6], $0xF7A  }
0x23: {  	s9 =	sor.u32 $0xD0000000, s2;
	s6 =	simm.s32 $0x108;
	_ =	swait.ge @!p0 [sflag:s8], $0x0  }
0x24: {  	s3 =	sadd.s32 $0x88, s3;
	s6 =	simm.s32 @!p1 $0x1082;
	[sflag:s4] =	ssyncset.s32 $0xFFFFF086  }
0x25: {  	[simem:s6], [sflag:s4] =	dma.local [hbm:s3], $0xF7A  }
0x26: {  	[smem:$0x3F9D] =	sst s1;
	(tag) =	ssettag s2;
	_ =	strace s9  }
0x27: {  	s1 =	sld [smem:$0x3FAD]  }
0x28: {  	s2 =	sld [smem:$0x3FAE]  }
0x29: {  	s4 =	sld [smem:$0x3FB0]  }
0x2a: {  	p0 =	seq.s32 s5, $0x0;
	s5 =	sld [smem:$0x3FB1]  }
0x2b: {  	s6 =	sld [smem:$0x3FB2]  }
0x2c: {  	s7 =	sld [smem:$0x3FB3]  }
0x2d: {  	s3 =	simm.s32 $0x108;
	s8 =	sld [smem:$0x3FB4]  }
0x2e: {  	s3 =	simm.s32 @!p0 $0x1082;
	s9 =	sld [smem:$0x3FB5]  }
0x2f: {  	lr =	sadd.s32 s0, s3;
	s0 =	sld [smem:$0x3FAC]  }
0x30: {  	s3 =	sld [smem:$0x3FAF]  }
0x31: {  	[smem:$0x3FB8] =	sst s10  }
0x32: {  	s10 =	sld [smem:$0x3FB6];
	_ =	sdelay $0x3  }
0x33: {  	p0 =	seq.s32 s10, $0x1;
	s10 =	sld [smem:$0x3FB8];
	_ =	sdelay $0x3  }
0x34: {  	[smem:$0x3FB8] =	sst s10  }
0x35: {  	s10 =	sld [smem:$0x3FB7];
	_ =	sdelay $0x3  }
0x36: {  	p1 =	seq.s32 s10, $0x1;
	s10 =	sld [smem:$0x3FB8];
	_ =	sdelay $0x3  }
0x37: {  	[smem:$0x3FB8] =	sst s10  }
0x38: {  	s10 =	sld [smem:$0x3FB9]  }
0x39: {  	_ = 	snop;
	(pc) =	sbr.ind lr, $3  }
0x3a: {  	_ = 	snop  }
0x3b: {  	_ = 	snop  }
0x3c: {  	p2 =	seq.s32 s10, $0x1;
	s10 =	sld [smem:$0x3FB8]  }
0x3d: {  	_ =	shalt  }
0x3e: {  	_ =	shalt  }
0x3f: {  	_ =	shalt  }
0x40: {  	_ =	shalt  }
0x41: {  	_ =	shalt  }
0x42: {  	_ =	shalt  }
0x43: {  	_ =	shalt  }
0x44: {  	_ =	shalt  }
0x45: {  	_ =	shalt  }
0x46: {  	_ =	shalt  }
0x47: {  	_ =	shalt  }
0x48: {  	_ =	shalt  }
0x49: {  	_ =	shalt  }
0x4a: {  	_ =	shalt  }
0x4b: {  	_ =	shalt  }
0x4c: {  	_ =	shalt  }
0x4d: {  	_ =	shalt  }
0x4e: {  	_ =	shalt  }
0x4f: {  	_ =	shalt  }
0x50: {  	_ =	shalt  }
0x51: {  	_ =	shalt  }
0x52: {  	_ =	shalt  }
0x53: {  	_ =	shalt  }
0x54: {  	_ =	shalt  }
0x55: {  	_ =	shalt  }
0x56: {  	_ =	shalt  }
0x57: {  	_ =	shalt  }
0x58: {  	_ =	shalt  }
0x59: {  	_ =	shalt  }
0x5a: {  	_ =	shalt  }
0x5b: {  	_ =	shalt  }
0x5c: {  	_ =	shalt  }
0x5d: {  	_ =	shalt  }
0x5e: {  	_ =	shalt  }
0x5f: {  	_ =	shalt  }
0x60: {  	_ =	shalt  }
0x61: {  	_ =	shalt  }
0x62: {  	_ =	shalt  }
0x63: {  	_ =	shalt  }
0x64: {  	_ =	shalt  }
0x65: {  	_ =	shalt  }
0x66: {  	_ =	shalt  }
0x67: {  	_ =	shalt  }
0x68: {  	_ =	shalt  }
0x69: {  	_ =	shalt  }
0x6a: {  	_ =	shalt  }
0x6b: {  	_ =	shalt  }
0x6c: {  	_ =	shalt  }
0x6d: {  	_ =	shalt  }
0x6e: {  	_ =	shalt  }
0x6f: {  	_ =	shalt  }
0x70: {  	_ =	shalt  }
0x71: {  	_ =	shalt  }
0x72: {  	_ =	shalt  }
0x73: {  	_ =	shalt  }
0x74: {  	_ =	shalt  }
0x75: {  	_ =	shalt  }
0x76: {  	_ =	shalt  }
0x77: {  	_ =	shalt  }
0x78: {  	_ =	shalt  }
0x79: {  	_ =	shalt  }
0x7a: {  	_ =	shalt  }
0x7b: {  	_ =	shalt  }
0x7c: {  	_ =	shalt  }
0x7d: {  	_ =	shalt  }
0x7e: {  	_ =	shalt  }
0x7f: {  	_ =	shalt  }
0x80: {  	_ =	shalt  }
0x81: {  	_ =	shalt  }
0x82: {  	_ =	shalt  }
0x83: {  	_ =	shalt  }
0x84: {  	_ =	shalt  }
0x85: {  	_ =	shalt  }
0x86: {  	_ =	shalt  }
0x87: {  	_ =	shalt  }
.Lfunc_end0:
.L_simem_size_0:
called_computation_lowered:
.L_overlay_start_0:
0x88: {  	s2 =	sld [smem:$0x3FD9]  }
0x89: {  	s3 =	sld [smem:$0x3FFE];
	_ =	sdelay $0x1  }
0x8a: {  	s1 =	srdreg.scid  }
0x8b: {  	s0 =	sand.u32 $0x1, s1  }
0x8c: {  	s17 =	sshll.u32 s0, $0xA;
	s2 =	sadd.s32 s3, s2  }
0x8d: {  	s2 =	sadd.s32 s2, s17  }
0x8e: {  	[smem:$0x3FC4] =	sst s2  }
0x8f: {  	_ = 	snop  }
0x90: {  	s2 =	sld [smem:$0x3FD0];
	(tm) =	ssettm $0x1  }
0x91: {  	s18 =	sld [smem:$0x3FFB];
	_ =	sdelay $0x3  }
0x92: {  	_ =	strace s18  }
0x93: {  	s3 =	sld [smem:$0x3FFC];
	_ =	sdelay $0x3  }
0x94: {  	_ =	strace s3  }
0x95: {  	s3 =	sld [smem:$0x3FFD];
	_ =	sdelay $0x3  }
0x96: {  	_ =	strace s3  }
0x97: {  	_ =	strace $0x8FFFFFFF  }
0x98: {  	s19 =	sld [smem:$0x3FDB];
	_ =	sdelay $0x1  }
0x99: {  	s4 =	simm.s32 $_scs_section_size  }
0x9a: {  	s5 =	simm.s32 $_size__tile_overlayer_lowered;
	s6 =	simm.s32 $_tile_overlayer_lowered  }
0x9b: {  	s22 =	simm.s32 $0x1BFF;
	s21 =	sshll.u32 s6, $0x1;
	s3 =	sadd.s32 s4, s19  }
0x9c: {  	s7 =	simm.s32 $0x0;
	s20 =	sshll.u32 s5, $0x1;
	s5 =	sadd.s32 s21, s3  }
0x9d: {  	[timem:s7], [sflag:s22] =	dma.local [hbm:s5], s20  }
0x9e: {  	_ =	swait.ge [sflag:s22], s20  }
0x9f: {  	s4 =	ssub.s32 $0x0, s20;
	[sflag:s22] =	ssyncset.done $0x0  }
0xa0: {  	[sflag:s22] =	ssyncadd.s32 s4;
	_ =	sdelay $0x1  }
0xa1: {  	s23 =	simm.s32 $0x1B8B  }
0xa2: {  	_ =	swait.ge [sflag:s23], $0x1  }
0xa3: {  	[sflag:s23] =	ssyncset.done $0x0  }
0xa4: {  	s25 =	simm.s32 $0x1B8E;
	s24 =	sld [smem:$0x3FFE];
	[sflag:s23] =	ssyncadd.s32 $0xFFFFFFFF  }
0xa5: {  	s26 =	simm.s32 $execute0_lowered;
	[smem:$0x3FD2] =	sst s25  }
0xa6: {  	s5 =	sshll.u32 s26, $0x1;
	_ =	strace $0x80000046;
	[dreg:$0x1] =	wrdreg $0xFFFFFFFF  }
0xa7: {  	s28 =	simm.s32 $_size_execute0_lowered;
	s3 =	sadd.s32 s3, s5;
	[dreg:$0x0] =	wrdreg $0x0  }
0xa8: {  	s5 =	sshll.u32 s28, $0x1;
	[dreg:$0x2] =	wrdreg s3  }
0xa9: {  	[dreg:$0x3] =	wrdreg s5  }
0xaa: {  	[dreg:$0x4] =	wrdreg $0xC0  }
0xab: {  	_ =	task [dreg:s7], $0x5FFFF  }
0xac: {  	[dreg:$0x1] =	wrdreg $0xFFFFFFFF  }
0xad: {  	[dreg:$0x0] =	wrdreg $0x60  }
0xae: {  	[dreg:$0x2] =	wrdreg s24  }
0xaf: {  	[dreg:$0x3] =	wrdreg s2  }
0xb0: {  	[dreg:$0x4] =	wrdreg $0x98000  }
0xb1: {  	[dreg:$0x5] =	wrdreg $0x138000  }
0xb2: {  	[dreg:$0x6] =	wrdreg $0x9  }
0xb3: {  	_ =	task.clear_ibuf [dreg:s7], $0x7FFFF;
	_ =	strace $0x90000046  }
0xb4: {  	s29 =	simm.s32 $0x9;
	_ =	strace $0x80000048  }
0xb5: {  	_ =	swait.ge [sflag:s29], $0x1  }
0xb6: {  	[sflag:s29] =	ssyncadd.s32 $0xFFFFFFFF  }
0xb7: {  	_ =	strace $0x90000048  }
0xb8: {  	_ =	sfence  }
0xb9: {  	s30 =	sld [smem:$0x0];
	_ =	sdelay $0x2  }
0xba: {  	s31 =	sshll.u32 s1, $0xD;
	s1 =	sshrl.u32 s1, $0x2  }
0xbb: {  	s3 =	sand.u32 $0x4000, s31;
	s1 =	sadd.s32 s1, s30  }
0xbc: {  	s0 =	sor.u32 s3, s0;
	s1 =	sshll.u32 s1, $0x11  }
0xbd: {  	s0 =	sor.u32 s1, s0  }
0xbe: {  	s0 =	sadd.s32 $0x8F2B, s0  }
0xbf: {  	[sflag:s0] =	ssyncadd.remote.s32 $0x1  }
0xc0: {  	_ =	sfence.sel $0xFFFF  }
0xc1: {  	[dreg:$0x0] =	wrdreg $0xFFFFFFFF;
	(pc) =	sbr.abs _section_cstart, $3  }
0xc2: {  	[dreg:$0x1] =	wrdreg $0xFFFFFFFF  }
0xc3: {  	_ =	task.clear_ibuf [dreg:s7], $0x2FFFF;
	_ =	strace $0x9FFFFFFF  }
0xc4: {  	(tm) =	ssettm $0x7FFFFFFF  }
0xc5: {  	_ =	shalt  }
tec
execute0_lowered:
.L_overlay_start_1:
0x0: {  	(tag) =	ssettag $0x1  }
0x1: {  	s1 =	rddreg [dreg:$0x0]  }
0x2: {  	s6 =	rddreg [dreg:$0x1]  }
0x3: {  	s0 =	srdreg.scid;
	s2 =	rddreg [dreg:$0x2]  }
0x4: {  	s13 =	stileid.u32;
	s3 =	rddreg [dreg:$0x3]  }
0x5: {  	s4 =	simm.s32 $0x0;
	s24 =	simm.s32 $0x100;
	s26 =	simm.s32 $0x880  }
0x6: {  	s15 =	simm.s32 $0x280;
	s16 =	simm.s32 $0xA00;
	s17 =	simm.s32 $0x300  }
0x7: {  	s28 =	simm.s32 $0xD00;
	s29 =	simm.s32 $0x600;
	s7 =	smul.u32 $0x1400, s13  }
0x8: {  	s30 =	simm.s32 $0xD80;
	s0 =	sand.u32 $0x1, s0;
	s8 =	smul.u32 $0xA00, s13  }
0x9: {  	s9 =	smul.u32 $0xA000, s13;
	[smem:$0x7FF] =	sst s4;
	s14 =	sadd.s32 $0x32800, s1  }
0xa: {  	s18 =	smul.u32 $0x2800, s13;
	_ =	strace $0x80000047;
	[dreg:$0x19] =	wrdreg s14  }
0xb: {  	s31 =	simm.s32 $0x680;
	s5 =	smul.u32 $0x14000, s0;
	[dreg:$0x7] =	wrdreg s24  }
0xc: {  	s22 =	sshll.u32 s13, $0x6;
	s10 =	smul.u32 $0xA0000, s0;
	[dreg:$0x8] =	wrdreg s26  }
0xd: {  	s11 =	smul.u32 $0x28000, s0;
	s0 =	ssub.s32 $0x2, s0;
	[dreg:$0xd] =	wrdreg s15  }
0xe: {  	s14 =	simm.s32 $0x980;
	[dreg:$0xe] =	wrdreg s16;
	s15 =	simm.s32 $0x80  }
0xf: {  	[dreg:$0xf] =	wrdreg s17;
	s16 =	simm.s32 $0x1000;
	s17 =	simm.s32 $0x3000  }
0x10: {  	s24 =	simm.s32 $0xC00;
	s26 =	simm.s32 $0xC80;
	s12 =	sadd.s32 s8, s1  }
0x11: {  	s19 =	sshrl.u32 s0, $0x1;
	s20 =	sadd.s32 s9, s2;
	s23 =	sadd.s32 s8, s6  }
0x12: {  	s25 =	sadd.s32 s9, s3;
	s8 =	simm.s32 $0x180;
	[dreg:$0xc] =	wrdreg s14  }
0x13: {  	s14 =	simm.s32 $0x800;
	[dreg:$0x16] =	wrdreg s24;
	s24 =	simm.s32 $0x5  }
0x14: {  	[dreg:$0x18] =	wrdreg s26;
	s6 =	simm.s32 $0x780;
	s5 =	sadd.s32 s7, s5  }
0x15: {  	s10 =	sadd.s32 s9, s10;
	s7 =	sadd.s32 s18, s11;
	[dreg:$0x6] =	wrdreg s23  }
0x16: {  	s0 =	ssub.s32 s0, s19;
	s21 =	sadd.s32 $0x28800, s12;
	[dreg:$0x9] =	wrdreg s8  }
0x17: {  	s12 =	simm.s32 $0x200;
	s13 =	sshrl.u32 s20, $0x3;
	[dreg:$0x5] =	wrdreg s21  }
0x18: {  	s18 =	simm.s32 $0xA80;
	s19 =	simm.s32 $0x380;
	[dreg:$0x1e] =	wrdreg s13  }
0x19: {  	s20 =	simm.s32 $0xB00;
	s23 =	simm.s32 $0x480;
	[dreg:$0xb] =	wrdreg s12  }
0x1a: {  	s8 =	simm.s32 $0xF00;
	s5 =	sadd.s32 s5, s1;
	[dreg:$0x10] =	wrdreg s18  }
0x1b: {  	s10 =	sshrl.u32 s10, $0x3;
	s7 =	sshrl.u32 s7, $0x3;
	[dreg:$0x11] =	wrdreg s19  }
0x1c: {  	s0 =	smax.u32 s0, $0x1;
	s12 =	simm.s32 $0x7;
	[dreg:$0x12] =	wrdreg s20  }
0x1d: {  	s13 =	sshrl.u32 s25, $0x3;
	s18 =	simm.s32 $0x1;
	[dreg:$0x15] =	wrdreg s23  }
0x1e: {  	s21 =	simm.s32 $0x400;
	s19 =	simm.s32 $0x5000;
	[dreg:$0x1d] =	wrdreg s0  }
0x1f: {  	s20 =	simm.s32 $0x7000;
	s25 =	simm.s32 $0x500;
	[dreg:$0x13] =	wrdreg s21  }
0x20: {  	s23 =	simm.s32 $0x3;
	s10 =	sadd.s32 s10, s1;
	[dreg:$0x17] =	wrdreg s25  }
0x21: {  	s1 =	sadd.s32 s7, s1;
	s5 =	sadd.s32 $0x800, s5;
	[dreg:$0x1f] =	wrdreg s13  }
0x22: {  	s7 =	sor.u32 $0x1C07, s22;
	s22 =	simm.s32 $0xB80;
	[dreg:$0x1a] =	wrdreg s5  }
0x23: {  	s21 =	simm.s32 $0x2;
	s1 =	sadd.s32 $0x5BC00, s1;
	[dreg:$0x14] =	wrdreg s22  }
0x24: {  	s25 =	simm.s32 $0x6;
	s9 =	sadd.s32 $0x33C00, s10;
	[dreg:$0x1b] =	wrdreg s1  }
0x25: {  	s0 =	simm.s32 $0x700;
	s10 =	simm.s32 $0x900;
	[dreg:$0x1c] =	wrdreg s9  }
0x26: {  	s22 =	simm.s32 $0x4;
	s5 =	simm.s32 $0xE80;
	[dreg:$0xa] =	wrdreg s10  }
0x27: {  	v0 =	vimm.f32 $0.0e+00;
	v1 =	vimm.f32 $1.000000000e+00;
	s1 =	simm.s32 $0xE00;
	s9 =	simm.s32 $0xF80;
	s10 =	simm.s32 $0x0  }
.LBB2_1:
0x28: {  	s11 =	rddreg [dreg:$0x1a]  }
0x29: {  	s26 =	smov.u32 s10;
	s10 =	smov.u32 s13;
	s13 =	rddreg [dreg:$0x1e]  }
0x2a: {  	[spmem:s13], [sflag:s7] =	dma.local [hbm:s11], $0x1400  }
0x2b: {  	_ =	swait.ge [sflag:s12], $0x1400  }
0x2c: {  	[sflag:s12] =	ssyncset.done $0x0  }
0x2d: {  	s13 =	rddreg [dreg:$0x19];
	[sflag:s12] =	ssyncadd.s32 $0xFFFFEC00  }
0x2e: {  	[spmem:s10], [sflag:s7] =	dma.local [hbm:s13], $0x1400  }
0x2f: {  	_ =	swait.ge [sflag:s12], $0x1400  }
0x30: {  	[sflag:s12] =	ssyncset.done $0x0  }
0x31: {  	s11 =	simm.s32 $0x40;
	s13 =	simm.s32 $0x0;
	[sflag:s12] =	ssyncadd.s32 $0xFFFFEC00  }
.LBB2_2:
0x32: {  	p0 =	sne.s32 s11, $0x9FC0;
	[tilespmem:s13+$0x7000] =	vst v0;
	s13 =	smov.u32 s11;
	s11 =	sadd.s32 $0x40, s11  }
.Ltmp0:
0x33: {  	(pc) =	sbr.rel @p0 .LBB2_2-.Ltmp0, $2  }
0x34: {  	_ =	sdelay $0x2  }
0x35: {  	s13 =	sshra.s32 s13, $0x2  }
0x36: {  	[tilespmem:s13+$0x7000] =	vst v0;
	s11 =	simm.s32 $0x0  }
0x37: {  	s10 =	smov.u32 s26;
	s26 =	simm.s32 $0x580;
	[bflag:$0x0] =	sbarrier.arrive $0xFFFF  }
.LBB2_4:
0x38: {  	s13 =	rddreg [dreg:$0x6]  }
0x39: {  	s13 =	sadd.s32 s11, s13  }
0x3a: {  	[tilespmem:s4], [sflag:$0x7] =	stream.linear.gather [hbm4b:s13+s4], $0x800, $0x38;
	[tilespmem:$0x1D800] =	vst v63  }
0x3b: {  	_ =	swait.ge [sflag:s12], $0x800  }
0x3c: {  	s13 =	rddreg [dreg:$0x5];
	[sflag:s12] =	ssyncset.done $0x0  }
0x3d: {  	[sflag:s12] =	ssyncadd.s32 $0xFFFFF800;
	s13 =	sadd.s32 s11, s13  }
0x3e: {  	[tilespmem:s14], [sflag:$0x7] =	stream.linear.gather [hbm4b:s13+s4], $0x800, $0x38;
	[tilespmem:$0x1D800] =	vst v63  }
0x3f: {  	_ =	swait.ge [sflag:s12], $0x800  }
0x40: {  	[sflag:s12] =	ssyncset.done $0x0  }
0x41: {  	[sflag:s12] =	ssyncadd.s32 $0xFFFFF800  }
0x42: {  	[tilespmem:s16], [sflag:$0x1] =	stream.indirect.gather [spmem:s2], $0x40, s4, s15, $0xb8;
	[tilespmem:$0x1D800] =	vst v63  }
0x43: {  	_ = 	snop  }
0x44: {  	[tilespmem:s17], [sflag:$0x2] =	stream.indirect.gather [spmem:s2], $0x40, s15, s15, $0xb8;
	[tilespmem:$0x1D800] =	vst v63  }
0x45: {  	_ =	swait.ge [sflag:s18], $0x2000  }
0x46: {  	[sflag:s18] =	ssyncset.done $0x0  }
0x47: {  	[sflag:s18] =	ssyncadd.s32 $0xFFFFE000  }
0x48: {  	[spmem:s3] =	stream.indirect.scatter.add.f32 [tilespmem:s16], [sflag:$0x4], $0x40, s14, s15, $0xb8;
	[tilespmem:$0x1D800] =	vst v63  }
0x49: {  	s13 =	rddreg [dreg:$0x7]  }
0x4a: {  	[tilespmem:s19], [sflag:$0x3] =	stream.indirect.gather [spmem:s2], $0x40, s13, s15, $0xb8;
	[tilespmem:$0x1D800] =	vst v63  }
0x4b: {  	v2 =	vld [tilespmem:$0x800];
	_ =	sdelay $0x7  }
0x4c: {  	[tilespmem:v2+s20+$0x0] =	vst.idx.add.f32.msk $0xffff, v1  }
0x4d: {  	v2 =	vld [tilespmem:$0x810];
	_ =	sdelay $0x7  }
0x4e: {  	[tilespmem:v2+s20+$0x0] =	vst.idx.add.f32.msk $0xffff, v1  }
0x4f: {  	v2 =	vld [tilespmem:$0x820];
	_ =	sdelay $0x7  }
0x50: {  	[tilespmem:v2+s20+$0x0] =	vst.idx.add.f32.msk $0xffff, v1  }
0x51: {  	v2 =	vld [tilespmem:$0x830];
	_ =	sdelay $0x7  }
0x52: {  	[tilespmem:v2+s20+$0x0] =	vst.idx.add.f32.msk $0xffff, v1  }
0x53: {  	v2 =	vld [tilespmem:$0x840];
	_ =	sdelay $0x7  }
0x54: {  	[tilespmem:v2+s20+$0x0] =	vst.idx.add.f32.msk $0xffff, v1  }
0x55: {  	v2 =	vld [tilespmem:$0x850];
	_ =	sdelay $0x7  }
0x56: {  	[tilespmem:v2+s20+$0x0] =	vst.idx.add.f32.msk $0xffff, v1  }
0x57: {  	v2 =	vld [tilespmem:$0x860];
	_ =	sdelay $0x7  }
0x58: {  	[tilespmem:v2+s20+$0x0] =	vst.idx.add.f32.msk $0xffff, v1  }
0x59: {  	v2 =	vld [tilespmem:$0x870];
	_ =	sdelay $0x7  }
0x5a: {  	[tilespmem:v2+s20+$0x0] =	vst.idx.add.f32.msk $0xffff, v1  }
0x5b: {  	_ =	swait.ge [sflag:s21], $0x2000  }
0x5c: {  	[sflag:s21] =	ssyncset.done $0x0  }
0x5d: {  	s13 =	rddreg [dreg:$0x8];
	[sflag:s21] =	ssyncadd.s32 $0xFFFFE000  }
0x5e: {  	[spmem:s3] =	stream.indirect.scatter.add.f32 [tilespmem:s17], [sflag:$0x5], $0x40, s13, s15, $0xb8;
	[tilespmem:$0x1D800] =	vst v63  }
0x5f: {  	_ =	swait.ge [sflag:s22], $0x2000  }
0x60: {  	[sflag:s22] =	ssyncset.done $0x0  }
0x61: {  	s13 =	rddreg [dreg:$0x9];
	[sflag:s22] =	ssyncadd.s32 $0xFFFFE000  }
0x62: {  	[tilespmem:s16], [sflag:$0x1] =	stream.indirect.gather [spmem:s2], $0x40, s13, s15, $0xb8;
	[tilespmem:$0x1D800] =	vst v63  }
0x63: {  	v2 =	vld [tilespmem:$0x880];
	_ =	sdelay $0x7  }
0x64: {  	[tilespmem:v2+s20+$0x0] =	vst.idx.add.f32.msk $0xffff, v1  }
0x65: {  	v2 =	vld [tilespmem:$0x890];
	_ =	sdelay $0x7  }
0x66: {  	[tilespmem:v2+s20+$0x0] =	vst.idx.add.f32.msk $0xffff, v1  }
0x67: {  	v2 =	vld [tilespmem:$0x8A0];
	_ =	sdelay $0x7  }
0x68: {  	[tilespmem:v2+s20+$0x0] =	vst.idx.add.f32.msk $0xffff, v1  }
0x69: {  	v2 =	vld [tilespmem:$0x8B0];
	_ =	sdelay $0x7  }
0x6a: {  	[tilespmem:v2+s20+$0x0] =	vst.idx.add.f32.msk $0xffff, v1  }
0x6b: {  	v2 =	vld [tilespmem:$0x8C0];
	_ =	sdelay $0x7  }
0x6c: {  	[tilespmem:v2+s20+$0x0] =	vst.idx.add.f32.msk $0xffff, v1  }
0x6d: {  	v2 =	vld [tilespmem:$0x8D0];
	_ =	sdelay $0x7  }
0x6e: {  	[tilespmem:v2+s20+$0x0] =	vst.idx.add.f32.msk $0xffff, v1  }
0x6f: {  	v2 =	vld [tilespmem:$0x8E0];
	_ =	sdelay $0x7  }
0x70: {  	[tilespmem:v2+s20+$0x0] =	vst.idx.add.f32.msk $0xffff, v1  }
0x71: {  	v2 =	vld [tilespmem:$0x8F0];
	_ =	sdelay $0x7  }
0x72: {  	[tilespmem:v2+s20+$0x0] =	vst.idx.add.f32.msk $0xffff, v1  }
0x73: {  	_ =	swait.ge [sflag:s23], $0x2000  }
0x74: {  	[sflag:s23] =	ssyncset.done $0x0  }
0x75: {  	s13 =	rddreg [dreg:$0xa];
	[sflag:s23] =	ssyncadd.s32 $0xFFFFE000  }
0x76: {  	[spmem:s3] =	stream.indirect.scatter.add.f32 [tilespmem:s19], [sflag:$0x6], $0x40, s13, s15, $0xb8;
	[tilespmem:$0x1D800] =	vst v63  }
0x77: {  	_ =	swait.ge [sflag:s24], $0x2000  }
0x78: {  	[sflag:s24] =	ssyncset.done $0x0  }
0x79: {  	s13 =	rddreg [dreg:$0xb];
	[sflag:s24] =	ssyncadd.s32 $0xFFFFE000  }
0x7a: {  	[tilespmem:s17], [sflag:$0x2] =	stream.indirect.gather [spmem:s2], $0x40, s13, s15, $0xb8;
	[tilespmem:$0x1D800] =	vst v63  }
0x7b: {  	v2 =	vld [tilespmem:$0x900];
	_ =	sdelay $0x7  }
0x7c: {  	[tilespmem:v2+s20+$0x0] =	vst.idx.add.f32.msk $0xffff, v1  }
0x7d: {  	v2 =	vld [tilespmem:$0x910];
	_ =	sdelay $0x7  }
0x7e: {  	[tilespmem:v2+s20+$0x0] =	vst.idx.add.f32.msk $0xffff, v1  }
0x7f: {  	v2 =	vld [tilespmem:$0x920];
	_ =	sdelay $0x7  }
0x80: {  	[tilespmem:v2+s20+$0x0] =	vst.idx.add.f32.msk $0xffff, v1  }
0x81: {  	v2 =	vld [tilespmem:$0x930];
	_ =	sdelay $0x7  }
0x82: {  	[tilespmem:v2+s20+$0x0] =	vst.idx.add.f32.msk $0xffff, v1  }
0x83: {  	v2 =	vld [tilespmem:$0x940];
	_ =	sdelay $0x7  }
0x84: {  	[tilespmem:v2+s20+$0x0] =	vst.idx.add.f32.msk $0xffff, v1  }
0x85: {  	v2 =	vld [tilespmem:$0x950];
	_ =	sdelay $0x7  }
0x86: {  	[tilespmem:v2+s20+$0x0] =	vst.idx.add.f32.msk $0xffff, v1  }
0x87: {  	v2 =	vld [tilespmem:$0x960];
	_ =	sdelay $0x7  }
0x88: {  	[tilespmem:v2+s20+$0x0] =	vst.idx.add.f32.msk $0xffff, v1  }
0x89: {  	v2 =	vld [tilespmem:$0x970];
	_ =	sdelay $0x7  }
0x8a: {  	[tilespmem:v2+s20+$0x0] =	vst.idx.add.f32.msk $0xffff, v1  }
0x8b: {  	_ =	swait.ge [sflag:s18], $0x2000  }
0x8c: {  	[sflag:s18] =	ssyncset.done $0x0  }
0x8d: {  	s13 =	rddreg [dreg:$0xc];
	[sflag:s18] =	ssyncadd.s32 $0xFFFFE000  }
0x8e: {  	[spmem:s3] =	stream.indirect.scatter.add.f32 [tilespmem:s16], [sflag:$0x4], $0x40, s13, s15, $0xb8;
	[tilespmem:$0x1D800] =	vst v63  }
0x8f: {  	_ =	swait.ge [sflag:s25], $0x2000  }
0x90: {  	[sflag:s25] =	ssyncset.done $0x0  }
0x91: {  	s13 =	rddreg [dreg:$0xd];
	[sflag:s25] =	ssyncadd.s32 $0xFFFFE000  }
0x92: {  	[tilespmem:s19], [sflag:$0x3] =	stream.indirect.gather [spmem:s2], $0x40, s13, s15, $0xb8;
	[tilespmem:$0x1D800] =	vst v63  }
0x93: {  	v2 =	vld [tilespmem:$0x980];
	_ =	sdelay $0x7  }
0x94: {  	[tilespmem:v2+s20+$0x0] =	vst.idx.add.f32.msk $0xffff, v1  }
0x95: {  	v2 =	vld [tilespmem:$0x990];
	_ =	sdelay $0x7  }
0x96: {  	[tilespmem:v2+s20+$0x0] =	vst.idx.add.f32.msk $0xffff, v1  }
0x97: {  	v2 =	vld [tilespmem:$0x9A0];
	_ =	sdelay $0x7  }
0x98: {  	[tilespmem:v2+s20+$0x0] =	vst.idx.add.f32.msk $0xffff, v1  }
0x99: {  	v2 =	vld [tilespmem:$0x9B0];
	_ =	sdelay $0x7  }
0x9a: {  	[tilespmem:v2+s20+$0x0] =	vst.idx.add.f32.msk $0xffff, v1  }
0x9b: {  	v2 =	vld [tilespmem:$0x9C0];
	_ =	sdelay $0x7  }
0x9c: {  	[tilespmem:v2+s20+$0x0] =	vst.idx.add.f32.msk $0xffff, v1  }
0x9d: {  	v2 =	vld [tilespmem:$0x9D0];
	_ =	sdelay $0x7  }
0x9e: {  	[tilespmem:v2+s20+$0x0] =	vst.idx.add.f32.msk $0xffff, v1  }
0x9f: {  	v2 =	vld [tilespmem:$0x9E0];
	_ =	sdelay $0x7  }
0xa0: {  	[tilespmem:v2+s20+$0x0] =	vst.idx.add.f32.msk $0xffff, v1  }
0xa1: {  	v2 =	vld [tilespmem:$0x9F0];
	_ =	sdelay $0x7  }
0xa2: {  	[tilespmem:v2+s20+$0x0] =	vst.idx.add.f32.msk $0xffff, v1  }
0xa3: {  	_ =	swait.ge [sflag:s21], $0x2000  }
0xa4: {  	[sflag:s21] =	ssyncset.done $0x0  }
0xa5: {  	s13 =	rddreg [dreg:$0xe];
	[sflag:s21] =	ssyncadd.s32 $0xFFFFE000  }
0xa6: {  	[spmem:s3] =	stream.indirect.scatter.add.f32 [tilespmem:s17], [sflag:$0x5], $0x40, s13, s15, $0xb8;
	[tilespmem:$0x1D800] =	vst v63  }
0xa7: {  	_ =	swait.ge [sflag:s22], $0x2000  }
0xa8: {  	[sflag:s22] =	ssyncset.done $0x0  }
0xa9: {  	s13 =	rddreg [dreg:$0xf];
	[sflag:s22] =	ssyncadd.s32 $0xFFFFE000  }
0xaa: {  	[tilespmem:s16], [sflag:$0x1] =	stream.indirect.gather [spmem:s2], $0x40, s13, s15, $0xb8;
	[tilespmem:$0x1D800] =	vst v63  }
0xab: {  	v2 =	vld [tilespmem:$0xA00];
	_ =	sdelay $0x7  }
0xac: {  	[tilespmem:v2+s20+$0x0] =	vst.idx.add.f32.msk $0xffff, v1  }
0xad: {  	v2 =	vld [tilespmem:$0xA10];
	_ =	sdelay $0x7  }
0xae: {  	[tilespmem:v2+s20+$0x0] =	vst.idx.add.f32.msk $0xffff, v1  }
0xaf: {  	v2 =	vld [tilespmem:$0xA20];
	_ =	sdelay $0x7  }
0xb0: {  	[tilespmem:v2+s20+$0x0] =	vst.idx.add.f32.msk $0xffff, v1  }
0xb1: {  	v2 =	vld [tilespmem:$0xA30];
	_ =	sdelay $0x7  }
0xb2: {  	[tilespmem:v2+s20+$0x0] =	vst.idx.add.f32.msk $0xffff, v1  }
0xb3: {  	v2 =	vld [tilespmem:$0xA40];
	_ =	sdelay $0x7  }
0xb4: {  	[tilespmem:v2+s20+$0x0] =	vst.idx.add.f32.msk $0xffff, v1  }
0xb5: {  	v2 =	vld [tilespmem:$0xA50];
	_ =	sdelay $0x7  }
0xb6: {  	[tilespmem:v2+s20+$0x0] =	vst.idx.add.f32.msk $0xffff, v1  }
0xb7: {  	v2 =	vld [tilespmem:$0xA60];
	_ =	sdelay $0x7  }
0xb8: {  	[tilespmem:v2+s20+$0x0] =	vst.idx.add.f32.msk $0xffff, v1  }
0xb9: {  	v2 =	vld [tilespmem:$0xA70];
	_ =	sdelay $0x7  }
0xba: {  	[tilespmem:v2+s20+$0x0] =	vst.idx.add.f32.msk $0xffff, v1  }
0xbb: {  	_ =	swait.ge [sflag:s23], $0x2000  }
0xbc: {  	[sflag:s23] =	ssyncset.done $0x0  }
0xbd: {  	s13 =	rddreg [dreg:$0x10];
	[sflag:s23] =	ssyncadd.s32 $0xFFFFE000  }
0xbe: {  	[spmem:s3] =	stream.indirect.scatter.add.f32 [tilespmem:s19], [sflag:$0x6], $0x40, s13, s15, $0xb8;
	[tilespmem:$0x1D800] =	vst v63  }
0xbf: {  	_ =	swait.ge [sflag:s24], $0x2000  }
0xc0: {  	[sflag:s24] =	ssyncset.done $0x0  }
0xc1: {  	s13 =	rddreg [dreg:$0x11];
	[sflag:s24] =	ssyncadd.s32 $0xFFFFE000  }
0xc2: {  	[tilespmem:s17], [sflag:$0x2] =	stream.indirect.gather [spmem:s2], $0x40, s13, s15, $0xb8;
	[tilespmem:$0x1D800] =	vst v63  }
0xc3: {  	v2 =	vld [tilespmem:$0xA80];
	_ =	sdelay $0x7  }
0xc4: {  	[tilespmem:v2+s20+$0x0] =	vst.idx.add.f32.msk $0xffff, v1  }
0xc5: {  	v2 =	vld [tilespmem:$0xA90];
	_ =	sdelay $0x7  }
0xc6: {  	[tilespmem:v2+s20+$0x0] =	vst.idx.add.f32.msk $0xffff, v1  }
0xc7: {  	v2 =	vld [tilespmem:$0xAA0];
	_ =	sdelay $0x7  }
0xc8: {  	[tilespmem:v2+s20+$0x0] =	vst.idx.add.f32.msk $0xffff, v1  }
0xc9: {  	v2 =	vld [tilespmem:$0xAB0];
	_ =	sdelay $0x7  }
0xca: {  	[tilespmem:v2+s20+$0x0] =	vst.idx.add.f32.msk $0xffff, v1  }
0xcb: {  	v2 =	vld [tilespmem:$0xAC0];
	_ =	sdelay $0x7  }
0xcc: {  	[tilespmem:v2+s20+$0x0] =	vst.idx.add.f32.msk $0xffff, v1  }
0xcd: {  	v2 =	vld [tilespmem:$0xAD0];
	_ =	sdelay $0x7  }
0xce: {  	[tilespmem:v2+s20+$0x0] =	vst.idx.add.f32.msk $0xffff, v1  }
0xcf: {  	v2 =	vld [tilespmem:$0xAE0];
	_ =	sdelay $0x7  }
0xd0: {  	[tilespmem:v2+s20+$0x0] =	vst.idx.add.f32.msk $0xffff, v1  }
0xd1: {  	v2 =	vld [tilespmem:$0xAF0];
	_ =	sdelay $0x7  }
0xd2: {  	[tilespmem:v2+s20+$0x0] =	vst.idx.add.f32.msk $0xffff, v1  }
0xd3: {  	_ =	swait.ge [sflag:s18], $0x2000  }
0xd4: {  	[sflag:s18] =	ssyncset.done $0x0  }
0xd5: {  	s13 =	rddreg [dreg:$0x12];
	[sflag:s18] =	ssyncadd.s32 $0xFFFFE000  }
0xd6: {  	[spmem:s3] =	stream.indirect.scatter.add.f32 [tilespmem:s16], [sflag:$0x4], $0x40, s13, s15, $0xb8;
	[tilespmem:$0x1D800] =	vst v63  }
0xd7: {  	_ =	swait.ge [sflag:s25], $0x2000  }
0xd8: {  	[sflag:s25] =	ssyncset.done $0x0  }
0xd9: {  	s13 =	rddreg [dreg:$0x13];
	[sflag:s25] =	ssyncadd.s32 $0xFFFFE000  }
0xda: {  	[tilespmem:s19], [sflag:$0x3] =	stream.indirect.gather [spmem:s2], $0x40, s13, s15, $0xb8;
	[tilespmem:$0x1D800] =	vst v63  }
0xdb: {  	v2 =	vld [tilespmem:$0xB00];
	_ =	sdelay $0x7  }
0xdc: {  	[tilespmem:v2+s20+$0x0] =	vst.idx.add.f32.msk $0xffff, v1  }
0xdd: {  	v2 =	vld [tilespmem:$0xB10];
	_ =	sdelay $0x7  }
0xde: {  	[tilespmem:v2+s20+$0x0] =	vst.idx.add.f32.msk $0xffff, v1  }
0xdf: {  	v2 =	vld [tilespmem:$0xB20];
	_ =	sdelay $0x7  }
0xe0: {  	[tilespmem:v2+s20+$0x0] =	vst.idx.add.f32.msk $0xffff, v1  }
0xe1: {  	v2 =	vld [tilespmem:$0xB30];
	_ =	sdelay $0x7  }
0xe2: {  	[tilespmem:v2+s20+$0x0] =	vst.idx.add.f32.msk $0xffff, v1  }
0xe3: {  	v2 =	vld [tilespmem:$0xB40];
	_ =	sdelay $0x7  }
0xe4: {  	[tilespmem:v2+s20+$0x0] =	vst.idx.add.f32.msk $0xffff, v1  }
0xe5: {  	v2 =	vld [tilespmem:$0xB50];
	_ =	sdelay $0x7  }
0xe6: {  	[tilespmem:v2+s20+$0x0] =	vst.idx.add.f32.msk $0xffff, v1  }
0xe7: {  	v2 =	vld [tilespmem:$0xB60];
	_ =	sdelay $0x7  }
0xe8: {  	[tilespmem:v2+s20+$0x0] =	vst.idx.add.f32.msk $0xffff, v1  }
0xe9: {  	v2 =	vld [tilespmem:$0xB70];
	_ =	sdelay $0x7  }
0xea: {  	[tilespmem:v2+s20+$0x0] =	vst.idx.add.f32.msk $0xffff, v1  }
0xeb: {  	_ =	swait.ge [sflag:s21], $0x2000  }
0xec: {  	[sflag:s21] =	ssyncset.done $0x0  }
0xed: {  	s13 =	rddreg [dreg:$0x14];
	[sflag:s21] =	ssyncadd.s32 $0xFFFFE000  }
0xee: {  	[spmem:s3] =	stream.indirect.scatter.add.f32 [tilespmem:s17], [sflag:$0x5], $0x40, s13, s15, $0xb8;
	[tilespmem:$0x1D800] =	vst v63  }
0xef: {  	_ =	swait.ge [sflag:s22], $0x2000  }
0xf0: {  	[sflag:s22] =	ssyncset.done $0x0  }
0xf1: {  	s13 =	rddreg [dreg:$0x15];
	[sflag:s22] =	ssyncadd.s32 $0xFFFFE000  }
0xf2: {  	[tilespmem:s16], [sflag:$0x1] =	stream.indirect.gather [spmem:s2], $0x40, s13, s15, $0xb8;
	[tilespmem:$0x1D800] =	vst v63  }
0xf3: {  	v2 =	vld [tilespmem:$0xB80];
	_ =	sdelay $0x7  }
0xf4: {  	[tilespmem:v2+s20+$0x0] =	vst.idx.add.f32.msk $0xffff, v1  }
0xf5: {  	v2 =	vld [tilespmem:$0xB90];
	_ =	sdelay $0x7  }
0xf6: {  	[tilespmem:v2+s20+$0x0] =	vst.idx.add.f32.msk $0xffff, v1  }
0xf7: {  	v2 =	vld [tilespmem:$0xBA0];
	_ =	sdelay $0x7  }
0xf8: {  	[tilespmem:v2+s20+$0x0] =	vst.idx.add.f32.msk $0xffff, v1  }
0xf9: {  	v2 =	vld [tilespmem:$0xBB0];
	_ =	sdelay $0x7  }
0xfa: {  	[tilespmem:v2+s20+$0x0] =	vst.idx.add.f32.msk $0xffff, v1  }
0xfb: {  	v2 =	vld [tilespmem:$0xBC0];
	_ =	sdelay $0x7  }
0xfc: {  	[tilespmem:v2+s20+$0x0] =	vst.idx.add.f32.msk $0xffff, v1  }
0xfd: {  	v2 =	vld [tilespmem:$0xBD0];
	_ =	sdelay $0x7  }
0xfe: {  	[tilespmem:v2+s20+$0x0] =	vst.idx.add.f32.msk $0xffff, v1  }
0xff: {  	v2 =	vld [tilespmem:$0xBE0];
	_ =	sdelay $0x7  }
0x100: {  	[tilespmem:v2+s20+$0x0] =	vst.idx.add.f32.msk $0xffff, v1  }
0x101: {  	v2 =	vld [tilespmem:$0xBF0];
	_ =	sdelay $0x7  }
0x102: {  	[tilespmem:v2+s20+$0x0] =	vst.idx.add.f32.msk $0xffff, v1  }
0x103: {  	_ =	swait.ge [sflag:s23], $0x2000  }
0x104: {  	[sflag:s23] =	ssyncset.done $0x0  }
0x105: {  	s13 =	rddreg [dreg:$0x16];
	[sflag:s23] =	ssyncadd.s32 $0xFFFFE000  }
0x106: {  	[spmem:s3] =	stream.indirect.scatter.add.f32 [tilespmem:s19], [sflag:$0x6], $0x40, s13, s15, $0xb8;
	[tilespmem:$0x1D800] =	vst v63  }
0x107: {  	_ =	swait.ge [sflag:s24], $0x2000  }
0x108: {  	[sflag:s24] =	ssyncset.done $0x0  }
0x109: {  	s13 =	rddreg [dreg:$0x17];
	[sflag:s24] =	ssyncadd.s32 $0xFFFFE000  }
0x10a: {  	[tilespmem:s17], [sflag:$0x2] =	stream.indirect.gather [spmem:s2], $0x40, s13, s15, $0xb8;
	[tilespmem:$0x1D800] =	vst v63  }
0x10b: {  	v2 =	vld [tilespmem:$0xC00];
	_ =	sdelay $0x7  }
0x10c: {  	[tilespmem:v2+s20+$0x0] =	vst.idx.add.f32.msk $0xffff, v1  }
0x10d: {  	v2 =	vld [tilespmem:$0xC10];
	_ =	sdelay $0x7  }
0x10e: {  	[tilespmem:v2+s20+$0x0] =	vst.idx.add.f32.msk $0xffff, v1  }
0x10f: {  	v2 =	vld [tilespmem:$0xC20];
	_ =	sdelay $0x7  }
0x110: {  	[tilespmem:v2+s20+$0x0] =	vst.idx.add.f32.msk $0xffff, v1  }
0x111: {  	v2 =	vld [tilespmem:$0xC30];
	_ =	sdelay $0x7  }
0x112: {  	[tilespmem:v2+s20+$0x0] =	vst.idx.add.f32.msk $0xffff, v1  }
0x113: {  	v2 =	vld [tilespmem:$0xC40];
	_ =	sdelay $0x7  }
0x114: {  	[tilespmem:v2+s20+$0x0] =	vst.idx.add.f32.msk $0xffff, v1  }
0x115: {  	v2 =	vld [tilespmem:$0xC50];
	_ =	sdelay $0x7  }
0x116: {  	[tilespmem:v2+s20+$0x0] =	vst.idx.add.f32.msk $0xffff, v1  }
0x117: {  	v2 =	vld [tilespmem:$0xC60];
	_ =	sdelay $0x7  }
0x118: {  	[tilespmem:v2+s20+$0x0] =	vst.idx.add.f32.msk $0xffff, v1  }
0x119: {  	v2 =	vld [tilespmem:$0xC70];
	_ =	sdelay $0x7  }
0x11a: {  	[tilespmem:v2+s20+$0x0] =	vst.idx.add.f32.msk $0xffff, v1  }
0x11b: {  	_ =	swait.ge [sflag:s18], $0x2000  }
0x11c: {  	[sflag:s18] =	ssyncset.done $0x0  }
0x11d: {  	s13 =	rddreg [dreg:$0x18];
	[sflag:s18] =	ssyncadd.s32 $0xFFFFE000  }
0x11e: {  	[spmem:s3] =	stream.indirect.scatter.add.f32 [tilespmem:s16], [sflag:$0x4], $0x40, s13, s15, $0xb8;
	[tilespmem:$0x1D800] =	vst v63  }
0x11f: {  	_ =	swait.ge [sflag:s25], $0x2000  }
0x120: {  	[sflag:s25] =	ssyncset.done $0x0  }
0x121: {  	[sflag:s25] =	ssyncadd.s32 $0xFFFFE000  }
0x122: {  	[tilespmem:s19], [sflag:$0x3] =	stream.indirect.gather [spmem:s2], $0x40, s26, s15, $0xb8;
	[tilespmem:$0x1D800] =	vst v63  }
0x123: {  	v2 =	vld [tilespmem:$0xC80];
	_ =	sdelay $0x7  }
0x124: {  	[tilespmem:v2+s20+$0x0] =	vst.idx.add.f32.msk $0xffff, v1  }
0x125: {  	v2 =	vld [tilespmem:$0xC90];
	_ =	sdelay $0x7  }
0x126: {  	[tilespmem:v2+s20+$0x0] =	vst.idx.add.f32.msk $0xffff, v1  }
0x127: {  	v2 =	vld [tilespmem:$0xCA0];
	_ =	sdelay $0x7  }
0x128: {  	[tilespmem:v2+s20+$0x0] =	vst.idx.add.f32.msk $0xffff, v1  }
0x129: {  	v2 =	vld [tilespmem:$0xCB0];
	_ =	sdelay $0x7  }
0x12a: {  	[tilespmem:v2+s20+$0x0] =	vst.idx.add.f32.msk $0xffff, v1  }
0x12b: {  	v2 =	vld [tilespmem:$0xCC0];
	_ =	sdelay $0x7  }
0x12c: {  	[tilespmem:v2+s20+$0x0] =	vst.idx.add.f32.msk $0xffff, v1  }
0x12d: {  	v2 =	vld [tilespmem:$0xCD0];
	_ =	sdelay $0x7  }
0x12e: {  	[tilespmem:v2+s20+$0x0] =	vst.idx.add.f32.msk $0xffff, v1  }
0x12f: {  	v2 =	vld [tilespmem:$0xCE0];
	_ =	sdelay $0x7  }
0x130: {  	[tilespmem:v2+s20+$0x0] =	vst.idx.add.f32.msk $0xffff, v1  }
0x131: {  	v2 =	vld [tilespmem:$0xCF0];
	_ =	sdelay $0x7  }
0x132: {  	[tilespmem:v2+s20+$0x0] =	vst.idx.add.f32.msk $0xffff, v1  }
0x133: {  	_ =	swait.ge [sflag:s21], $0x2000  }
0x134: {  	[sflag:s21] =	ssyncset.done $0x0  }
0x135: {  	[sflag:s21] =	ssyncadd.s32 $0xFFFFE000  }
0x136: {  	[spmem:s3] =	stream.indirect.scatter.add.f32 [tilespmem:s17], [sflag:$0x5], $0x40, s28, s15, $0xb8;
	[tilespmem:$0x1D800] =	vst v63  }
0x137: {  	_ =	swait.ge [sflag:s22], $0x2000  }
0x138: {  	[sflag:s22] =	ssyncset.done $0x0  }
0x139: {  	[sflag:s22] =	ssyncadd.s32 $0xFFFFE000  }
0x13a: {  	[tilespmem:s16], [sflag:$0x1] =	stream.indirect.gather [spmem:s2], $0x40, s29, s15, $0xb8;
	[tilespmem:$0x1D800] =	vst v63  }
0x13b: {  	v2 =	vld [tilespmem:$0xD00];
	_ =	sdelay $0x7  }
0x13c: {  	[tilespmem:v2+s20+$0x0] =	vst.idx.add.f32.msk $0xffff, v1  }
0x13d: {  	v2 =	vld [tilespmem:$0xD10];
	_ =	sdelay $0x7  }
0x13e: {  	[tilespmem:v2+s20+$0x0] =	vst.idx.add.f32.msk $0xffff, v1  }
0x13f: {  	v2 =	vld [tilespmem:$0xD20];
	_ =	sdelay $0x7  }
0x140: {  	[tilespmem:v2+s20+$0x0] =	vst.idx.add.f32.msk $0xffff, v1  }
0x141: {  	v2 =	vld [tilespmem:$0xD30];
	_ =	sdelay $0x7  }
0x142: {  	[tilespmem:v2+s20+$0x0] =	vst.idx.add.f32.msk $0xffff, v1  }
0x143: {  	v2 =	vld [tilespmem:$0xD40];
	_ =	sdelay $0x7  }
0x144: {  	[tilespmem:v2+s20+$0x0] =	vst.idx.add.f32.msk $0xffff, v1  }
0x145: {  	v2 =	vld [tilespmem:$0xD50];
	_ =	sdelay $0x7  }
0x146: {  	[tilespmem:v2+s20+$0x0] =	vst.idx.add.f32.msk $0xffff, v1  }
0x147: {  	v2 =	vld [tilespmem:$0xD60];
	_ =	sdelay $0x7  }
0x148: {  	[tilespmem:v2+s20+$0x0] =	vst.idx.add.f32.msk $0xffff, v1  }
0x149: {  	v2 =	vld [tilespmem:$0xD70];
	_ =	sdelay $0x7  }
0x14a: {  	[tilespmem:v2+s20+$0x0] =	vst.idx.add.f32.msk $0xffff, v1  }
0x14b: {  	_ =	swait.ge [sflag:s23], $0x2000  }
0x14c: {  	[sflag:s23] =	ssyncset.done $0x0  }
0x14d: {  	[sflag:s23] =	ssyncadd.s32 $0xFFFFE000  }
0x14e: {  	[spmem:s3] =	stream.indirect.scatter.add.f32 [tilespmem:s19], [sflag:$0x6], $0x40, s30, s15, $0xb8;
	[tilespmem:$0x1D800] =	vst v63  }
0x14f: {  	_ =	swait.ge [sflag:s24], $0x2000  }
0x150: {  	[sflag:s24] =	ssyncset.done $0x0  }
0x151: {  	[sflag:s24] =	ssyncadd.s32 $0xFFFFE000  }
0x152: {  	[tilespmem:s17], [sflag:$0x2] =	stream.indirect.gather [spmem:s2], $0x40, s31, s15, $0xb8;
	[tilespmem:$0x1D800] =	vst v63  }
0x153: {  	v2 =	vld [tilespmem:$0xD80];
	_ =	sdelay $0x7  }
0x154: {  	[tilespmem:v2+s20+$0x0] =	vst.idx.add.f32.msk $0xffff, v1  }
0x155: {  	v2 =	vld [tilespmem:$0xD90];
	_ =	sdelay $0x7  }
0x156: {  	[tilespmem:v2+s20+$0x0] =	vst.idx.add.f32.msk $0xffff, v1  }
0x157: {  	v2 =	vld [tilespmem:$0xDA0];
	_ =	sdelay $0x7  }
0x158: {  	[tilespmem:v2+s20+$0x0] =	vst.idx.add.f32.msk $0xffff, v1  }
0x159: {  	v2 =	vld [tilespmem:$0xDB0];
	_ =	sdelay $0x7  }
0x15a: {  	[tilespmem:v2+s20+$0x0] =	vst.idx.add.f32.msk $0xffff, v1  }
0x15b: {  	v2 =	vld [tilespmem:$0xDC0];
	_ =	sdelay $0x7  }
0x15c: {  	[tilespmem:v2+s20+$0x0] =	vst.idx.add.f32.msk $0xffff, v1  }
0x15d: {  	v2 =	vld [tilespmem:$0xDD0];
	_ =	sdelay $0x7  }
0x15e: {  	[tilespmem:v2+s20+$0x0] =	vst.idx.add.f32.msk $0xffff, v1  }
0x15f: {  	v2 =	vld [tilespmem:$0xDE0];
	_ =	sdelay $0x7  }
0x160: {  	[tilespmem:v2+s20+$0x0] =	vst.idx.add.f32.msk $0xffff, v1  }
0x161: {  	v2 =	vld [tilespmem:$0xDF0];
	_ =	sdelay $0x7  }
0x162: {  	[tilespmem:v2+s20+$0x0] =	vst.idx.add.f32.msk $0xffff, v1  }
0x163: {  	_ =	swait.ge [sflag:s18], $0x2000  }
0x164: {  	[sflag:s18] =	ssyncset.done $0x0  }
0x165: {  	[sflag:s18] =	ssyncadd.s32 $0xFFFFE000  }
0x166: {  	[spmem:s3] =	stream.indirect.scatter.add.f32 [tilespmem:s16], [sflag:$0x4], $0x40, s1, s15, $0xb8;
	[tilespmem:$0x1D800] =	vst v63  }
0x167: {  	_ =	swait.ge [sflag:s25], $0x2000  }
0x168: {  	[sflag:s25] =	ssyncset.done $0x0  }
0x169: {  	[sflag:s25] =	ssyncadd.s32 $0xFFFFE000  }
0x16a: {  	[tilespmem:s19], [sflag:$0x3] =	stream.indirect.gather [spmem:s2], $0x40, s0, s15, $0xb8;
	[tilespmem:$0x1D800] =	vst v63  }
0x16b: {  	v2 =	vld [tilespmem:$0xE00];
	_ =	sdelay $0x7  }
0x16c: {  	[tilespmem:v2+s20+$0x0] =	vst.idx.add.f32.msk $0xffff, v1  }
0x16d: {  	v2 =	vld [tilespmem:$0xE10];
	_ =	sdelay $0x7  }
0x16e: {  	[tilespmem:v2+s20+$0x0] =	vst.idx.add.f32.msk $0xffff, v1  }
0x16f: {  	v2 =	vld [tilespmem:$0xE20];
	_ =	sdelay $0x7  }
0x170: {  	[tilespmem:v2+s20+$0x0] =	vst.idx.add.f32.msk $0xffff, v1  }
0x171: {  	v2 =	vld [tilespmem:$0xE30];
	_ =	sdelay $0x7  }
0x172: {  	[tilespmem:v2+s20+$0x0] =	vst.idx.add.f32.msk $0xffff, v1  }
0x173: {  	v2 =	vld [tilespmem:$0xE40];
	_ =	sdelay $0x7  }
0x174: {  	[tilespmem:v2+s20+$0x0] =	vst.idx.add.f32.msk $0xffff, v1  }
0x175: {  	v2 =	vld [tilespmem:$0xE50];
	_ =	sdelay $0x7  }
0x176: {  	[tilespmem:v2+s20+$0x0] =	vst.idx.add.f32.msk $0xffff, v1  }
0x177: {  	v2 =	vld [tilespmem:$0xE60];
	_ =	sdelay $0x7  }
0x178: {  	[tilespmem:v2+s20+$0x0] =	vst.idx.add.f32.msk $0xffff, v1  }
0x179: {  	v2 =	vld [tilespmem:$0xE70];
	_ =	sdelay $0x7  }
0x17a: {  	[tilespmem:v2+s20+$0x0] =	vst.idx.add.f32.msk $0xffff, v1  }
0x17b: {  	_ =	swait.ge [sflag:s21], $0x2000  }
0x17c: {  	[sflag:s21] =	ssyncset.done $0x0  }
0x17d: {  	[sflag:s21] =	ssyncadd.s32 $0xFFFFE000  }
0x17e: {  	[spmem:s3] =	stream.indirect.scatter.add.f32 [tilespmem:s17], [sflag:$0x5], $0x40, s5, s15, $0xb8;
	[tilespmem:$0x1D800] =	vst v63  }
0x17f: {  	_ =	swait.ge [sflag:s22], $0x2000  }
0x180: {  	[sflag:s22] =	ssyncset.done $0x0  }
0x181: {  	[sflag:s22] =	ssyncadd.s32 $0xFFFFE000  }
0x182: {  	[tilespmem:s16], [sflag:$0x1] =	stream.indirect.gather [spmem:s2], $0x40, s6, s15, $0xb8;
	[tilespmem:$0x1D800] =	vst v63  }
0x183: {  	v2 =	vld [tilespmem:$0xE80];
	_ =	sdelay $0x7  }
0x184: {  	[tilespmem:v2+s20+$0x0] =	vst.idx.add.f32.msk $0xffff, v1  }
0x185: {  	v2 =	vld [tilespmem:$0xE90];
	_ =	sdelay $0x7  }
0x186: {  	[tilespmem:v2+s20+$0x0] =	vst.idx.add.f32.msk $0xffff, v1  }
0x187: {  	v2 =	vld [tilespmem:$0xEA0];
	_ =	sdelay $0x7  }
0x188: {  	[tilespmem:v2+s20+$0x0] =	vst.idx.add.f32.msk $0xffff, v1  }
0x189: {  	v2 =	vld [tilespmem:$0xEB0];
	_ =	sdelay $0x7  }
0x18a: {  	[tilespmem:v2+s20+$0x0] =	vst.idx.add.f32.msk $0xffff, v1  }
0x18b: {  	v2 =	vld [tilespmem:$0xEC0];
	_ =	sdelay $0x7  }
0x18c: {  	[tilespmem:v2+s20+$0x0] =	vst.idx.add.f32.msk $0xffff, v1  }
0x18d: {  	v2 =	vld [tilespmem:$0xED0];
	_ =	sdelay $0x7  }
0x18e: {  	[tilespmem:v2+s20+$0x0] =	vst.idx.add.f32.msk $0xffff, v1  }
0x18f: {  	v2 =	vld [tilespmem:$0xEE0];
	_ =	sdelay $0x7  }
0x190: {  	[tilespmem:v2+s20+$0x0] =	vst.idx.add.f32.msk $0xffff, v1  }
0x191: {  	v2 =	vld [tilespmem:$0xEF0];
	_ =	sdelay $0x7  }
0x192: {  	[tilespmem:v2+s20+$0x0] =	vst.idx.add.f32.msk $0xffff, v1  }
0x193: {  	_ =	swait.ge [sflag:s23], $0x2000  }
0x194: {  	[sflag:s23] =	ssyncset.done $0x0  }
0x195: {  	[sflag:s23] =	ssyncadd.s32 $0xFFFFE000  }
0x196: {  	[spmem:s3] =	stream.indirect.scatter.add.f32 [tilespmem:s19], [sflag:$0x6], $0x40, s8, s15, $0xb8;
	[tilespmem:$0x1D800] =	vst v63  }
0x197: {  	v2 =	vld [tilespmem:$0xF00];
	_ =	sdelay $0x7  }
0x198: {  	[tilespmem:v2+s20+$0x0] =	vst.idx.add.f32.msk $0xffff, v1  }
0x199: {  	v2 =	vld [tilespmem:$0xF10];
	_ =	sdelay $0x7  }
0x19a: {  	[tilespmem:v2+s20+$0x0] =	vst.idx.add.f32.msk $0xffff, v1  }
0x19b: {  	v2 =	vld [tilespmem:$0xF20];
	_ =	sdelay $0x7  }
0x19c: {  	[tilespmem:v2+s20+$0x0] =	vst.idx.add.f32.msk $0xffff, v1  }
0x19d: {  	v2 =	vld [tilespmem:$0xF30];
	_ =	sdelay $0x7  }
0x19e: {  	[tilespmem:v2+s20+$0x0] =	vst.idx.add.f32.msk $0xffff, v1  }
0x19f: {  	v2 =	vld [tilespmem:$0xF40];
	_ =	sdelay $0x7  }
0x1a0: {  	[tilespmem:v2+s20+$0x0] =	vst.idx.add.f32.msk $0xffff, v1  }
0x1a1: {  	v2 =	vld [tilespmem:$0xF50];
	_ =	sdelay $0x7  }
0x1a2: {  	[tilespmem:v2+s20+$0x0] =	vst.idx.add.f32.msk $0xffff, v1  }
0x1a3: {  	v2 =	vld [tilespmem:$0xF60];
	_ =	sdelay $0x7  }
0x1a4: {  	[tilespmem:v2+s20+$0x0] =	vst.idx.add.f32.msk $0xffff, v1  }
0x1a5: {  	v2 =	vld [tilespmem:$0xF70];
	_ =	sdelay $0x7  }
0x1a6: {  	[tilespmem:v2+s20+$0x0] =	vst.idx.add.f32.msk $0xffff, v1  }
0x1a7: {  	_ =	swait.ge [sflag:s18], $0x2000  }
0x1a8: {  	[sflag:s18] =	ssyncset.done $0x0  }
0x1a9: {  	[sflag:s18] =	ssyncadd.s32 $0xFFFFE000  }
0x1aa: {  	[spmem:s3] =	stream.indirect.scatter.add.f32 [tilespmem:s16], [sflag:$0x4], $0x40, s9, s15, $0xb8;
	[tilespmem:$0x1D800] =	vst v63  }
0x1ab: {  	v2 =	vld [tilespmem:$0xF80];
	_ =	sdelay $0x7  }
0x1ac: {  	[tilespmem:v2+s20+$0x0] =	vst.idx.add.f32.msk $0xffff, v1  }
0x1ad: {  	v2 =	vld [tilespmem:$0xF90];
	_ =	sdelay $0x7  }
0x1ae: {  	[tilespmem:v2+s20+$0x0] =	vst.idx.add.f32.msk $0xffff, v1  }
0x1af: {  	v2 =	vld [tilespmem:$0xFA0];
	_ =	sdelay $0x7  }
0x1b0: {  	[tilespmem:v2+s20+$0x0] =	vst.idx.add.f32.msk $0xffff, v1  }
0x1b1: {  	v2 =	vld [tilespmem:$0xFB0];
	_ =	sdelay $0x7  }
0x1b2: {  	[tilespmem:v2+s20+$0x0] =	vst.idx.add.f32.msk $0xffff, v1  }
0x1b3: {  	v2 =	vld [tilespmem:$0xFC0];
	_ =	sdelay $0x7  }
0x1b4: {  	[tilespmem:v2+s20+$0x0] =	vst.idx.add.f32.msk $0xffff, v1  }
0x1b5: {  	v2 =	vld [tilespmem:$0xFD0];
	_ =	sdelay $0x7  }
0x1b6: {  	[tilespmem:v2+s20+$0x0] =	vst.idx.add.f32.msk $0xffff, v1  }
0x1b7: {  	v2 =	vld [tilespmem:$0xFE0];
	_ =	sdelay $0x7  }
0x1b8: {  	[tilespmem:v2+s20+$0x0] =	vst.idx.add.f32.msk $0xffff, v1  }
0x1b9: {  	v2 =	vld [tilespmem:$0xFF0];
	_ =	sdelay $0x7  }
0x1ba: {  	[tilespmem:v2+s20+$0x0] =	vst.idx.add.f32.msk $0xffff, v1  }
0x1bb: {  	_ =	swait.ge [sflag:s24], $0x2000  }
0x1bc: {  	[sflag:s24] =	ssyncset.done $0x0  }
0x1bd: {  	[sflag:s24] =	ssyncadd.s32 $0xFFFFE000  }
0x1be: {  	p0 =	sne.s32 s11, $0x900;
	_ =	swait.ge [sflag:s25], $0x2000  }
.Ltmp1:
0x1bf: {  	[sflag:s25] =	ssyncset.done $0x0;
	(pc) =	sbr.rel @p0 .LBB2_4-.Ltmp1, $4  }
0x1c0: {  	[sflag:s25] =	ssyncadd.s32 $0xFFFFE000  }
0x1c1: {  	_ =	swait.ge [sflag:s22], $0x2000  }
0x1c2: {  	[sflag:s22] =	ssyncset.done $0x0  }
0x1c3: {  	s11 =	sadd.s32 $0x100, s11;
	[sflag:s22] =	ssyncadd.s32 $0xFFFFE000  }
0x1c4: {  	s11 =	rddreg [dreg:$0x1b]  }
0x1c5: {  	[hbm4b:s11+s4] =	stream.linear.scatter [tilespmem:s20], [sflag:$0x7], $0x2800, $0x38;
	[tilespmem:$0x1D800] =	vst v63  }
0x1c6: {  	_ =	swait.ge [sflag:s12], $0x2800  }
0x1c7: {  	[sflag:s12] =	ssyncset.done $0x0  }
0x1c8: {  	[sflag:s12] =	ssyncadd.s32 $0xFFFFD800  }
0x1c9: {  	[bflag:$0x0] =	sbarrier.arrive $0xFFFF  }
0x1ca: {  	s26 =	rddreg [dreg:$0x1c]  }
0x1cb: {  	s13 =	rddreg [dreg:$0x1f]  }
0x1cc: {  	[hbm:s26], [sflag:s7] =	dma.local [spmem:s13], $0x1400  }
0x1cd: {  	_ =	swait.ge [sflag:s12], $0x1400  }
0x1ce: {  	s10 =	sadd.s32 $0x1, s10;
	s26 =	rddreg [dreg:$0x1d]  }
0x1cf: {  	p0 =	sne.s32 s10, s26  }
.Ltmp2:
0x1d0: {  	_ = 	snop;
	(pc) =	sbr.rel @p0 .LBB2_1-.Ltmp2, $3  }
0x1d1: {  	_ =	sdelay $0x1  }
0x1d2: {  	[sflag:s12] =	ssyncset.done $0x0  }
0x1d3: {  	[sflag:s12] =	ssyncadd.s32 $0xFFFFEC00  }
0x1d4: {  	_ =	sfence.sel $0x180000  }
0x1d5: {  	[bflag:$0x0] =	sbarrier.arrive $0xFFFF  }
0x1d6: {  	_ =	strace $0x90000047  }
0x1d7: {  	s0 =	stileid.u32;
	[bflag:$0x2] =	sbarrier.arrive $0xFFFF  }
0x1d8: {  	p0 =	sne.s32 s0, $0x0;
	s0 =	rddreg [dreg:$0x4]  }
0x1d9: {  	s0 =	sadd.s32 @!p0 $0x100000, s0  }
0x1da: {  	[sflag:s0] =	ssyncadd.tile.s32 @!p0 $0x1;
	_ =	shalt  }
.Lfunc_end2:
_tile_overlayer_lowered:
.L_overlay_start_2:
0x1db: {  	(tag) =	ssettag $0x2  }
0x1dc: {  	s0 =	rddreg [dreg:$0x0];
	s2 =	stileid.u32  }
0x1dd: {  	s1 =	rddreg [dreg:$0x1];
	p0 =	sne.s32 s2, $0x0  }
0x1de: {  	s3 =	rddreg [dreg:$0x2];
	[bflag:$0x3] =	sbarrier.arrive $0xFFFF;
	s2 =	simm.s32 @!p0 $0x1C07  }
0x1df: {  	[timem:s3], [sflag:s2] =	dma.local @!p0 [hbm:s0], s1  }
0x1e0: {  	s0 =	simm.s32 @!p0 $0x7  }
0x1e1: {  	_ =	swait.ge @!p0 [sflag:s0], s1  }
0x1e2: {  	s1 =	ssub.s32 @!p0 $0x0, s1;
	[sflag:s0] =	ssyncset.done @!p0 $0x0  }
0x1e3: {  	[sflag:s0] =	ssyncadd.s32 @!p0 s1  }
0x1e4: {  	[bflag:$0x3] =	sbarrier.arrive $0xFFFF  }
0x1e5: {  	_ =	shalt  }

</sc_bundles>
